<compile_context>
chip_gen: v7x
topology: tpu7x:2x2x1
jax: 0.10.2.dev20260603
libtpu: 0.0.44.dev20260713+nightly
codegen_flags: <defaults>
</compile_context>

<pallas_src>
import functools

import jax
import jax.numpy as jnp
from jax import lax
from jax.experimental import pallas as pl
from jax.experimental.pallas import tpu as pltpu
from jax.experimental.pallas import tpu_sc as plsc

N = 10000
E = 320000
F_IN = 128
F_HID = 256
F_OUT = 64

NC = 2
NS = 16
NW = NC * NS
EPW = E // NW
K = 40
NCHUNK = EPW // K
GROUP = 5
NG = NCHUNK // GROUP
R0 = 624
R1 = N - 15 * R0


def _rowwise_copy(s, mk_src, mk_dst):

    @pl.when(s < 15)
    def _():
        pltpu.sync_copy(mk_src(s * R0, R0), mk_dst(s * R0, R0))

    @pl.when(s == 15)
    def _():
        pltpu.sync_copy(mk_src(15 * R0, R1), mk_dst(15 * R0, R1))

@functools.cache
def _get_sc_degree():
    mesh = plsc.VectorSubcoreMesh(core_axis_name="c", subcore_axis_name="s")

    @functools.partial(
        pl.kernel,
        out_type=jax.ShapeDtypeStruct((2 * N, 8), jnp.float32),
        mesh=mesh,
        scratch_types=[
            pltpu.VMEM((NCHUNK, K), jnp.int32),
            pltpu.VMEM((K, 8), jnp.float32),
            pltpu.VMEM_SHARED((N, 8), jnp.float32),
            pltpu.SemaphoreType.DMA,
        ],
        compiler_params=pltpu.CompilerParams(use_tc_tiling_on_sc=False),
    )
    def _sc_degree(dst3_hbm, ones_hbm, out_hbm, didx, ones_v, acc_sh, ssem):
        c = lax.axis_index("c")
        s = lax.axis_index("s")
        wid = c * NS + s
        pltpu.sync_copy(dst3_hbm.at[wid], didx)
        _rowwise_copy(s, lambda o, n: ones_hbm.at[pl.ds(o, n)],
                      lambda o, n: acc_sh.at[pl.ds(o, n)])
        pltpu.sync_copy(ones_hbm.at[pl.ds(0, K)], ones_v)
        plsc.subcore_barrier()

        def scatters(g, issue):
            for b in range(GROUP):
                d = pltpu.make_async_copy(
                    ones_v, acc_sh.at[didx.at[g * GROUP + b]], ssem)
                d.start(add=True) if issue else d.wait()

        def body(g, carry):
            scatters(g, True)
            scatters(g, False)
            return carry

        lax.fori_loop(0, NG, body, 0)
        plsc.subcore_barrier()
        _rowwise_copy(s, lambda o, n: acc_sh.at[pl.ds(o, n)],
                      lambda o, n: out_hbm.at[pl.ds(c * N + o, n)])

    return _sc_degree


RING = 5


@functools.cache
def _make_sc_prop(F, k, dtype):
    nchunk = EPW // k
    assert nchunk % RING == 0
    mesh = plsc.VectorSubcoreMesh(core_axis_name="c", subcore_axis_name="s")

    @functools.partial(
        pl.kernel,
        out_type=jax.ShapeDtypeStruct((2 * N, F), dtype),
        mesh=mesh,
        scratch_types=[
            pltpu.VMEM((nchunk, k), jnp.int32),
            pltpu.VMEM((nchunk, k), jnp.int32),
            pltpu.VMEM((RING, k, F), dtype),
            pltpu.VMEM_SHARED((N, F), dtype),
            [pltpu.SemaphoreType.DMA] * RING,
            [pltpu.SemaphoreType.DMA] * RING,
        ],
        compiler_params=pltpu.CompilerParams(use_tc_tiling_on_sc=False),
    )
    def _sc_prop(feat_hbm, src3_hbm, dst3_hbm, out_hbm,
                 sidx, didx, rows, acc_sh, gsems, ssems):
        c = lax.axis_index("c")
        s = lax.axis_index("s")
        wid = c * NS + s
        pltpu.sync_copy(src3_hbm.at[wid], sidx)
        pltpu.sync_copy(dst3_hbm.at[wid], didx)
        _rowwise_copy(s, lambda o, n: feat_hbm.at[pl.ds(o, n)],
                      lambda o, n: acc_sh.at[pl.ds(o, n)])
        plsc.subcore_barrier()

        def gather(b, chunk):
            return pltpu.make_async_copy(
                feat_hbm.at[sidx.at[chunk]], rows.at[b], gsems[b])

        def scatter(b, chunk):
            return pltpu.make_async_copy(
                rows.at[b], acc_sh.at[didx.at[chunk]], ssems[b])

        for b in range(RING):
            gather(b, b).start()

        def body(i, carry):
            for b in range(RING):
                chunk = i * RING + b
                gather(b, chunk).wait()
                scatter(b, chunk).start(add=True)

                @pl.when(chunk + RING < nchunk)
                def _():
                    scatter(b, chunk).wait()
                    gather(b, chunk + RING).start()
            return carry

        lax.fori_loop(0, nchunk // RING, body, 0)
        for b in range(RING):
            scatter(b, nchunk - RING + b).wait()
        plsc.subcore_barrier()
        _rowwise_copy(s, lambda o, n: acc_sh.at[pl.ds(o, n)],
                      lambda o, n: out_hbm.at[pl.ds(c * N + o, n)])

    return _sc_prop


_B = 2000


def _tc_prep_body(deg_ref, x_ref, d_ref, x1_ref):
    deg = deg_ref[0] + deg_ref[1] - 1.0
    d = lax.rsqrt(deg)
    d_ref[...] = d
    x1_ref[...] = (x_ref[...] * d[:, :1]).astype(jnp.bfloat16)


def _tc_prep(deg_par, x):
    return pl.pallas_call(
        _tc_prep_body,
        grid=(N // _B,),
        in_specs=[
            pl.BlockSpec((2, _B, 8), lambda i: (0, i, 0)),
            pl.BlockSpec((_B, F_IN), lambda i: (i, 0)),
        ],
        out_specs=[
            pl.BlockSpec((_B, 8), lambda i: (i, 0)),
            pl.BlockSpec((_B, F_IN), lambda i: (i, 0)),
        ],
        out_shape=[
            jax.ShapeDtypeStruct((N, 8), jnp.float32),
            jax.ShapeDtypeStruct((N, F_IN), jnp.bfloat16),
        ],
    )(deg_par, x)


def _tc_mid_body(p1_ref, x1_ref, d_ref, W1_ref, b1_ref, W2_ref, t2_ref):
    d = d_ref[:, :1]
    p1 = (p1_ref[0].astype(jnp.float32) + p1_ref[1].astype(jnp.float32)
          - x1_ref[...].astype(jnp.float32)) * d
    h1 = jnp.dot(p1, W1_ref[...], preferred_element_type=jnp.float32)
    h1 = jnp.maximum(h1 + b1_ref[...], 0.0)
    t2 = jnp.dot(h1, W2_ref[...], preferred_element_type=jnp.float32)
    t2_ref[...] = (t2 * d).astype(jnp.bfloat16)


def _tc_mid(p1_par, x1, d8, W1, b1, W2):
    return pl.pallas_call(
        _tc_mid_body,
        grid=(N // _B,),
        in_specs=[
            pl.BlockSpec((2, _B, F_IN), lambda i: (0, i, 0)),
            pl.BlockSpec((_B, F_IN), lambda i: (i, 0)),
            pl.BlockSpec((_B, 8), lambda i: (i, 0)),
            pl.BlockSpec((F_IN, F_HID), lambda i: (0, 0)),
            pl.BlockSpec((1, F_HID), lambda i: (0, 0)),
            pl.BlockSpec((F_HID, F_OUT), lambda i: (0, 0)),
        ],
        out_specs=pl.BlockSpec((_B, F_OUT), lambda i: (i, 0)),
        out_shape=jax.ShapeDtypeStruct((N, F_OUT), jnp.bfloat16),
    )(p1_par, x1, d8, W1, b1.reshape(1, F_HID), W2)


def _tc_final_body(p2_ref, t2_ref, d_ref, b2_ref, out_ref):
    d = d_ref[:, :1]
    p2 = (p2_ref[0].astype(jnp.float32) + p2_ref[1].astype(jnp.float32)
          - t2_ref[...].astype(jnp.float32)) * d + b2_ref[...]
    m = jnp.max(p2, axis=1, keepdims=True)
    lse = jnp.log(jnp.sum(jnp.exp(p2 - m), axis=1, keepdims=True))
    out_ref[...] = p2 - m - lse


def _tc_final(p2_par, t2, d8, b2):
    return pl.pallas_call(
        _tc_final_body,
        grid=(N // _B,),
        in_specs=[
            pl.BlockSpec((2, _B, F_OUT), lambda i: (0, i, 0)),
            pl.BlockSpec((_B, F_OUT), lambda i: (i, 0)),
            pl.BlockSpec((_B, 8), lambda i: (i, 0)),
            pl.BlockSpec((1, F_OUT), lambda i: (0, 0)),
        ],
        out_specs=pl.BlockSpec((_B, F_OUT), lambda i: (i, 0)),
        out_shape=jax.ShapeDtypeStruct((N, F_OUT), jnp.float32),
    )(p2_par, t2, d8, b2.reshape(1, F_OUT))


def kernel(x, block, W1, b1, W2, b2):
    dst40 = block[1].reshape(NW, EPW // 40, 40)
    src80 = block[0].reshape(NW, EPW // 80, 80)
    dst80 = block[1].reshape(NW, EPW // 80, 80)
    ones8 = jnp.ones((N, 8), dtype=jnp.float32)

    deg_par = _get_sc_degree()(dst40, ones8).reshape(2, N, 8)
    d8, x1 = _tc_prep(deg_par, x)
    p1_par = _make_sc_prop(F_IN, 80, jnp.bfloat16)(
        x1, src80, dst80).reshape(2, N, F_IN)
    t2 = _tc_mid(p1_par, x1, d8, W1, b1, W2)
    p2_par = _make_sc_prop(F_OUT, 80, jnp.bfloat16)(
        t2, src80, dst80).reshape(2, N, F_OUT)
    return _tc_final(p2_par, t2, d8, b2)

# --- scband reference (transcript-rebuilt; emitter-appended) ---
"""Pipeline reference for scband-gcn-31490700214329 (READ-ONLY COPY).

The authoritative reference and input builder live on the scoring server;
editing this copy changes nothing except your own understanding.
"""

import jax, jax.numpy as jnp
import numpy as np

N = 10000
E = 320000
F_IN = 128
F_HID = 256
F_OUT = 64


def _glorot(key, shape):
    limit = np.sqrt(6.0 / (shape[0] + shape[1]))
    return jax.random.uniform(key, shape, minval=-limit, maxval=limit, dtype=jnp.float32)


def setup_inputs(seed: int = 0) -> dict:
    key = jax.random.key(seed)
    k1, k2, k3, k4 = jax.random.split(key, 4)
    x = jax.random.normal(k1, (N, F_IN), dtype=jnp.float32)
    # int64 per spec; jax without x64 stores int32, which is fine for N=10000
    block = jax.random.randint(k2, (2, E), 0, N, dtype=jnp.int32)
    W1 = _glorot(k3, (F_IN, F_HID))
    b1 = jnp.zeros((F_HID,), dtype=jnp.float32)
    W2 = _glorot(k4, (F_HID, F_OUT))
    b2 = jnp.zeros((F_OUT,), dtype=jnp.float32)
    return {"x": x, "block": block, "W1": W1, "b1": b1, "W2": W2, "b2": b2}


def _gcn_conv(x, edge_index, W, b, num_nodes):
    # PyG GCNConv: add self loops, symmetric normalization, propagate, bias
    src = edge_index[0]
    dst = edge_index[1]
    loop = jnp.arange(num_nodes, dtype=src.dtype)
    src = jnp.concatenate([src, loop])
    dst = jnp.concatenate([dst, loop])
    ones = jnp.ones(src.shape[0], dtype=x.dtype)
    deg = jnp.zeros((num_nodes,), dtype=x.dtype).at[dst].add(ones)
    deg_inv_sqrt = jnp.where(deg > 0, jax.lax.rsqrt(jnp.maximum(deg, 1e-12)), 0.0)
    norm = deg_inv_sqrt[src] * deg_inv_sqrt[dst]
    h = x @ W
    msg = h[src] * norm[:, None]  # gather
    out = jnp.zeros((num_nodes, h.shape[1]), dtype=x.dtype).at[dst].add(msg)  # scatter-add
    return out + b


def reference(x, block, W1, b1, W2, b2):
    # layer 1
    h = _gcn_conv(x, block, W1, b1, N)
    h = jax.nn.relu(h)
    # F.dropout is identity at inference (training=False)
    # layer 2 (final)
    h = _gcn_conv(h, block, W2, b2, N)
    return jax.nn.log_softmax(h, axis=1)

if __name__ == "__main__":
    import jax
    _d = setup_inputs()
    print(jax.jit(kernel)(*tuple(_d.values())))

</pallas_src>

<mosaic_0001>
#map = affine_map<(d0, d1) -> (0, 0)>
#map1 = affine_map<(d0, d1) -> (0, 0, 0)>
module attributes {stable_mosaic.version = 14 : i64} {
  func.func @_sc_prop(%arg0: i32, %arg1: i32, %arg2: memref<10000x128xbf16, #tpu.memory_space<hbm>>, %arg3: memref<32x125x80xi32, #tpu.memory_space<hbm>>, %arg4: memref<32x125x80xi32, #tpu.memory_space<hbm>>, %arg5: memref<20000x128xbf16, #tpu.memory_space<hbm>>, %arg6: memref<125x80xi32, #tpu.memory_space<vmem>>, %arg7: memref<125x80xi32, #tpu.memory_space<vmem>>, %arg8: memref<5x80x128xbf16, #tpu.memory_space<vmem>>, %arg9: memref<10000x128xbf16, #tpu.memory_space<vmem_shared>>, %arg10: memref<!tpu.dma_semaphore, #tpu.memory_space<semaphore_mem>>, %arg11: memref<!tpu.dma_semaphore, #tpu.memory_space<semaphore_mem>>, %arg12: memref<!tpu.dma_semaphore, #tpu.memory_space<semaphore_mem>>, %arg13: memref<!tpu.dma_semaphore, #tpu.memory_space<semaphore_mem>>, %arg14: memref<!tpu.dma_semaphore, #tpu.memory_space<semaphore_mem>>, %arg15: memref<!tpu.dma_semaphore, #tpu.memory_space<semaphore_mem>>, %arg16: memref<!tpu.dma_semaphore, #tpu.memory_space<semaphore_mem>>, %arg17: memref<!tpu.dma_semaphore, #tpu.memory_space<semaphore_mem>>, %arg18: memref<!tpu.dma_semaphore, #tpu.memory_space<semaphore_mem>>, %arg19: memref<!tpu.dma_semaphore, #tpu.memory_space<semaphore_mem>>) attributes {dimension_semantics = [#tpu.dimension_semantics<core_parallel>, #tpu.dimension_semantics<subcore_parallel>], iteration_bounds = array<i64: 2, 16>, scalar_prefetch = 0 : i64, scratch_operands = 14 : i64, tpu.core_type = #tpu.core_type<sc_vector_subcore>, window_params = [{transform_indices = #map}, {transform_indices = #map1}, {transform_indices = #map1}, {transform_indices = #map}]} {
    %mul3A = arith.constant 16 : i32
    %mul3A_0 = arith.muli %arg0, %mul3A : i32
    %add3A = arith.addi %mul3A_0, %arg1 : i32
    "tpu.region"() ({
      %run_scoped3A = tpu.sem_alloc : memref<!tpu.dma_semaphore, #tpu.memory_space<semaphore_mem>>
      %dma_start3A_141 = arith.constant 0 : i32
      %dma_start3A_142 = arith.constant 0 : i32
      %dma_start3A_143 = tpu.memref_slice %arg3[%add3A, %dma_start3A_141, %dma_start3A_142] : memref<32x125x80xi32, #tpu.memory_space<hbm>> -> memref<1x125x80xi32, #tpu.memory_space<hbm>>
      %dma_start3A_144 = tpu.memref_squeeze %dma_start3A_143 : memref<1x125x80xi32, #tpu.memory_space<hbm>> -> memref<125x80xi32, #tpu.memory_space<hbm>>
      %dma_start3A_145 = arith.constant 0 : i32
      %dma_start3A_146 = arith.constant 0 : i32
      %dma_start3A_147 = tpu.memref_slice %arg3[%add3A, %dma_start3A_145, %dma_start3A_146] : memref<32x125x80xi32, #tpu.memory_space<hbm>> -> memref<1x125x80xi32, #tpu.memory_space<hbm>>
      %dma_start3A_148 = tpu.memref_squeeze %dma_start3A_147 : memref<1x125x80xi32, #tpu.memory_space<hbm>> -> memref<125x80xi32, #tpu.memory_space<hbm>>
      tpu.enqueue_dma source(%dma_start3A_148 : memref<125x80xi32, #tpu.memory_space<hbm>>) target(%arg6 : memref<125x80xi32, #tpu.memory_space<vmem>>) target_semaphore(%run_scoped3A : memref<!tpu.dma_semaphore, #tpu.memory_space<semaphore_mem>>)
      %dma_wait3A_149 = arith.constant 0 : i32
      %dma_wait3A_150 = arith.constant 0 : i32
      %dma_wait3A_151 = tpu.memref_slice %arg3[%add3A, %dma_wait3A_149, %dma_wait3A_150] : memref<32x125x80xi32, #tpu.memory_space<hbm>> -> memref<1x125x80xi32, #tpu.memory_space<hbm>>
      %dma_wait3A_152 = tpu.memref_squeeze %dma_wait3A_151 : memref<1x125x80xi32, #tpu.memory_space<hbm>> -> memref<125x80xi32, #tpu.memory_space<hbm>>
      %dma_wait3A_153 = arith.constant 0 : i32
      %dma_wait3A_154 = arith.constant 0 : i32
      %dma_wait3A_155 = tpu.memref_slice %arg3[%add3A, %dma_wait3A_153, %dma_wait3A_154] : memref<32x125x80xi32, #tpu.memory_space<hbm>> -> memref<1x125x80xi32, #tpu.memory_space<hbm>>
      %dma_wait3A_156 = tpu.memref_squeeze %dma_wait3A_155 : memref<1x125x80xi32, #tpu.memory_space<hbm>> -> memref<125x80xi32, #tpu.memory_space<hbm>>
      tpu.wait_dma2 semaphore(%run_scoped3A : memref<!tpu.dma_semaphore, #tpu.memory_space<semaphore_mem>>) src(%dma_wait3A_156 : memref<125x80xi32, #tpu.memory_space<hbm>>) dst(%arg6 : memref<125x80xi32, #tpu.memory_space<vmem>>)
      tpu.yield
    }) : () -> ()
    "tpu.region"() ({
      %run_scoped3A = tpu.sem_alloc : memref<!tpu.dma_semaphore, #tpu.memory_space<semaphore_mem>>
      %dma_start3A_141 = arith.constant 0 : i32
      %dma_start3A_142 = arith.constant 0 : i32
      %dma_start3A_143 = tpu.memref_slice %arg4[%add3A, %dma_start3A_141, %dma_start3A_142] : memref<32x125x80xi32, #tpu.memory_space<hbm>> -> memref<1x125x80xi32, #tpu.memory_space<hbm>>
      %dma_start3A_144 = tpu.memref_squeeze %dma_start3A_143 : memref<1x125x80xi32, #tpu.memory_space<hbm>> -> memref<125x80xi32, #tpu.memory_space<hbm>>
      %dma_start3A_145 = arith.constant 0 : i32
      %dma_start3A_146 = arith.constant 0 : i32
      %dma_start3A_147 = tpu.memref_slice %arg4[%add3A, %dma_start3A_145, %dma_start3A_146] : memref<32x125x80xi32, #tpu.memory_space<hbm>> -> memref<1x125x80xi32, #tpu.memory_space<hbm>>
      %dma_start3A_148 = tpu.memref_squeeze %dma_start3A_147 : memref<1x125x80xi32, #tpu.memory_space<hbm>> -> memref<125x80xi32, #tpu.memory_space<hbm>>
      tpu.enqueue_dma source(%dma_start3A_148 : memref<125x80xi32, #tpu.memory_space<hbm>>) target(%arg7 : memref<125x80xi32, #tpu.memory_space<vmem>>) target_semaphore(%run_scoped3A : memref<!tpu.dma_semaphore, #tpu.memory_space<semaphore_mem>>)
      %dma_wait3A_149 = arith.constant 0 : i32
      %dma_wait3A_150 = arith.constant 0 : i32
      %dma_wait3A_151 = tpu.memref_slice %arg4[%add3A, %dma_wait3A_149, %dma_wait3A_150] : memref<32x125x80xi32, #tpu.memory_space<hbm>> -> memref<1x125x80xi32, #tpu.memory_space<hbm>>
      %dma_wait3A_152 = tpu.memref_squeeze %dma_wait3A_151 : memref<1x125x80xi32, #tpu.memory_space<hbm>> -> memref<125x80xi32, #tpu.memory_space<hbm>>
      %dma_wait3A_153 = arith.constant 0 : i32
      %dma_wait3A_154 = arith.constant 0 : i32
      %dma_wait3A_155 = tpu.memref_slice %arg4[%add3A, %dma_wait3A_153, %dma_wait3A_154] : memref<32x125x80xi32, #tpu.memory_space<hbm>> -> memref<1x125x80xi32, #tpu.memory_space<hbm>>
      %dma_wait3A_156 = tpu.memref_squeeze %dma_wait3A_155 : memref<1x125x80xi32, #tpu.memory_space<hbm>> -> memref<125x80xi32, #tpu.memory_space<hbm>>
      tpu.wait_dma2 semaphore(%run_scoped3A : memref<!tpu.dma_semaphore, #tpu.memory_space<semaphore_mem>>) src(%dma_wait3A_156 : memref<125x80xi32, #tpu.memory_space<hbm>>) dst(%arg7 : memref<125x80xi32, #tpu.memory_space<vmem>>)
      tpu.yield
    }) : () -> ()
    %lt3A = arith.constant 15 : i32
    %lt3A_1 = arith.cmpi slt, %arg1, %lt3A : i32
    %convert_element_type3A = arith.extui %lt3A_1 : i1 to i32
    %cond3A = arith.constant 0 : i32
    %cond3A_2 = arith.cmpi ne, %convert_element_type3A, %cond3A : i32
    scf.if %cond3A_2 {
      %mul3A_141 = arith.constant 624 : i32
      %mul3A_142 = arith.muli %arg1, %mul3A_141 : i32
      %mul3A_143 = arith.constant 624 : i32
      %mul3A_144 = arith.muli %arg1, %mul3A_143 : i32
      "tpu.region"() ({
        %run_scoped3A = tpu.sem_alloc : memref<!tpu.dma_semaphore, #tpu.memory_space<semaphore_mem>>
        %dma_start3A_145 = arith.constant 0 : i32
        %dma_start3A_146 = tpu.memref_slice %arg9[%mul3A_144, %dma_start3A_145] : memref<10000x128xbf16, #tpu.memory_space<vmem_shared>> -> memref<624x128xbf16, #tpu.memory_space<vmem_shared>>
        %dma_start3A_147 = arith.constant 0 : i32
        %dma_start3A_148 = tpu.memref_slice %arg2[%mul3A_142, %dma_start3A_147] : memref<10000x128xbf16, #tpu.memory_space<hbm>> -> memref<624x128xbf16, #tpu.memory_space<hbm>>
        tpu.enqueue_dma source(%dma_start3A_148 : memref<624x128xbf16, #tpu.memory_space<hbm>>) target(%dma_start3A_146 : memref<624x128xbf16, #tpu.memory_space<vmem_shared>>) target_semaphore(%run_scoped3A : memref<!tpu.dma_semaphore, #tpu.memory_space<semaphore_mem>>)
        %dma_wait3A_149 = arith.constant 0 : i32
        %dma_wait3A_150 = tpu.memref_slice %arg9[%mul3A_144, %dma_wait3A_149] : memref<10000x128xbf16, #tpu.memory_space<vmem_shared>> -> memref<624x128xbf16, #tpu.memory_space<vmem_shared>>
        %dma_wait3A_151 = arith.constant 0 : i32
        %dma_wait3A_152 = tpu.memref_slice %arg2[%mul3A_142, %dma_wait3A_151] : memref<10000x128xbf16, #tpu.memory_space<hbm>> -> memref<624x128xbf16, #tpu.memory_space<hbm>>
        tpu.wait_dma2 semaphore(%run_scoped3A : memref<!tpu.dma_semaphore, #tpu.memory_space<semaphore_mem>>) src(%dma_wait3A_152 : memref<624x128xbf16, #tpu.memory_space<hbm>>) dst(%dma_wait3A_150 : memref<624x128xbf16, #tpu.memory_space<vmem_shared>>)
        tpu.yield
      }) : () -> ()
    } else {
    }
    %eq3A = arith.constant 15 : i32
    %eq3A_3 = arith.cmpi eq, %arg1, %eq3A : i32
    %convert_element_type3A_4 = arith.extui %eq3A_3 : i1 to i32
    %cond3A_5 = arith.constant 0 : i32
    %cond3A_6 = arith.cmpi ne, %convert_element_type3A_4, %cond3A_5 : i32
    scf.if %cond3A_6 {
      "tpu.region"() ({
        %run_scoped3A = tpu.sem_alloc : memref<!tpu.dma_semaphore, #tpu.memory_space<semaphore_mem>>
        %dma_start3A_141 = arith.constant 9360 : i32
        %dma_start3A_142 = arith.constant 0 : i32
        %dma_start3A_143 = tpu.memref_slice %arg9[%dma_start3A_141, %dma_start3A_142] : memref<10000x128xbf16, #tpu.memory_space<vmem_shared>> -> memref<640x128xbf16, #tpu.memory_space<vmem_shared>>
        %dma_start3A_144 = arith.constant 9360 : i32
        %dma_start3A_145 = arith.constant 0 : i32
        %dma_start3A_146 = tpu.memref_slice %arg2[%dma_start3A_144, %dma_start3A_145] : memref<10000x128xbf16, #tpu.memory_space<hbm>> -> memref<640x128xbf16, #tpu.memory_space<hbm>>
        tpu.enqueue_dma source(%dma_start3A_146 : memref<640x128xbf16, #tpu.memory_space<hbm>>) target(%dma_start3A_143 : memref<640x128xbf16, #tpu.memory_space<vmem_shared>>) target_semaphore(%run_scoped3A : memref<!tpu.dma_semaphore, #tpu.memory_space<semaphore_mem>>)
        %dma_wait3A_147 = arith.constant 9360 : i32
        %dma_wait3A_148 = arith.constant 0 : i32
        %dma_wait3A_149 = tpu.memref_slice %arg9[%dma_wait3A_147, %dma_wait3A_148] : memref<10000x128xbf16, #tpu.memory_space<vmem_shared>> -> memref<640x128xbf16, #tpu.memory_space<vmem_shared>>
        %dma_wait3A_150 = arith.constant 9360 : i32
        %dma_wait3A_151 = arith.constant 0 : i32
        %dma_wait3A_152 = tpu.memref_slice %arg2[%dma_wait3A_150, %dma_wait3A_151] : memref<10000x128xbf16, #tpu.memory_space<hbm>> -> memref<640x128xbf16, #tpu.memory_space<hbm>>
        tpu.wait_dma2 semaphore(%run_scoped3A : memref<!tpu.dma_semaphore, #tpu.memory_space<semaphore_mem>>) src(%dma_wait3A_152 : memref<640x128xbf16, #tpu.memory_space<hbm>>) dst(%dma_wait3A_149 : memref<640x128xbf16, #tpu.memory_space<vmem_shared>>)
        tpu.yield
      }) : () -> ()
    } else {
    }
    %barrier3A = arith.constant 0 : index
    tpu.barrier barrier_id(%barrier3A)
    %dma_start3A = arith.constant 0 : i32
    %dma_start3A_7 = arith.constant 0 : i32
    %dma_start3A_8 = arith.constant 0 : i32
    %dma_start3A_9 = arith.constant 0 : i32
    %dma_start3A_10 = tpu.memref_slice %arg8[%dma_start3A_7, %dma_start3A_8, %dma_start3A_9] : memref<5x80x128xbf16, #tpu.memory_space<vmem>> -> memref<1x80x128xbf16, #tpu.memory_space<vmem>>
    %dma_start3A_11 = tpu.memref_squeeze %dma_start3A_10 : memref<1x80x128xbf16, #tpu.memory_space<vmem>> -> memref<80x128xbf16, #tpu.memory_space<vmem>>
    %dma_start3A_12 = arith.constant 0 : i32
    %dma_start3A_13 = tpu.memref_slice %arg6[%dma_start3A, %dma_start3A_12] : memref<125x80xi32, #tpu.memory_space<vmem>> -> memref<1x80xi32, #tpu.memory_space<vmem>>
    %dma_start3A_14 = tpu.memref_squeeze %dma_start3A_13 : memref<1x80xi32, #tpu.memory_space<vmem>> -> memref<80xi32, #tpu.memory_space<vmem>>
    %dma_start3A_15 = arith.constant 0 : i32
    %dma_start3A_16 = arith.constant 0 : i32
    %dma_start3A_17 = tpu.memref_slice %arg2[%dma_start3A_15, %dma_start3A_16] : memref<10000x128xbf16, #tpu.memory_space<hbm>> -> memref<10000x128xbf16, #tpu.memory_space<hbm>>
    tpu.enqueue_indirect_dma source(%dma_start3A_17 : memref<10000x128xbf16, #tpu.memory_space<hbm>>) target(%dma_start3A_11 : memref<80x128xbf16, #tpu.memory_space<vmem>>) offsets(%dma_start3A_14 : memref<80xi32, #tpu.memory_space<vmem>>) semaphore(%arg10 : memref<!tpu.dma_semaphore, #tpu.memory_space<semaphore_mem>>)
    %dma_start3A_18 = arith.constant 1 : i32
    %dma_start3A_19 = arith.constant 1 : i32
    %dma_start3A_20 = arith.constant 0 : i32
    %dma_start3A_21 = arith.constant 0 : i32
    %dma_start3A_22 = tpu.memref_slice %arg8[%dma_start3A_19, %dma_start3A_20, %dma_start3A_21] : memref<5x80x128xbf16, #tpu.memory_space<vmem>> -> memref<1x80x128xbf16, #tpu.memory_space<vmem>>
    %dma_start3A_23 = tpu.memref_squeeze %dma_start3A_22 : memref<1x80x128xbf16, #tpu.memory_space<vmem>> -> memref<80x128xbf16, #tpu.memory_space<vmem>>
    %dma_start3A_24 = arith.constant 0 : i32
    %dma_start3A_25 = tpu.memref_slice %arg6[%dma_start3A_18, %dma_start3A_24] : memref<125x80xi32, #tpu.memory_space<vmem>> -> memref<1x80xi32, #tpu.memory_space<vmem>>
    %dma_start3A_26 = tpu.memref_squeeze %dma_start3A_25 : memref<1x80xi32, #tpu.memory_space<vmem>> -> memref<80xi32, #tpu.memory_space<vmem>>
    %dma_start3A_27 = arith.constant 0 : i32
    %dma_start3A_28 = arith.constant 0 : i32
    %dma_start3A_29 = tpu.memref_slice %arg2[%dma_start3A_27, %dma_start3A_28] : memref<10000x128xbf16, #tpu.memory_space<hbm>> -> memref<10000x128xbf16, #tpu.memory_space<hbm>>
    tpu.enqueue_indirect_dma source(%dma_start3A_29 : memref<10000x128xbf16, #tpu.memory_space<hbm>>) target(%dma_start3A_23 : memref<80x128xbf16, #tpu.memory_space<vmem>>) offsets(%dma_start3A_26 : memref<80xi32, #tpu.memory_space<vmem>>) semaphore(%arg11 : memref<!tpu.dma_semaphore, #tpu.memory_space<semaphore_mem>>)
    %dma_start3A_30 = arith.constant 2 : i32
    %dma_start3A_31 = arith.constant 2 : i32
    %dma_start3A_32 = arith.constant 0 : i32
    %dma_start3A_33 = arith.constant 0 : i32
    %dma_start3A_34 = tpu.memref_slice %arg8[%dma_start3A_31, %dma_start3A_32, %dma_start3A_33] : memref<5x80x128xbf16, #tpu.memory_space<vmem>> -> memref<1x80x128xbf16, #tpu.memory_space<vmem>>
    %dma_start3A_35 = tpu.memref_squeeze %dma_start3A_34 : memref<1x80x128xbf16, #tpu.memory_space<vmem>> -> memref<80x128xbf16, #tpu.memory_space<vmem>>
    %dma_start3A_36 = arith.constant 0 : i32
    %dma_start3A_37 = tpu.memref_slice %arg6[%dma_start3A_30, %dma_start3A_36] : memref<125x80xi32, #tpu.memory_space<vmem>> -> memref<1x80xi32, #tpu.memory_space<vmem>>
    %dma_start3A_38 = tpu.memref_squeeze %dma_start3A_37 : memref<1x80xi32, #tpu.memory_space<vmem>> -> memref<80xi32, #tpu.memory_space<vmem>>
    %dma_start3A_39 = arith.constant 0 : i32
    %dma_start3A_40 = arith.constant 0 : i32
    %dma_start3A_41 = tpu.memref_slice %arg2[%dma_start3A_39, %dma_start3A_40] : memref<10000x128xbf16, #tpu.memory_space<hbm>> -> memref<10000x128xbf16, #tpu.memory_space<hbm>>
    tpu.enqueue_indirect_dma source(%dma_start3A_41 : memref<10000x128xbf16, #tpu.memory_space<hbm>>) target(%dma_start3A_35 : memref<80x128xbf16, #tpu.memory_space<vmem>>) offsets(%dma_start3A_38 : memref<80xi32, #tpu.memory_space<vmem>>) semaphore(%arg12 : memref<!tpu.dma_semaphore, #tpu.memory_space<semaphore_mem>>)
    %dma_start3A_42 = arith.constant 3 : i32
    %dma_start3A_43 = arith.constant 3 : i32
    %dma_start3A_44 = arith.constant 0 : i32
    %dma_start3A_45 = arith.constant 0 : i32
    %dma_start3A_46 = tpu.memref_slice %arg8[%dma_start3A_43, %dma_start3A_44, %dma_start3A_45] : memref<5x80x128xbf16, #tpu.memory_space<vmem>> -> memref<1x80x128xbf16, #tpu.memory_space<vmem>>
    %dma_start3A_47 = tpu.memref_squeeze %dma_start3A_46 : memref<1x80x128xbf16, #tpu.memory_space<vmem>> -> memref<80x128xbf16, #tpu.memory_space<vmem>>
    %dma_start3A_48 = arith.constant 0 : i32
    %dma_start3A_49 = tpu.memref_slice %arg6[%dma_start3A_42, %dma_start3A_48] : memref<125x80xi32, #tpu.memory_space<vmem>> -> memref<1x80xi32, #tpu.memory_space<vmem>>
    %dma_start3A_50 = tpu.memref_squeeze %dma_start3A_49 : memref<1x80xi32, #tpu.memory_space<vmem>> -> memref<80xi32, #tpu.memory_space<vmem>>
    %dma_start3A_51 = arith.constant 0 : i32
    %dma_start3A_52 = arith.constant 0 : i32
    %dma_start3A_53 = tpu.memref_slice %arg2[%dma_start3A_51, %dma_start3A_52] : memref<10000x128xbf16, #tpu.memory_space<hbm>> -> memref<10000x128xbf16, #tpu.memory_space<hbm>>
    tpu.enqueue_indirect_dma source(%dma_start3A_53 : memref<10000x128xbf16, #tpu.memory_space<hbm>>) target(%dma_start3A_47 : memref<80x128xbf16, #tpu.memory_space<vmem>>) offsets(%dma_start3A_50 : memref<80xi32, #tpu.memory_space<vmem>>) semaphore(%arg13 : memref<!tpu.dma_semaphore, #tpu.memory_space<semaphore_mem>>)
    %dma_start3A_54 = arith.constant 4 : i32
    %dma_start3A_55 = arith.constant 4 : i32
    %dma_start3A_56 = arith.constant 0 : i32
    %dma_start3A_57 = arith.constant 0 : i32
    %dma_start3A_58 = tpu.memref_slice %arg8[%dma_start3A_55, %dma_start3A_56, %dma_start3A_57] : memref<5x80x128xbf16, #tpu.memory_space<vmem>> -> memref<1x80x128xbf16, #tpu.memory_space<vmem>>
    %dma_start3A_59 = tpu.memref_squeeze %dma_start3A_58 : memref<1x80x128xbf16, #tpu.memory_space<vmem>> -> memref<80x128xbf16, #tpu.memory_space<vmem>>
    %dma_start3A_60 = arith.constant 0 : i32
    %dma_start3A_61 = tpu.memref_slice %arg6[%dma_start3A_54, %dma_start3A_60] : memref<125x80xi32, #tpu.memory_space<vmem>> -> memref<1x80xi32, #tpu.memory_space<vmem>>
    %dma_start3A_62 = tpu.memref_squeeze %dma_start3A_61 : memref<1x80xi32, #tpu.memory_space<vmem>> -> memref<80xi32, #tpu.memory_space<vmem>>
    %dma_start3A_63 = arith.constant 0 : i32
    %dma_start3A_64 = arith.constant 0 : i32
    %dma_start3A_65 = tpu.memref_slice %arg2[%dma_start3A_63, %dma_start3A_64] : memref<10000x128xbf16, #tpu.memory_space<hbm>> -> memref<10000x128xbf16, #tpu.memory_space<hbm>>
    tpu.enqueue_indirect_dma source(%dma_start3A_65 : memref<10000x128xbf16, #tpu.memory_space<hbm>>) target(%dma_start3A_59 : memref<80x128xbf16, #tpu.memory_space<vmem>>) offsets(%dma_start3A_62 : memref<80xi32, #tpu.memory_space<vmem>>) semaphore(%arg14 : memref<!tpu.dma_semaphore, #tpu.memory_space<semaphore_mem>>)
    %scan3A = arith.constant 0 : i32
    %scan3A_66 = arith.constant 0 : i32
    %scan3A_67 = arith.constant 25 : i32
    %scan3A_68 = arith.addi %scan3A_66, %scan3A_67 : i32
    %scan3A_69 = arith.constant 1 : i32
    scf.for %scan3A_141 = %scan3A_66 to %scan3A_68 step %scan3A_69  : i32 {
      %mul3A_142 = arith.constant 5 : i32
      %mul3A_143 = arith.muli %scan3A_141, %mul3A_142 : i32
      %add3A_144 = arith.constant 0 : i32
      %add3A_145 = arith.addi %mul3A_143, %add3A_144 : i32
      %dma_wait3A_146 = arith.constant 0 : i32
      %dma_wait3A_147 = arith.constant 0 : i32
      %dma_wait3A_148 = arith.constant 0 : i32
      %dma_wait3A_149 = tpu.memref_slice %arg8[%dma_wait3A_146, %dma_wait3A_147, %dma_wait3A_148] : memref<5x80x128xbf16, #tpu.memory_space<vmem>> -> memref<1x80x128xbf16, #tpu.memory_space<vmem>>
      %dma_wait3A_150 = tpu.memref_squeeze %dma_wait3A_149 : memref<1x80x128xbf16, #tpu.memory_space<vmem>> -> memref<80x128xbf16, #tpu.memory_space<vmem>>
      %dma_wait3A_151 = arith.constant 0 : i32
      %dma_wait3A_152 = tpu.memref_slice %arg6[%add3A_145, %dma_wait3A_151] : memref<125x80xi32, #tpu.memory_space<vmem>> -> memref<1x80xi32, #tpu.memory_space<vmem>>
      %dma_wait3A_153 = tpu.memref_squeeze %dma_wait3A_152 : memref<1x80xi32, #tpu.memory_space<vmem>> -> memref<80xi32, #tpu.memory_space<vmem>>
      %dma_wait3A_154 = arith.constant 0 : i32
      %dma_wait3A_155 = arith.constant 0 : i32
      %dma_wait3A_156 = tpu.memref_slice %arg2[%dma_wait3A_154, %dma_wait3A_155] : memref<10000x128xbf16, #tpu.memory_space<hbm>> -> memref<10000x128xbf16, #tpu.memory_space<hbm>>
      tpu.wait_indirect_dma semaphore(%arg10 : memref<!tpu.dma_semaphore, #tpu.memory_space<semaphore_mem>>) src(%dma_wait3A_156 : memref<10000x128xbf16, #tpu.memory_space<hbm>>) dst(%dma_wait3A_150 : memref<80x128xbf16, #tpu.memory_space<vmem>>)
      %dma_start3A_157 = arith.constant 0 : i32
      %dma_start3A_158 = arith.constant 0 : i32
      %dma_start3A_159 = arith.constant 0 : i32
      %dma_start3A_160 = tpu.memref_slice %arg8[%dma_start3A_157, %dma_start3A_158, %dma_start3A_159] : memref<5x80x128xbf16, #tpu.memory_space<vmem>> -> memref<1x80x128xbf16, #tpu.memory_space<vmem>>
      %dma_start3A_161 = tpu.memref_squeeze %dma_start3A_160 : memref<1x80x128xbf16, #tpu.memory_space<vmem>> -> memref<80x128xbf16, #tpu.memory_space<vmem>>
      %dma_start3A_162 = arith.constant 0 : i32
      %dma_start3A_163 = tpu.memref_slice %arg7[%add3A_145, %dma_start3A_162] : memref<125x80xi32, #tpu.memory_space<vmem>> -> memref<1x80xi32, #tpu.memory_space<vmem>>
      %dma_start3A_164 = tpu.memref_squeeze %dma_start3A_163 : memref<1x80xi32, #tpu.memory_space<vmem>> -> memref<80xi32, #tpu.memory_space<vmem>>
      %dma_start3A_165 = arith.constant 0 : i32
      %dma_start3A_166 = arith.constant 0 : i32
      %dma_start3A_167 = tpu.memref_slice %arg9[%dma_start3A_165, %dma_start3A_166] : memref<10000x128xbf16, #tpu.memory_space<vmem_shared>> -> memref<10000x128xbf16, #tpu.memory_space<vmem_shared>>
      tpu.enqueue_indirect_dma source(%dma_start3A_161 : memref<80x128xbf16, #tpu.memory_space<vmem>>) target(%dma_start3A_167 : memref<10000x128xbf16, #tpu.memory_space<vmem_shared>>) offsets(%dma_start3A_164 : memref<80xi32, #tpu.memory_space<vmem>>) semaphore(%arg15 : memref<!tpu.dma_semaphore, #tpu.memory_space<semaphore_mem>>) {add = true}
      %add3A_168 = arith.constant 5 : i32
      %add3A_169 = arith.addi %add3A_145, %add3A_168 : i32
      %lt3A_170 = arith.constant 125 : i32
      %lt3A_171 = arith.cmpi slt, %add3A_169, %lt3A_170 : i32
      %convert_element_type3A_172 = arith.extui %lt3A_171 : i1 to i32
      %cond3A_173 = arith.constant 0 : i32
      %cond3A_174 = arith.cmpi ne, %convert_element_type3A_172, %cond3A_173 : i32
      scf.if %cond3A_174 {
        %dma_wait3A_307 = arith.constant 0 : i32
        %dma_wait3A_308 = arith.constant 0 : i32
        %dma_wait3A_309 = arith.constant 0 : i32
        %dma_wait3A_310 = tpu.memref_slice %arg8[%dma_wait3A_307, %dma_wait3A_308, %dma_wait3A_309] : memref<5x80x128xbf16, #tpu.memory_space<vmem>> -> memref<1x80x128xbf16, #tpu.memory_space<vmem>>
        %dma_wait3A_311 = tpu.memref_squeeze %dma_wait3A_310 : memref<1x80x128xbf16, #tpu.memory_space<vmem>> -> memref<80x128xbf16, #tpu.memory_space<vmem>>
        %dma_wait3A_312 = arith.constant 0 : i32
        %dma_wait3A_313 = tpu.memref_slice %arg7[%add3A_145, %dma_wait3A_312] : memref<125x80xi32, #tpu.memory_space<vmem>> -> memref<1x80xi32, #tpu.memory_space<vmem>>
        %dma_wait3A_314 = tpu.memref_squeeze %dma_wait3A_313 : memref<1x80xi32, #tpu.memory_space<vmem>> -> memref<80xi32, #tpu.memory_space<vmem>>
        %dma_wait3A_315 = arith.constant 0 : i32
        %dma_wait3A_316 = arith.constant 0 : i32
        %dma_wait3A_317 = tpu.memref_slice %arg9[%dma_wait3A_315, %dma_wait3A_316] : memref<10000x128xbf16, #tpu.memory_space<vmem_shared>> -> memref<10000x128xbf16, #tpu.memory_space<vmem_shared>>
        tpu.wait_indirect_dma semaphore(%arg15 : memref<!tpu.dma_semaphore, #tpu.memory_space<semaphore_mem>>) src(%dma_wait3A_311 : memref<80x128xbf16, #tpu.memory_space<vmem>>) dst(%dma_wait3A_317 : memref<10000x128xbf16, #tpu.memory_space<vmem_shared>>)
        %add3A_318 = arith.constant 5 : i32
        %add3A_319 = arith.addi %add3A_145, %add3A_318 : i32
        %dma_start3A_320 = arith.constant 0 : i32
        %dma_start3A_321 = arith.constant 0 : i32
        %dma_start3A_322 = arith.constant 0 : i32
        %dma_start3A_323 = tpu.memref_slice %arg8[%dma_start3A_320, %dma_start3A_321, %dma_start3A_322] : memref<5x80x128xbf16, #tpu.memory_space<vmem>> -> memref<1x80x128xbf16, #tpu.memory_space<vmem>>
        %dma_start3A_324 = tpu.memref_squeeze %dma_start3A_323 : memref<1x80x128xbf16, #tpu.memory_space<vmem>> -> memref<80x128xbf16, #tpu.memory_space<vmem>>
        %dma_start3A_325 = arith.constant 0 : i32
        %dma_start3A_326 = tpu.memref_slice %arg6[%add3A_319, %dma_start3A_325] : memref<125x80xi32, #tpu.memory_space<vmem>> -> memref<1x80xi32, #tpu.memory_space<vmem>>
        %dma_start3A_327 = tpu.memref_squeeze %dma_start3A_326 : memref<1x80xi32, #tpu.memory_space<vmem>> -> memref<80xi32, #tpu.memory_space<vmem>>
        %dma_start3A_328 = arith.constant 0 : i32
        %dma_start3A_329 = arith.constant 0 : i32
        %dma_start3A_330 = tpu.memref_slice %arg2[%dma_start3A_328, %dma_start3A_329] : memref<10000x128xbf16, #tpu.memory_space<hbm>> -> memref<10000x128xbf16, #tpu.memory_space<hbm>>
        tpu.enqueue_indirect_dma source(%dma_start3A_330 : memref<10000x128xbf16, #tpu.memory_space<hbm>>) target(%dma_start3A_324 : memref<80x128xbf16, #tpu.memory_space<vmem>>) offsets(%dma_start3A_327 : memref<80xi32, #tpu.memory_space<vmem>>) semaphore(%arg10 : memref<!tpu.dma_semaphore, #tpu.memory_space<semaphore_mem>>)
      } else {
      }
      %mul3A_175 = arith.constant 5 : i32
      %mul3A_176 = arith.muli %scan3A_141, %mul3A_175 : i32
      %add3A_177 = arith.constant 1 : i32
      %add3A_178 = arith.addi %mul3A_176, %add3A_177 : i32
      %dma_wait3A_179 = arith.constant 1 : i32
      %dma_wait3A_180 = arith.constant 0 : i32
      %dma_wait3A_181 = arith.constant 0 : i32
      %dma_wait3A_182 = tpu.memref_slice %arg8[%dma_wait3A_179, %dma_wait3A_180, %dma_wait3A_181] : memref<5x80x128xbf16, #tpu.memory_space<vmem>> -> memref<1x80x128xbf16, #tpu.memory_space<vmem>>
      %dma_wait3A_183 = tpu.memref_squeeze %dma_wait3A_182 : memref<1x80x128xbf16, #tpu.memory_space<vmem>> -> memref<80x128xbf16, #tpu.memory_space<vmem>>
      %dma_wait3A_184 = arith.constant 0 : i32
      %dma_wait3A_185 = tpu.memref_slice %arg6[%add3A_178, %dma_wait3A_184] : memref<125x80xi32, #tpu.memory_space<vmem>> -> memref<1x80xi32, #tpu.memory_space<vmem>>
      %dma_wait3A_186 = tpu.memref_squeeze %dma_wait3A_185 : memref<1x80xi32, #tpu.memory_space<vmem>> -> memref<80xi32, #tpu.memory_space<vmem>>
      %dma_wait3A_187 = arith.constant 0 : i32
      %dma_wait3A_188 = arith.constant 0 : i32
      %dma_wait3A_189 = tpu.memref_slice %arg2[%dma_wait3A_187, %dma_wait3A_188] : memref<10000x128xbf16, #tpu.memory_space<hbm>> -> memref<10000x128xbf16, #tpu.memory_space<hbm>>
      tpu.wait_indirect_dma semaphore(%arg11 : memref<!tpu.dma_semaphore, #tpu.memory_space<semaphore_mem>>) src(%dma_wait3A_189 : memref<10000x128xbf16, #tpu.memory_space<hbm>>) dst(%dma_wait3A_183 : memref<80x128xbf16, #tpu.memory_space<vmem>>)
      %dma_start3A_190 = arith.constant 1 : i32
      %dma_start3A_191 = arith.constant 0 : i32
      %dma_start3A_192 = arith.constant 0 : i32
      %dma_start3A_193 = tpu.memref_slice %arg8[%dma_start3A_190, %dma_start3A_191, %dma_start3A_192] : memref<5x80x128xbf16, #tpu.memory_space<vmem>> -> memref<1x80x128xbf16, #tpu.memory_space<vmem>>
      %dma_start3A_194 = tpu.memref_squeeze %dma_start3A_193 : memref<1x80x128xbf16, #tpu.memory_space<vmem>> -> memref<80x128xbf16, #tpu.memory_space<vmem>>
      %dma_start3A_195 = arith.constant 0 : i32
      %dma_start3A_196 = tpu.memref_slice %arg7[%add3A_178, %dma_start3A_195] : memref<125x80xi32, #tpu.memory_space<vmem>> -> memref<1x80xi32, #tpu.memory_space<vmem>>
      %dma_start3A_197 = tpu.memref_squeeze %dma_start3A_196 : memref<1x80xi32, #tpu.memory_space<vmem>> -> memref<80xi32, #tpu.memory_space<vmem>>
      %dma_start3A_198 = arith.constant 0 : i32
      %dma_start3A_199 = arith.constant 0 : i32
      %dma_start3A_200 = tpu.memref_slice %arg9[%dma_start3A_198, %dma_start3A_199] : memref<10000x128xbf16, #tpu.memory_space<vmem_shared>> -> memref<10000x128xbf16, #tpu.memory_space<vmem_shared>>
      tpu.enqueue_indirect_dma source(%dma_start3A_194 : memref<80x128xbf16, #tpu.memory_space<vmem>>) target(%dma_start3A_200 : memref<10000x128xbf16, #tpu.memory_space<vmem_shared>>) offsets(%dma_start3A_197 : memref<80xi32, #tpu.memory_space<vmem>>) semaphore(%arg16 : memref<!tpu.dma_semaphore, #tpu.memory_space<semaphore_mem>>) {add = true}
      %add3A_201 = arith.constant 5 : i32
      %add3A_202 = arith.addi %add3A_178, %add3A_201 : i32
      %lt3A_203 = arith.constant 125 : i32
      %lt3A_204 = arith.cmpi slt, %add3A_202, %lt3A_203 : i32
      %convert_element_type3A_205 = arith.extui %lt3A_204 : i1 to i32
      %cond3A_206 = arith.constant 0 : i32
      %cond3A_207 = arith.cmpi ne, %convert_element_type3A_205, %cond3A_206 : i32
      scf.if %cond3A_207 {
        %dma_wait3A_307 = arith.constant 1 : i32
        %dma_wait3A_308 = arith.constant 0 : i32
        %dma_wait3A_309 = arith.constant 0 : i32
        %dma_wait3A_310 = tpu.memref_slice %arg8[%dma_wait3A_307, %dma_wait3A_308, %dma_wait3A_309] : memref<5x80x128xbf16, #tpu.memory_space<vmem>> -> memref<1x80x128xbf16, #tpu.memory_space<vmem>>
        %dma_wait3A_311 = tpu.memref_squeeze %dma_wait3A_310 : memref<1x80x128xbf16, #tpu.memory_space<vmem>> -> memref<80x128xbf16, #tpu.memory_space<vmem>>
        %dma_wait3A_312 = arith.constant 0 : i32
        %dma_wait3A_313 = tpu.memref_slice %arg7[%add3A_178, %dma_wait3A_312] : memref<125x80xi32, #tpu.memory_space<vmem>> -> memref<1x80xi32, #tpu.memory_space<vmem>>
        %dma_wait3A_314 = tpu.memref_squeeze %dma_wait3A_313 : memref<1x80xi32, #tpu.memory_space<vmem>> -> memref<80xi32, #tpu.memory_space<vmem>>
        %dma_wait3A_315 = arith.constant 0 : i32
        %dma_wait3A_316 = arith.constant 0 : i32
        %dma_wait3A_317 = tpu.memref_slice %arg9[%dma_wait3A_315, %dma_wait3A_316] : memref<10000x128xbf16, #tpu.memory_space<vmem_shared>> -> memref<10000x128xbf16, #tpu.memory_space<vmem_shared>>
        tpu.wait_indirect_dma semaphore(%arg16 : memref<!tpu.dma_semaphore, #tpu.memory_space<semaphore_mem>>) src(%dma_wait3A_311 : memref<80x128xbf16, #tpu.memory_space<vmem>>) dst(%dma_wait3A_317 : memref<10000x128xbf16, #tpu.memory_space<vmem_shared>>)
        %add3A_318 = arith.constant 5 : i32
        %add3A_319 = arith.addi %add3A_178, %add3A_318 : i32
        %dma_start3A_320 = arith.constant 1 : i32
        %dma_start3A_321 = arith.constant 0 : i32
        %dma_start3A_322 = arith.constant 0 : i32
        %dma_start3A_323 = tpu.memref_slice %arg8[%dma_start3A_320, %dma_start3A_321, %dma_start3A_322] : memref<5x80x128xbf16, #tpu.memory_space<vmem>> -> memref<1x80x128xbf16, #tpu.memory_space<vmem>>
        %dma_start3A_324 = tpu.memref_squeeze %dma_start3A_323 : memref<1x80x128xbf16, #tpu.memory_space<vmem>> -> memref<80x128xbf16, #tpu.memory_space<vmem>>
        %dma_start3A_325 = arith.constant 0 : i32
        %dma_start3A_326 = tpu.memref_slice %arg6[%add3A_319, %dma_start3A_325] : memref<125x80xi32, #tpu.memory_space<vmem>> -> memref<1x80xi32, #tpu.memory_space<vmem>>
        %dma_start3A_327 = tpu.memref_squeeze %dma_start3A_326 : memref<1x80xi32, #tpu.memory_space<vmem>> -> memref<80xi32, #tpu.memory_space<vmem>>
        %dma_start3A_328 = arith.constant 0 : i32
        %dma_start3A_329 = arith.constant 0 : i32
        %dma_start3A_330 = tpu.memref_slice %arg2[%dma_start3A_328, %dma_start3A_329] : memref<10000x128xbf16, #tpu.memory_space<hbm>> -> memref<10000x128xbf16, #tpu.memory_space<hbm>>
        tpu.enqueue_indirect_dma source(%dma_start3A_330 : memref<10000x128xbf16, #tpu.memory_space<hbm>>) target(%dma_start3A_324 : memref<80x128xbf16, #tpu.memory_space<vmem>>) offsets(%dma_start3A_327 : memref<80xi32, #tpu.memory_space<vmem>>) semaphore(%arg11 : memref<!tpu.dma_semaphore, #tpu.memory_space<semaphore_mem>>)
      } else {
      }
      %mul3A_208 = arith.constant 5 : i32
      %mul3A_209 = arith.muli %scan3A_141, %mul3A_208 : i32
      %add3A_210 = arith.constant 2 : i32
      %add3A_211 = arith.addi %mul3A_209, %add3A_210 : i32
      %dma_wait3A_212 = arith.constant 2 : i32
      %dma_wait3A_213 = arith.constant 0 : i32
      %dma_wait3A_214 = arith.constant 0 : i32
      %dma_wait3A_215 = tpu.memref_slice %arg8[%dma_wait3A_212, %dma_wait3A_213, %dma_wait3A_214] : memref<5x80x128xbf16, #tpu.memory_space<vmem>> -> memref<1x80x128xbf16, #tpu.memory_space<vmem>>
      %dma_wait3A_216 = tpu.memref_squeeze %dma_wait3A_215 : memref<1x80x128xbf16, #tpu.memory_space<vmem>> -> memref<80x128xbf16, #tpu.memory_space<vmem>>
      %dma_wait3A_217 = arith.constant 0 : i32
      %dma_wait3A_218 = tpu.memref_slice %arg6[%add3A_211, %dma_wait3A_217] : memref<125x80xi32, #tpu.memory_space<vmem>> -> memref<1x80xi32, #tpu.memory_space<vmem>>
      %dma_wait3A_219 = tpu.memref_squeeze %dma_wait3A_218 : memref<1x80xi32, #tpu.memory_space<vmem>> -> memref<80xi32, #tpu.memory_space<vmem>>
      %dma_wait3A_220 = arith.constant 0 : i32
      %dma_wait3A_221 = arith.constant 0 : i32
      %dma_wait3A_222 = tpu.memref_slice %arg2[%dma_wait3A_220, %dma_wait3A_221] : memref<10000x128xbf16, #tpu.memory_space<hbm>> -> memref<10000x128xbf16, #tpu.memory_space<hbm>>
      tpu.wait_indirect_dma semaphore(%arg12 : memref<!tpu.dma_semaphore, #tpu.memory_space<semaphore_mem>>) src(%dma_wait3A_222 : memref<10000x128xbf16, #tpu.memory_space<hbm>>) dst(%dma_wait3A_216 : memref<80x128xbf16, #tpu.memory_space<vmem>>)
      %dma_start3A_223 = arith.constant 2 : i32
      %dma_start3A_224 = arith.constant 0 : i32
      %dma_start3A_225 = arith.constant 0 : i32
      %dma_start3A_226 = tpu.memref_slice %arg8[%dma_start3A_223, %dma_start3A_224, %dma_start3A_225] : memref<5x80x128xbf16, #tpu.memory_space<vmem>> -> memref<1x80x128xbf16, #tpu.memory_space<vmem>>
      %dma_start3A_227 = tpu.memref_squeeze %dma_start3A_226 : memref<1x80x128xbf16, #tpu.memory_space<vmem>> -> memref<80x128xbf16, #tpu.memory_space<vmem>>
      %dma_start3A_228 = arith.constant 0 : i32
      %dma_start3A_229 = tpu.memref_slice %arg7[%add3A_211, %dma_start3A_228] : memref<125x80xi32, #tpu.memory_space<vmem>> -> memref<1x80xi32, #tpu.memory_space<vmem>>
      %dma_start3A_230 = tpu.memref_squeeze %dma_start3A_229 : memref<1x80xi32, #tpu.memory_space<vmem>> -> memref<80xi32, #tpu.memory_space<vmem>>
      %dma_start3A_231 = arith.constant 0 : i32
      %dma_start3A_232 = arith.constant 0 : i32
      %dma_start3A_233 = tpu.memref_slice %arg9[%dma_start3A_231, %dma_start3A_232] : memref<10000x128xbf16, #tpu.memory_space<vmem_shared>> -> memref<10000x128xbf16, #tpu.memory_space<vmem_shared>>
      tpu.enqueue_indirect_dma source(%dma_start3A_227 : memref<80x128xbf16, #tpu.memory_space<vmem>>) target(%dma_start3A_233 : memref<10000x128xbf16, #tpu.memory_space<vmem_shared>>) offsets(%dma_start3A_230 : memref<80xi32, #tpu.memory_space<vmem>>) semaphore(%arg17 : memref<!tpu.dma_semaphore, #tpu.memory_space<semaphore_mem>>) {add = true}
      %add3A_234 = arith.constant 5 : i32
      %add3A_235 = arith.addi %add3A_211, %add3A_234 : i32
      %lt3A_236 = arith.constant 125 : i32
      %lt3A_237 = arith.cmpi slt, %add3A_235, %lt3A_236 : i32
      %convert_element_type3A_238 = arith.extui %lt3A_237 : i1 to i32
      %cond3A_239 = arith.constant 0 : i32
      %cond3A_240 = arith.cmpi ne, %convert_element_type3A_238, %cond3A_239 : i32
      scf.if %cond3A_240 {
        %dma_wait3A_307 = arith.constant 2 : i32
        %dma_wait3A_308 = arith.constant 0 : i32
        %dma_wait3A_309 = arith.constant 0 : i32
        %dma_wait3A_310 = tpu.memref_slice %arg8[%dma_wait3A_307, %dma_wait3A_308, %dma_wait3A_309] : memref<5x80x128xbf16, #tpu.memory_space<vmem>> -> memref<1x80x128xbf16, #tpu.memory_space<vmem>>
        %dma_wait3A_311 = tpu.memref_squeeze %dma_wait3A_310 : memref<1x80x128xbf16, #tpu.memory_space<vmem>> -> memref<80x128xbf16, #tpu.memory_space<vmem>>
        %dma_wait3A_312 = arith.constant 0 : i32
        %dma_wait3A_313 = tpu.memref_slice %arg7[%add3A_211, %dma_wait3A_312] : memref<125x80xi32, #tpu.memory_space<vmem>> -> memref<1x80xi32, #tpu.memory_space<vmem>>
        %dma_wait3A_314 = tpu.memref_squeeze %dma_wait3A_313 : memref<1x80xi32, #tpu.memory_space<vmem>> -> memref<80xi32, #tpu.memory_space<vmem>>
        %dma_wait3A_315 = arith.constant 0 : i32
        %dma_wait3A_316 = arith.constant 0 : i32
        %dma_wait3A_317 = tpu.memref_slice %arg9[%dma_wait3A_315, %dma_wait3A_316] : memref<10000x128xbf16, #tpu.memory_space<vmem_shared>> -> memref<10000x128xbf16, #tpu.memory_space<vmem_shared>>
        tpu.wait_indirect_dma semaphore(%arg17 : memref<!tpu.dma_semaphore, #tpu.memory_space<semaphore_mem>>) src(%dma_wait3A_311 : memref<80x128xbf16, #tpu.memory_space<vmem>>) dst(%dma_wait3A_317 : memref<10000x128xbf16, #tpu.memory_space<vmem_shared>>)
        %add3A_318 = arith.constant 5 : i32
        %add3A_319 = arith.addi %add3A_211, %add3A_318 : i32
        %dma_start3A_320 = arith.constant 2 : i32
        %dma_start3A_321 = arith.constant 0 : i32
        %dma_start3A_322 = arith.constant 0 : i32
        %dma_start3A_323 = tpu.memref_slice %arg8[%dma_start3A_320, %dma_start3A_321, %dma_start3A_322] : memref<5x80x128xbf16, #tpu.memory_space<vmem>> -> memref<1x80x128xbf16, #tpu.memory_space<vmem>>
        %dma_start3A_324 = tpu.memref_squeeze %dma_start3A_323 : memref<1x80x128xbf16, #tpu.memory_space<vmem>> -> memref<80x128xbf16, #tpu.memory_space<vmem>>
        %dma_start3A_325 = arith.constant 0 : i32
        %dma_start3A_326 = tpu.memref_slice %arg6[%add3A_319, %dma_start3A_325] : memref<125x80xi32, #tpu.memory_space<vmem>> -> memref<1x80xi32, #tpu.memory_space<vmem>>
        %dma_start3A_327 = tpu.memref_squeeze %dma_start3A_326 : memref<1x80xi32, #tpu.memory_space<vmem>> -> memref<80xi32, #tpu.memory_space<vmem>>
        %dma_start3A_328 = arith.constant 0 : i32
        %dma_start3A_329 = arith.constant 0 : i32
        %dma_start3A_330 = tpu.memref_slice %arg2[%dma_start3A_328, %dma_start3A_329] : memref<10000x128xbf16, #tpu.memory_space<hbm>> -> memref<10000x128xbf16, #tpu.memory_space<hbm>>
        tpu.enqueue_indirect_dma source(%dma_start3A_330 : memref<10000x128xbf16, #tpu.memory_space<hbm>>) target(%dma_start3A_324 : memref<80x128xbf16, #tpu.memory_space<vmem>>) offsets(%dma_start3A_327 : memref<80xi32, #tpu.memory_space<vmem>>) semaphore(%arg12 : memref<!tpu.dma_semaphore, #tpu.memory_space<semaphore_mem>>)
      } else {
      }
      %mul3A_241 = arith.constant 5 : i32
      %mul3A_242 = arith.muli %scan3A_141, %mul3A_241 : i32
      %add3A_243 = arith.constant 3 : i32
      %add3A_244 = arith.addi %mul3A_242, %add3A_243 : i32
      %dma_wait3A_245 = arith.constant 3 : i32
      %dma_wait3A_246 = arith.constant 0 : i32
      %dma_wait3A_247 = arith.constant 0 : i32
      %dma_wait3A_248 = tpu.memref_slice %arg8[%dma_wait3A_245, %dma_wait3A_246, %dma_wait3A_247] : memref<5x80x128xbf16, #tpu.memory_space<vmem>> -> memref<1x80x128xbf16, #tpu.memory_space<vmem>>
      %dma_wait3A_249 = tpu.memref_squeeze %dma_wait3A_248 : memref<1x80x128xbf16, #tpu.memory_space<vmem>> -> memref<80x128xbf16, #tpu.memory_space<vmem>>
      %dma_wait3A_250 = arith.constant 0 : i32
      %dma_wait3A_251 = tpu.memref_slice %arg6[%add3A_244, %dma_wait3A_250] : memref<125x80xi32, #tpu.memory_space<vmem>> -> memref<1x80xi32, #tpu.memory_space<vmem>>
      %dma_wait3A_252 = tpu.memref_squeeze %dma_wait3A_251 : memref<1x80xi32, #tpu.memory_space<vmem>> -> memref<80xi32, #tpu.memory_space<vmem>>
      %dma_wait3A_253 = arith.constant 0 : i32
      %dma_wait3A_254 = arith.constant 0 : i32
      %dma_wait3A_255 = tpu.memref_slice %arg2[%dma_wait3A_253, %dma_wait3A_254] : memref<10000x128xbf16, #tpu.memory_space<hbm>> -> memref<10000x128xbf16, #tpu.memory_space<hbm>>
      tpu.wait_indirect_dma semaphore(%arg13 : memref<!tpu.dma_semaphore, #tpu.memory_space<semaphore_mem>>) src(%dma_wait3A_255 : memref<10000x128xbf16, #tpu.memory_space<hbm>>) dst(%dma_wait3A_249 : memref<80x128xbf16, #tpu.memory_space<vmem>>)
      %dma_start3A_256 = arith.constant 3 : i32
      %dma_start3A_257 = arith.constant 0 : i32
      %dma_start3A_258 = arith.constant 0 : i32
      %dma_start3A_259 = tpu.memref_slice %arg8[%dma_start3A_256, %dma_start3A_257, %dma_start3A_258] : memref<5x80x128xbf16, #tpu.memory_space<vmem>> -> memref<1x80x128xbf16, #tpu.memory_space<vmem>>
      %dma_start3A_260 = tpu.memref_squeeze %dma_start3A_259 : memref<1x80x128xbf16, #tpu.memory_space<vmem>> -> memref<80x128xbf16, #tpu.memory_space<vmem>>
      %dma_start3A_261 = arith.constant 0 : i32
      %dma_start3A_262 = tpu.memref_slice %arg7[%add3A_244, %dma_start3A_261] : memref<125x80xi32, #tpu.memory_space<vmem>> -> memref<1x80xi32, #tpu.memory_space<vmem>>
      %dma_start3A_263 = tpu.memref_squeeze %dma_start3A_262 : memref<1x80xi32, #tpu.memory_space<vmem>> -> memref<80xi32, #tpu.memory_space<vmem>>
      %dma_start3A_264 = arith.constant 0 : i32
      %dma_start3A_265 = arith.constant 0 : i32
      %dma_start3A_266 = tpu.memref_slice %arg9[%dma_start3A_264, %dma_start3A_265] : memref<10000x128xbf16, #tpu.memory_space<vmem_shared>> -> memref<10000x128xbf16, #tpu.memory_space<vmem_shared>>
      tpu.enqueue_indirect_dma source(%dma_start3A_260 : memref<80x128xbf16, #tpu.memory_space<vmem>>) target(%dma_start3A_266 : memref<10000x128xbf16, #tpu.memory_space<vmem_shared>>) offsets(%dma_start3A_263 : memref<80xi32, #tpu.memory_space<vmem>>) semaphore(%arg18 : memref<!tpu.dma_semaphore, #tpu.memory_space<semaphore_mem>>) {add = true}
      %add3A_267 = arith.constant 5 : i32
      %add3A_268 = arith.addi %add3A_244, %add3A_267 : i32
      %lt3A_269 = arith.constant 125 : i32
      %lt3A_270 = arith.cmpi slt, %add3A_268, %lt3A_269 : i32
      %convert_element_type3A_271 = arith.extui %lt3A_270 : i1 to i32
      %cond3A_272 = arith.constant 0 : i32
      %cond3A_273 = arith.cmpi ne, %convert_element_type3A_271, %cond3A_272 : i32
      scf.if %cond3A_273 {
        %dma_wait3A_307 = arith.constant 3 : i32
        %dma_wait3A_308 = arith.constant 0 : i32
        %dma_wait3A_309 = arith.constant 0 : i32
        %dma_wait3A_310 = tpu.memref_slice %arg8[%dma_wait3A_307, %dma_wait3A_308, %dma_wait3A_309] : memref<5x80x128xbf16, #tpu.memory_space<vmem>> -> memref<1x80x128xbf16, #tpu.memory_space<vmem>>
        %dma_wait3A_311 = tpu.memref_squeeze %dma_wait3A_310 : memref<1x80x128xbf16, #tpu.memory_space<vmem>> -> memref<80x128xbf16, #tpu.memory_space<vmem>>
        %dma_wait3A_312 = arith.constant 0 : i32
        %dma_wait3A_313 = tpu.memref_slice %arg7[%add3A_244, %dma_wait3A_312] : memref<125x80xi32, #tpu.memory_space<vmem>> -> memref<1x80xi32, #tpu.memory_space<vmem>>
        %dma_wait3A_314 = tpu.memref_squeeze %dma_wait3A_313 : memref<1x80xi32, #tpu.memory_space<vmem>> -> memref<80xi32, #tpu.memory_space<vmem>>
        %dma_wait3A_315 = arith.constant 0 : i32
        %dma_wait3A_316 = arith.constant 0 : i32
        %dma_wait3A_317 = tpu.memref_slice %arg9[%dma_wait3A_315, %dma_wait3A_316] : memref<10000x128xbf16, #tpu.memory_space<vmem_shared>> -> memref<10000x128xbf16, #tpu.memory_space<vmem_shared>>
        tpu.wait_indirect_dma semaphore(%arg18 : memref<!tpu.dma_semaphore, #tpu.memory_space<semaphore_mem>>) src(%dma_wait3A_311 : memref<80x128xbf16, #tpu.memory_space<vmem>>) dst(%dma_wait3A_317 : memref<10000x128xbf16, #tpu.memory_space<vmem_shared>>)
        %add3A_318 = arith.constant 5 : i32
        %add3A_319 = arith.addi %add3A_244, %add3A_318 : i32
        %dma_start3A_320 = arith.constant 3 : i32
        %dma_start3A_321 = arith.constant 0 : i32
        %dma_start3A_322 = arith.constant 0 : i32
        %dma_start3A_323 = tpu.memref_slice %arg8[%dma_start3A_320, %dma_start3A_321, %dma_start3A_322] : memref<5x80x128xbf16, #tpu.memory_space<vmem>> -> memref<1x80x128xbf16, #tpu.memory_space<vmem>>
        %dma_start3A_324 = tpu.memref_squeeze %dma_start3A_323 : memref<1x80x128xbf16, #tpu.memory_space<vmem>> -> memref<80x128xbf16, #tpu.memory_space<vmem>>
        %dma_start3A_325 = arith.constant 0 : i32
        %dma_start3A_326 = tpu.memref_slice %arg6[%add3A_319, %dma_start3A_325] : memref<125x80xi32, #tpu.memory_space<vmem>> -> memref<1x80xi32, #tpu.memory_space<vmem>>
        %dma_start3A_327 = tpu.memref_squeeze %dma_start3A_326 : memref<1x80xi32, #tpu.memory_space<vmem>> -> memref<80xi32, #tpu.memory_space<vmem>>
        %dma_start3A_328 = arith.constant 0 : i32
        %dma_start3A_329 = arith.constant 0 : i32
        %dma_start3A_330 = tpu.memref_slice %arg2[%dma_start3A_328, %dma_start3A_329] : memref<10000x128xbf16, #tpu.memory_space<hbm>> -> memref<10000x128xbf16, #tpu.memory_space<hbm>>
        tpu.enqueue_indirect_dma source(%dma_start3A_330 : memref<10000x128xbf16, #tpu.memory_space<hbm>>) target(%dma_start3A_324 : memref<80x128xbf16, #tpu.memory_space<vmem>>) offsets(%dma_start3A_327 : memref<80xi32, #tpu.memory_space<vmem>>) semaphore(%arg13 : memref<!tpu.dma_semaphore, #tpu.memory_space<semaphore_mem>>)
      } else {
      }
      %mul3A_274 = arith.constant 5 : i32
      %mul3A_275 = arith.muli %scan3A_141, %mul3A_274 : i32
      %add3A_276 = arith.constant 4 : i32
      %add3A_277 = arith.addi %mul3A_275, %add3A_276 : i32
      %dma_wait3A_278 = arith.constant 4 : i32
      %dma_wait3A_279 = arith.constant 0 : i32
      %dma_wait3A_280 = arith.constant 0 : i32
      %dma_wait3A_281 = tpu.memref_slice %arg8[%dma_wait3A_278, %dma_wait3A_279, %dma_wait3A_280] : memref<5x80x128xbf16, #tpu.memory_space<vmem>> -> memref<1x80x128xbf16, #tpu.memory_space<vmem>>
      %dma_wait3A_282 = tpu.memref_squeeze %dma_wait3A_281 : memref<1x80x128xbf16, #tpu.memory_space<vmem>> -> memref<80x128xbf16, #tpu.memory_space<vmem>>
      %dma_wait3A_283 = arith.constant 0 : i32
      %dma_wait3A_284 = tpu.memref_slice %arg6[%add3A_277, %dma_wait3A_283] : memref<125x80xi32, #tpu.memory_space<vmem>> -> memref<1x80xi32, #tpu.memory_space<vmem>>
      %dma_wait3A_285 = tpu.memref_squeeze %dma_wait3A_284 : memref<1x80xi32, #tpu.memory_space<vmem>> -> memref<80xi32, #tpu.memory_space<vmem>>
      %dma_wait3A_286 = arith.constant 0 : i32
      %dma_wait3A_287 = arith.constant 0 : i32
      %dma_wait3A_288 = tpu.memref_slice %arg2[%dma_wait3A_286, %dma_wait3A_287] : memref<10000x128xbf16, #tpu.memory_space<hbm>> -> memref<10000x128xbf16, #tpu.memory_space<hbm>>
      tpu.wait_indirect_dma semaphore(%arg14 : memref<!tpu.dma_semaphore, #tpu.memory_space<semaphore_mem>>) src(%dma_wait3A_288 : memref<10000x128xbf16, #tpu.memory_space<hbm>>) dst(%dma_wait3A_282 : memref<80x128xbf16, #tpu.memory_space<vmem>>)
      %dma_start3A_289 = arith.constant 4 : i32
      %dma_start3A_290 = arith.constant 0 : i32
      %dma_start3A_291 = arith.constant 0 : i32
      %dma_start3A_292 = tpu.memref_slice %arg8[%dma_start3A_289, %dma_start3A_290, %dma_start3A_291] : memref<5x80x128xbf16, #tpu.memory_space<vmem>> -> memref<1x80x128xbf16, #tpu.memory_space<vmem>>
      %dma_start3A_293 = tpu.memref_squeeze %dma_start3A_292 : memref<1x80x128xbf16, #tpu.memory_space<vmem>> -> memref<80x128xbf16, #tpu.memory_space<vmem>>
      %dma_start3A_294 = arith.constant 0 : i32
      %dma_start3A_295 = tpu.memref_slice %arg7[%add3A_277, %dma_start3A_294] : memref<125x80xi32, #tpu.memory_space<vmem>> -> memref<1x80xi32, #tpu.memory_space<vmem>>
      %dma_start3A_296 = tpu.memref_squeeze %dma_start3A_295 : memref<1x80xi32, #tpu.memory_space<vmem>> -> memref<80xi32, #tpu.memory_space<vmem>>
      %dma_start3A_297 = arith.constant 0 : i32
      %dma_start3A_298 = arith.constant 0 : i32
      %dma_start3A_299 = tpu.memref_slice %arg9[%dma_start3A_297, %dma_start3A_298] : memref<10000x128xbf16, #tpu.memory_space<vmem_shared>> -> memref<10000x128xbf16, #tpu.memory_space<vmem_shared>>
      tpu.enqueue_indirect_dma source(%dma_start3A_293 : memref<80x128xbf16, #tpu.memory_space<vmem>>) target(%dma_start3A_299 : memref<10000x128xbf16, #tpu.memory_space<vmem_shared>>) offsets(%dma_start3A_296 : memref<80xi32, #tpu.memory_space<vmem>>) semaphore(%arg19 : memref<!tpu.dma_semaphore, #tpu.memory_space<semaphore_mem>>) {add = true}
      %add3A_300 = arith.constant 5 : i32
      %add3A_301 = arith.addi %add3A_277, %add3A_300 : i32
      %lt3A_302 = arith.constant 125 : i32
      %lt3A_303 = arith.cmpi slt, %add3A_301, %lt3A_302 : i32
      %convert_element_type3A_304 = arith.extui %lt3A_303 : i1 to i32
      %cond3A_305 = arith.constant 0 : i32
      %cond3A_306 = arith.cmpi ne, %convert_element_type3A_304, %cond3A_305 : i32
      scf.if %cond3A_306 {
        %dma_wait3A_307 = arith.constant 4 : i32
        %dma_wait3A_308 = arith.constant 0 : i32
        %dma_wait3A_309 = arith.constant 0 : i32
        %dma_wait3A_310 = tpu.memref_slice %arg8[%dma_wait3A_307, %dma_wait3A_308, %dma_wait3A_309] : memref<5x80x128xbf16, #tpu.memory_space<vmem>> -> memref<1x80x128xbf16, #tpu.memory_space<vmem>>
        %dma_wait3A_311 = tpu.memref_squeeze %dma_wait3A_310 : memref<1x80x128xbf16, #tpu.memory_space<vmem>> -> memref<80x128xbf16, #tpu.memory_space<vmem>>
        %dma_wait3A_312 = arith.constant 0 : i32
        %dma_wait3A_313 = tpu.memref_slice %arg7[%add3A_277, %dma_wait3A_312] : memref<125x80xi32, #tpu.memory_space<vmem>> -> memref<1x80xi32, #tpu.memory_space<vmem>>
        %dma_wait3A_314 = tpu.memref_squeeze %dma_wait3A_313 : memref<1x80xi32, #tpu.memory_space<vmem>> -> memref<80xi32, #tpu.memory_space<vmem>>
        %dma_wait3A_315 = arith.constant 0 : i32
        %dma_wait3A_316 = arith.constant 0 : i32
        %dma_wait3A_317 = tpu.memref_slice %arg9[%dma_wait3A_315, %dma_wait3A_316] : memref<10000x128xbf16, #tpu.memory_space<vmem_shared>> -> memref<10000x128xbf16, #tpu.memory_space<vmem_shared>>
        tpu.wait_indirect_dma semaphore(%arg19 : memref<!tpu.dma_semaphore, #tpu.memory_space<semaphore_mem>>) src(%dma_wait3A_311 : memref<80x128xbf16, #tpu.memory_space<vmem>>) dst(%dma_wait3A_317 : memref<10000x128xbf16, #tpu.memory_space<vmem_shared>>)
        %add3A_318 = arith.constant 5 : i32
        %add3A_319 = arith.addi %add3A_277, %add3A_318 : i32
        %dma_start3A_320 = arith.constant 4 : i32
        %dma_start3A_321 = arith.constant 0 : i32
        %dma_start3A_322 = arith.constant 0 : i32
        %dma_start3A_323 = tpu.memref_slice %arg8[%dma_start3A_320, %dma_start3A_321, %dma_start3A_322] : memref<5x80x128xbf16, #tpu.memory_space<vmem>> -> memref<1x80x128xbf16, #tpu.memory_space<vmem>>
        %dma_start3A_324 = tpu.memref_squeeze %dma_start3A_323 : memref<1x80x128xbf16, #tpu.memory_space<vmem>> -> memref<80x128xbf16, #tpu.memory_space<vmem>>
        %dma_start3A_325 = arith.constant 0 : i32
        %dma_start3A_326 = tpu.memref_slice %arg6[%add3A_319, %dma_start3A_325] : memref<125x80xi32, #tpu.memory_space<vmem>> -> memref<1x80xi32, #tpu.memory_space<vmem>>
        %dma_start3A_327 = tpu.memref_squeeze %dma_start3A_326 : memref<1x80xi32, #tpu.memory_space<vmem>> -> memref<80xi32, #tpu.memory_space<vmem>>
        %dma_start3A_328 = arith.constant 0 : i32
        %dma_start3A_329 = arith.constant 0 : i32
        %dma_start3A_330 = tpu.memref_slice %arg2[%dma_start3A_328, %dma_start3A_329] : memref<10000x128xbf16, #tpu.memory_space<hbm>> -> memref<10000x128xbf16, #tpu.memory_space<hbm>>
        tpu.enqueue_indirect_dma source(%dma_start3A_330 : memref<10000x128xbf16, #tpu.memory_space<hbm>>) target(%dma_start3A_324 : memref<80x128xbf16, #tpu.memory_space<vmem>>) offsets(%dma_start3A_327 : memref<80xi32, #tpu.memory_space<vmem>>) semaphore(%arg14 : memref<!tpu.dma_semaphore, #tpu.memory_space<semaphore_mem>>)
      } else {
      }
    }
    %scan3A_70 = arith.constant 25 : i32
    %dma_wait3A = arith.constant 0 : i32
    %dma_wait3A_71 = arith.constant 120 : i32
    %dma_wait3A_72 = arith.constant 0 : i32
    %dma_wait3A_73 = arith.constant 0 : i32
    %dma_wait3A_74 = tpu.memref_slice %arg8[%dma_wait3A, %dma_wait3A_72, %dma_wait3A_73] : memref<5x80x128xbf16, #tpu.memory_space<vmem>> -> memref<1x80x128xbf16, #tpu.memory_space<vmem>>
    %dma_wait3A_75 = tpu.memref_squeeze %dma_wait3A_74 : memref<1x80x128xbf16, #tpu.memory_space<vmem>> -> memref<80x128xbf16, #tpu.memory_space<vmem>>
    %dma_wait3A_76 = arith.constant 0 : i32
    %dma_wait3A_77 = tpu.memref_slice %arg7[%dma_wait3A_71, %dma_wait3A_76] : memref<125x80xi32, #tpu.memory_space<vmem>> -> memref<1x80xi32, #tpu.memory_space<vmem>>
    %dma_wait3A_78 = tpu.memref_squeeze %dma_wait3A_77 : memref<1x80xi32, #tpu.memory_space<vmem>> -> memref<80xi32, #tpu.memory_space<vmem>>
    %dma_wait3A_79 = arith.constant 0 : i32
    %dma_wait3A_80 = arith.constant 0 : i32
    %dma_wait3A_81 = tpu.memref_slice %arg9[%dma_wait3A_79, %dma_wait3A_80] : memref<10000x128xbf16, #tpu.memory_space<vmem_shared>> -> memref<10000x128xbf16, #tpu.memory_space<vmem_shared>>
    tpu.wait_indirect_dma semaphore(%arg15 : memref<!tpu.dma_semaphore, #tpu.memory_space<semaphore_mem>>) src(%dma_wait3A_75 : memref<80x128xbf16, #tpu.memory_space<vmem>>) dst(%dma_wait3A_81 : memref<10000x128xbf16, #tpu.memory_space<vmem_shared>>)
    %dma_wait3A_82 = arith.constant 1 : i32
    %dma_wait3A_83 = arith.constant 121 : i32
    %dma_wait3A_84 = arith.constant 0 : i32
    %dma_wait3A_85 = arith.constant 0 : i32
    %dma_wait3A_86 = tpu.memref_slice %arg8[%dma_wait3A_82, %dma_wait3A_84, %dma_wait3A_85] : memref<5x80x128xbf16, #tpu.memory_space<vmem>> -> memref<1x80x128xbf16, #tpu.memory_space<vmem>>
    %dma_wait3A_87 = tpu.memref_squeeze %dma_wait3A_86 : memref<1x80x128xbf16, #tpu.memory_space<vmem>> -> memref<80x128xbf16, #tpu.memory_space<vmem>>
    %dma_wait3A_88 = arith.constant 0 : i32
    %dma_wait3A_89 = tpu.memref_slice %arg7[%dma_wait3A_83, %dma_wait3A_88] : memref<125x80xi32, #tpu.memory_space<vmem>> -> memref<1x80xi32, #tpu.memory_space<vmem>>
    %dma_wait3A_90 = tpu.memref_squeeze %dma_wait3A_89 : memref<1x80xi32, #tpu.memory_space<vmem>> -> memref<80xi32, #tpu.memory_space<vmem>>
    %dma_wait3A_91 = arith.constant 0 : i32
    %dma_wait3A_92 = arith.constant 0 : i32
    %dma_wait3A_93 = tpu.memref_slice %arg9[%dma_wait3A_91, %dma_wait3A_92] : memref<10000x128xbf16, #tpu.memory_space<vmem_shared>> -> memref<10000x128xbf16, #tpu.memory_space<vmem_shared>>
    tpu.wait_indirect_dma semaphore(%arg16 : memref<!tpu.dma_semaphore, #tpu.memory_space<semaphore_mem>>) src(%dma_wait3A_87 : memref<80x128xbf16, #tpu.memory_space<vmem>>) dst(%dma_wait3A_93 : memref<10000x128xbf16, #tpu.memory_space<vmem_shared>>)
    %dma_wait3A_94 = arith.constant 2 : i32
    %dma_wait3A_95 = arith.constant 122 : i32
    %dma_wait3A_96 = arith.constant 0 : i32
    %dma_wait3A_97 = arith.constant 0 : i32
    %dma_wait3A_98 = tpu.memref_slice %arg8[%dma_wait3A_94, %dma_wait3A_96, %dma_wait3A_97] : memref<5x80x128xbf16, #tpu.memory_space<vmem>> -> memref<1x80x128xbf16, #tpu.memory_space<vmem>>
    %dma_wait3A_99 = tpu.memref_squeeze %dma_wait3A_98 : memref<1x80x128xbf16, #tpu.memory_space<vmem>> -> memref<80x128xbf16, #tpu.memory_space<vmem>>
    %dma_wait3A_100 = arith.constant 0 : i32
    %dma_wait3A_101 = tpu.memref_slice %arg7[%dma_wait3A_95, %dma_wait3A_100] : memref<125x80xi32, #tpu.memory_space<vmem>> -> memref<1x80xi32, #tpu.memory_space<vmem>>
    %dma_wait3A_102 = tpu.memref_squeeze %dma_wait3A_101 : memref<1x80xi32, #tpu.memory_space<vmem>> -> memref<80xi32, #tpu.memory_space<vmem>>
    %dma_wait3A_103 = arith.constant 0 : i32
    %dma_wait3A_104 = arith.constant 0 : i32
    %dma_wait3A_105 = tpu.memref_slice %arg9[%dma_wait3A_103, %dma_wait3A_104] : memref<10000x128xbf16, #tpu.memory_space<vmem_shared>> -> memref<10000x128xbf16, #tpu.memory_space<vmem_shared>>
    tpu.wait_indirect_dma semaphore(%arg17 : memref<!tpu.dma_semaphore, #tpu.memory_space<semaphore_mem>>) src(%dma_wait3A_99 : memref<80x128xbf16, #tpu.memory_space<vmem>>) dst(%dma_wait3A_105 : memref<10000x128xbf16, #tpu.memory_space<vmem_shared>>)
    %dma_wait3A_106 = arith.constant 3 : i32
    %dma_wait3A_107 = arith.constant 123 : i32
    %dma_wait3A_108 = arith.constant 0 : i32
    %dma_wait3A_109 = arith.constant 0 : i32
    %dma_wait3A_110 = tpu.memref_slice %arg8[%dma_wait3A_106, %dma_wait3A_108, %dma_wait3A_109] : memref<5x80x128xbf16, #tpu.memory_space<vmem>> -> memref<1x80x128xbf16, #tpu.memory_space<vmem>>
    %dma_wait3A_111 = tpu.memref_squeeze %dma_wait3A_110 : memref<1x80x128xbf16, #tpu.memory_space<vmem>> -> memref<80x128xbf16, #tpu.memory_space<vmem>>
    %dma_wait3A_112 = arith.constant 0 : i32
    %dma_wait3A_113 = tpu.memref_slice %arg7[%dma_wait3A_107, %dma_wait3A_112] : memref<125x80xi32, #tpu.memory_space<vmem>> -> memref<1x80xi32, #tpu.memory_space<vmem>>
    %dma_wait3A_114 = tpu.memref_squeeze %dma_wait3A_113 : memref<1x80xi32, #tpu.memory_space<vmem>> -> memref<80xi32, #tpu.memory_space<vmem>>
    %dma_wait3A_115 = arith.constant 0 : i32
    %dma_wait3A_116 = arith.constant 0 : i32
    %dma_wait3A_117 = tpu.memref_slice %arg9[%dma_wait3A_115, %dma_wait3A_116] : memref<10000x128xbf16, #tpu.memory_space<vmem_shared>> -> memref<10000x128xbf16, #tpu.memory_space<vmem_shared>>
    tpu.wait_indirect_dma semaphore(%arg18 : memref<!tpu.dma_semaphore, #tpu.memory_space<semaphore_mem>>) src(%dma_wait3A_111 : memref<80x128xbf16, #tpu.memory_space<vmem>>) dst(%dma_wait3A_117 : memref<10000x128xbf16, #tpu.memory_space<vmem_shared>>)
    %dma_wait3A_118 = arith.constant 4 : i32
    %dma_wait3A_119 = arith.constant 124 : i32
    %dma_wait3A_120 = arith.constant 0 : i32
    %dma_wait3A_121 = arith.constant 0 : i32
    %dma_wait3A_122 = tpu.memref_slice %arg8[%dma_wait3A_118, %dma_wait3A_120, %dma_wait3A_121] : memref<5x80x128xbf16, #tpu.memory_space<vmem>> -> memref<1x80x128xbf16, #tpu.memory_space<vmem>>
    %dma_wait3A_123 = tpu.memref_squeeze %dma_wait3A_122 : memref<1x80x128xbf16, #tpu.memory_space<vmem>> -> memref<80x128xbf16, #tpu.memory_space<vmem>>
    %dma_wait3A_124 = arith.constant 0 : i32
    %dma_wait3A_125 = tpu.memref_slice %arg7[%dma_wait3A_119, %dma_wait3A_124] : memref<125x80xi32, #tpu.memory_space<vmem>> -> memref<1x80xi32, #tpu.memory_space<vmem>>
    %dma_wait3A_126 = tpu.memref_squeeze %dma_wait3A_125 : memref<1x80xi32, #tpu.memory_space<vmem>> -> memref<80xi32, #tpu.memory_space<vmem>>
    %dma_wait3A_127 = arith.constant 0 : i32
    %dma_wait3A_128 = arith.constant 0 : i32
    %dma_wait3A_129 = tpu.memref_slice %arg9[%dma_wait3A_127, %dma_wait3A_128] : memref<10000x128xbf16, #tpu.memory_space<vmem_shared>> -> memref<10000x128xbf16, #tpu.memory_space<vmem_shared>>
    tpu.wait_indirect_dma semaphore(%arg19 : memref<!tpu.dma_semaphore, #tpu.memory_space<semaphore_mem>>) src(%dma_wait3A_123 : memref<80x128xbf16, #tpu.memory_space<vmem>>) dst(%dma_wait3A_129 : memref<10000x128xbf16, #tpu.memory_space<vmem_shared>>)
    %barrier3A_130 = arith.constant 0 : index
    tpu.barrier barrier_id(%barrier3A_130)
    %lt3A_131 = arith.constant 15 : i32
    %lt3A_132 = arith.cmpi slt, %arg1, %lt3A_131 : i32
    %convert_element_type3A_133 = arith.extui %lt3A_132 : i1 to i32
    %cond3A_134 = arith.constant 0 : i32
    %cond3A_135 = arith.cmpi ne, %convert_element_type3A_133, %cond3A_134 : i32
    scf.if %cond3A_135 {
      %mul3A_141 = arith.constant 624 : i32
      %mul3A_142 = arith.muli %arg1, %mul3A_141 : i32
      %mul3A_143 = arith.constant 624 : i32
      %mul3A_144 = arith.muli %arg1, %mul3A_143 : i32
      %mul3A_145 = arith.constant 10000 : i32
      %mul3A_146 = arith.muli %arg0, %mul3A_145 : i32
      %add3A_147 = arith.addi %mul3A_146, %mul3A_144 : i32
      "tpu.region"() ({
        %run_scoped3A = tpu.sem_alloc : memref<!tpu.dma_semaphore, #tpu.memory_space<semaphore_mem>>
        %dma_start3A_148 = arith.constant 0 : i32
        %dma_start3A_149 = tpu.memref_slice %arg5[%add3A_147, %dma_start3A_148] : memref<20000x128xbf16, #tpu.memory_space<hbm>> -> memref<624x128xbf16, #tpu.memory_space<hbm>>
        %dma_start3A_150 = arith.constant 0 : i32
        %dma_start3A_151 = tpu.memref_slice %arg9[%mul3A_142, %dma_start3A_150] : memref<10000x128xbf16, #tpu.memory_space<vmem_shared>> -> memref<624x128xbf16, #tpu.memory_space<vmem_shared>>
        tpu.enqueue_dma source(%dma_start3A_151 : memref<624x128xbf16, #tpu.memory_space<vmem_shared>>) target(%dma_start3A_149 : memref<624x128xbf16, #tpu.memory_space<hbm>>) target_semaphore(%run_scoped3A : memref<!tpu.dma_semaphore, #tpu.memory_space<semaphore_mem>>)
        %dma_wait3A_152 = arith.constant 0 : i32
        %dma_wait3A_153 = tpu.memref_slice %arg5[%add3A_147, %dma_wait3A_152] : memref<20000x128xbf16, #tpu.memory_space<hbm>> -> memref<624x128xbf16, #tpu.memory_space<hbm>>
        %dma_wait3A_154 = arith.constant 0 : i32
        %dma_wait3A_155 = tpu.memref_slice %arg9[%mul3A_142, %dma_wait3A_154] : memref<10000x128xbf16, #tpu.memory_space<vmem_shared>> -> memref<624x128xbf16, #tpu.memory_space<vmem_shared>>
        tpu.wait_dma2 semaphore(%run_scoped3A : memref<!tpu.dma_semaphore, #tpu.memory_space<semaphore_mem>>) src(%dma_wait3A_155 : memref<624x128xbf16, #tpu.memory_space<vmem_shared>>) dst(%dma_wait3A_153 : memref<624x128xbf16, #tpu.memory_space<hbm>>)
        tpu.yield
      }) : () -> ()
    } else {
    }
    %eq3A_136 = arith.constant 15 : i32
    %eq3A_137 = arith.cmpi eq, %arg1, %eq3A_136 : i32
    %convert_element_type3A_138 = arith.extui %eq3A_137 : i1 to i32
    %cond3A_139 = arith.constant 0 : i32
    %cond3A_140 = arith.cmpi ne, %convert_element_type3A_138, %cond3A_139 : i32
    scf.if %cond3A_140 {
      %mul3A_141 = arith.constant 10000 : i32
      %mul3A_142 = arith.muli %arg0, %mul3A_141 : i32
      %add3A_143 = arith.constant 9360 : i32
      %add3A_144 = arith.addi %mul3A_142, %add3A_143 : i32
      "tpu.region"() ({
        %run_scoped3A = tpu.sem_alloc : memref<!tpu.dma_semaphore, #tpu.memory_space<semaphore_mem>>
        %dma_start3A_145 = arith.constant 0 : i32
        %dma_start3A_146 = tpu.memref_slice %arg5[%add3A_144, %dma_start3A_145] : memref<20000x128xbf16, #tpu.memory_space<hbm>> -> memref<640x128xbf16, #tpu.memory_space<hbm>>
        %dma_start3A_147 = arith.constant 9360 : i32
        %dma_start3A_148 = arith.constant 0 : i32
        %dma_start3A_149 = tpu.memref_slice %arg9[%dma_start3A_147, %dma_start3A_148] : memref<10000x128xbf16, #tpu.memory_space<vmem_shared>> -> memref<640x128xbf16, #tpu.memory_space<vmem_shared>>
        tpu.enqueue_dma source(%dma_start3A_149 : memref<640x128xbf16, #tpu.memory_space<vmem_shared>>) target(%dma_start3A_146 : memref<640x128xbf16, #tpu.memory_space<hbm>>) target_semaphore(%run_scoped3A : memref<!tpu.dma_semaphore, #tpu.memory_space<semaphore_mem>>)
        %dma_wait3A_150 = arith.constant 0 : i32
        %dma_wait3A_151 = tpu.memref_slice %arg5[%add3A_144, %dma_wait3A_150] : memref<20000x128xbf16, #tpu.memory_space<hbm>> -> memref<640x128xbf16, #tpu.memory_space<hbm>>
        %dma_wait3A_152 = arith.constant 9360 : i32
        %dma_wait3A_153 = arith.constant 0 : i32
        %dma_wait3A_154 = tpu.memref_slice %arg9[%dma_wait3A_152, %dma_wait3A_153] : memref<10000x128xbf16, #tpu.memory_space<vmem_shared>> -> memref<640x128xbf16, #tpu.memory_space<vmem_shared>>
        tpu.wait_dma2 semaphore(%run_scoped3A : memref<!tpu.dma_semaphore, #tpu.memory_space<semaphore_mem>>) src(%dma_wait3A_154 : memref<640x128xbf16, #tpu.memory_space<vmem_shared>>) dst(%dma_wait3A_151 : memref<640x128xbf16, #tpu.memory_space<hbm>>)
        tpu.yield
      }) : () -> ()
    } else {
    }
    return
  }
}

#map = affine_map<(d0, d1) -> (0, 0)>
#map1 = affine_map<(d0, d1) -> (0, 0, 0)>
module attributes {stable_mosaic.version = 14 : i64} {
  func.func @_sc_prop(%arg0: i32, %arg1: i32, %arg2: memref<10000x64xbf16, #tpu.memory_space<hbm>>, %arg3: memref<32x125x80xi32, #tpu.memory_space<hbm>>, %arg4: memref<32x125x80xi32, #tpu.memory_space<hbm>>, %arg5: memref<20000x64xbf16, #tpu.memory_space<hbm>>, %arg6: memref<125x80xi32, #tpu.memory_space<vmem>>, %arg7: memref<125x80xi32, #tpu.memory_space<vmem>>, %arg8: memref<5x80x64xbf16, #tpu.memory_space<vmem>>, %arg9: memref<10000x64xbf16, #tpu.memory_space<vmem_shared>>, %arg10: memref<!tpu.dma_semaphore, #tpu.memory_space<semaphore_mem>>, %arg11: memref<!tpu.dma_semaphore, #tpu.memory_space<semaphore_mem>>, %arg12: memref<!tpu.dma_semaphore, #tpu.memory_space<semaphore_mem>>, %arg13: memref<!tpu.dma_semaphore, #tpu.memory_space<semaphore_mem>>, %arg14: memref<!tpu.dma_semaphore, #tpu.memory_space<semaphore_mem>>, %arg15: memref<!tpu.dma_semaphore, #tpu.memory_space<semaphore_mem>>, %arg16: memref<!tpu.dma_semaphore, #tpu.memory_space<semaphore_mem>>, %arg17: memref<!tpu.dma_semaphore, #tpu.memory_space<semaphore_mem>>, %arg18: memref<!tpu.dma_semaphore, #tpu.memory_space<semaphore_mem>>, %arg19: memref<!tpu.dma_semaphore, #tpu.memory_space<semaphore_mem>>) attributes {dimension_semantics = [#tpu.dimension_semantics<core_parallel>, #tpu.dimension_semantics<subcore_parallel>], iteration_bounds = array<i64: 2, 16>, scalar_prefetch = 0 : i64, scratch_operands = 14 : i64, tpu.core_type = #tpu.core_type<sc_vector_subcore>, window_params = [{transform_indices = #map}, {transform_indices = #map1}, {transform_indices = #map1}, {transform_indices = #map}]} {
    %mul3A = arith.constant 16 : i32
    %mul3A_0 = arith.muli %arg0, %mul3A : i32
    %add3A = arith.addi %mul3A_0, %arg1 : i32
    "tpu.region"() ({
      %run_scoped3A = tpu.sem_alloc : memref<!tpu.dma_semaphore, #tpu.memory_space<semaphore_mem>>
      %dma_start3A_141 = arith.constant 0 : i32
      %dma_start3A_142 = arith.constant 0 : i32
      %dma_start3A_143 = tpu.memref_slice %arg3[%add3A, %dma_start3A_141, %dma_start3A_142] : memref<32x125x80xi32, #tpu.memory_space<hbm>> -> memref<1x125x80xi32, #tpu.memory_space<hbm>>
      %dma_start3A_144 = tpu.memref_squeeze %dma_start3A_143 : memref<1x125x80xi32, #tpu.memory_space<hbm>> -> memref<125x80xi32, #tpu.memory_space<hbm>>
      %dma_start3A_145 = arith.constant 0 : i32
      %dma_start3A_146 = arith.constant 0 : i32
      %dma_start3A_147 = tpu.memref_slice %arg3[%add3A, %dma_start3A_145, %dma_start3A_146] : memref<32x125x80xi32, #tpu.memory_space<hbm>> -> memref<1x125x80xi32, #tpu.memory_space<hbm>>
      %dma_start3A_148 = tpu.memref_squeeze %dma_start3A_147 : memref<1x125x80xi32, #tpu.memory_space<hbm>> -> memref<125x80xi32, #tpu.memory_space<hbm>>
      tpu.enqueue_dma source(%dma_start3A_148 : memref<125x80xi32, #tpu.memory_space<hbm>>) target(%arg6 : memref<125x80xi32, #tpu.memory_space<vmem>>) target_semaphore(%run_scoped3A : memref<!tpu.dma_semaphore, #tpu.memory_space<semaphore_mem>>)
      %dma_wait3A_149 = arith.constant 0 : i32
      %dma_wait3A_150 = arith.constant 0 : i32
      %dma_wait3A_151 = tpu.memref_slice %arg3[%add3A, %dma_wait3A_149, %dma_wait3A_150] : memref<32x125x80xi32, #tpu.memory_space<hbm>> -> memref<1x125x80xi32, #tpu.memory_space<hbm>>
      %dma_wait3A_152 = tpu.memref_squeeze %dma_wait3A_151 : memref<1x125x80xi32, #tpu.memory_space<hbm>> -> memref<125x80xi32, #tpu.memory_space<hbm>>
      %dma_wait3A_153 = arith.constant 0 : i32
      %dma_wait3A_154 = arith.constant 0 : i32
      %dma_wait3A_155 = tpu.memref_slice %arg3[%add3A, %dma_wait3A_153, %dma_wait3A_154] : memref<32x125x80xi32, #tpu.memory_space<hbm>> -> memref<1x125x80xi32, #tpu.memory_space<hbm>>
      %dma_wait3A_156 = tpu.memref_squeeze %dma_wait3A_155 : memref<1x125x80xi32, #tpu.memory_space<hbm>> -> memref<125x80xi32, #tpu.memory_space<hbm>>
      tpu.wait_dma2 semaphore(%run_scoped3A : memref<!tpu.dma_semaphore, #tpu.memory_space<semaphore_mem>>) src(%dma_wait3A_156 : memref<125x80xi32, #tpu.memory_space<hbm>>) dst(%arg6 : memref<125x80xi32, #tpu.memory_space<vmem>>)
      tpu.yield
    }) : () -> ()
    "tpu.region"() ({
      %run_scoped3A = tpu.sem_alloc : memref<!tpu.dma_semaphore, #tpu.memory_space<semaphore_mem>>
      %dma_start3A_141 = arith.constant 0 : i32
      %dma_start3A_142 = arith.constant 0 : i32
      %dma_start3A_143 = tpu.memref_slice %arg4[%add3A, %dma_start3A_141, %dma_start3A_142] : memref<32x125x80xi32, #tpu.memory_space<hbm>> -> memref<1x125x80xi32, #tpu.memory_space<hbm>>
      %dma_start3A_144 = tpu.memref_squeeze %dma_start3A_143 : memref<1x125x80xi32, #tpu.memory_space<hbm>> -> memref<125x80xi32, #tpu.memory_space<hbm>>
      %dma_start3A_145 = arith.constant 0 : i32
      %dma_start3A_146 = arith.constant 0 : i32
      %dma_start3A_147 = tpu.memref_slice %arg4[%add3A, %dma_start3A_145, %dma_start3A_146] : memref<32x125x80xi32, #tpu.memory_space<hbm>> -> memref<1x125x80xi32, #tpu.memory_space<hbm>>
      %dma_start3A_148 = tpu.memref_squeeze %dma_start3A_147 : memref<1x125x80xi32, #tpu.memory_space<hbm>> -> memref<125x80xi32, #tpu.memory_space<hbm>>
      tpu.enqueue_dma source(%dma_start3A_148 : memref<125x80xi32, #tpu.memory_space<hbm>>) target(%arg7 : memref<125x80xi32, #tpu.memory_space<vmem>>) target_semaphore(%run_scoped3A : memref<!tpu.dma_semaphore, #tpu.memory_space<semaphore_mem>>)
      %dma_wait3A_149 = arith.constant 0 : i32
      %dma_wait3A_150 = arith.constant 0 : i32
      %dma_wait3A_151 = tpu.memref_slice %arg4[%add3A, %dma_wait3A_149, %dma_wait3A_150] : memref<32x125x80xi32, #tpu.memory_space<hbm>> -> memref<1x125x80xi32, #tpu.memory_space<hbm>>
      %dma_wait3A_152 = tpu.memref_squeeze %dma_wait3A_151 : memref<1x125x80xi32, #tpu.memory_space<hbm>> -> memref<125x80xi32, #tpu.memory_space<hbm>>
      %dma_wait3A_153 = arith.constant 0 : i32
      %dma_wait3A_154 = arith.constant 0 : i32
      %dma_wait3A_155 = tpu.memref_slice %arg4[%add3A, %dma_wait3A_153, %dma_wait3A_154] : memref<32x125x80xi32, #tpu.memory_space<hbm>> -> memref<1x125x80xi32, #tpu.memory_space<hbm>>
      %dma_wait3A_156 = tpu.memref_squeeze %dma_wait3A_155 : memref<1x125x80xi32, #tpu.memory_space<hbm>> -> memref<125x80xi32, #tpu.memory_space<hbm>>
      tpu.wait_dma2 semaphore(%run_scoped3A : memref<!tpu.dma_semaphore, #tpu.memory_space<semaphore_mem>>) src(%dma_wait3A_156 : memref<125x80xi32, #tpu.memory_space<hbm>>) dst(%arg7 : memref<125x80xi32, #tpu.memory_space<vmem>>)
      tpu.yield
    }) : () -> ()
    %lt3A = arith.constant 15 : i32
    %lt3A_1 = arith.cmpi slt, %arg1, %lt3A : i32
    %convert_element_type3A = arith.extui %lt3A_1 : i1 to i32
    %cond3A = arith.constant 0 : i32
    %cond3A_2 = arith.cmpi ne, %convert_element_type3A, %cond3A : i32
    scf.if %cond3A_2 {
      %mul3A_141 = arith.constant 624 : i32
      %mul3A_142 = arith.muli %arg1, %mul3A_141 : i32
      %mul3A_143 = arith.constant 624 : i32
      %mul3A_144 = arith.muli %arg1, %mul3A_143 : i32
      "tpu.region"() ({
        %run_scoped3A = tpu.sem_alloc : memref<!tpu.dma_semaphore, #tpu.memory_space<semaphore_mem>>
        %dma_start3A_145 = arith.constant 0 : i32
        %dma_start3A_146 = tpu.memref_slice %arg9[%mul3A_144, %dma_start3A_145] : memref<10000x64xbf16, #tpu.memory_space<vmem_shared>> -> memref<624x64xbf16, #tpu.memory_space<vmem_shared>>
        %dma_start3A_147 = arith.constant 0 : i32
        %dma_start3A_148 = tpu.memref_slice %arg2[%mul3A_142, %dma_start3A_147] : memref<10000x64xbf16, #tpu.memory_space<hbm>> -> memref<624x64xbf16, #tpu.memory_space<hbm>>
        tpu.enqueue_dma source(%dma_start3A_148 : memref<624x64xbf16, #tpu.memory_space<hbm>>) target(%dma_start3A_146 : memref<624x64xbf16, #tpu.memory_space<vmem_shared>>) target_semaphore(%run_scoped3A : memref<!tpu.dma_semaphore, #tpu.memory_space<semaphore_mem>>)
        %dma_wait3A_149 = arith.constant 0 : i32
        %dma_wait3A_150 = tpu.memref_slice %arg9[%mul3A_144, %dma_wait3A_149] : memref<10000x64xbf16, #tpu.memory_space<vmem_shared>> -> memref<624x64xbf16, #tpu.memory_space<vmem_shared>>
        %dma_wait3A_151 = arith.constant 0 : i32
        %dma_wait3A_152 = tpu.memref_slice %arg2[%mul3A_142, %dma_wait3A_151] : memref<10000x64xbf16, #tpu.memory_space<hbm>> -> memref<624x64xbf16, #tpu.memory_space<hbm>>
        tpu.wait_dma2 semaphore(%run_scoped3A : memref<!tpu.dma_semaphore, #tpu.memory_space<semaphore_mem>>) src(%dma_wait3A_152 : memref<624x64xbf16, #tpu.memory_space<hbm>>) dst(%dma_wait3A_150 : memref<624x64xbf16, #tpu.memory_space<vmem_shared>>)
        tpu.yield
      }) : () -> ()
    } else {
    }
    %eq3A = arith.constant 15 : i32
    %eq3A_3 = arith.cmpi eq, %arg1, %eq3A : i32
    %convert_element_type3A_4 = arith.extui %eq3A_3 : i1 to i32
    %cond3A_5 = arith.constant 0 : i32
    %cond3A_6 = arith.cmpi ne, %convert_element_type3A_4, %cond3A_5 : i32
    scf.if %cond3A_6 {
      "tpu.region"() ({
        %run_scoped3A = tpu.sem_alloc : memref<!tpu.dma_semaphore, #tpu.memory_space<semaphore_mem>>
        %dma_start3A_141 = arith.constant 9360 : i32
        %dma_start3A_142 = arith.constant 0 : i32
        %dma_start3A_143 = tpu.memref_slice %arg9[%dma_start3A_141, %dma_start3A_142] : memref<10000x64xbf16, #tpu.memory_space<vmem_shared>> -> memref<640x64xbf16, #tpu.memory_space<vmem_shared>>
        %dma_start3A_144 = arith.constant 9360 : i32
        %dma_start3A_145 = arith.constant 0 : i32
        %dma_start3A_146 = tpu.memref_slice %arg2[%dma_start3A_144, %dma_start3A_145] : memref<10000x64xbf16, #tpu.memory_space<hbm>> -> memref<640x64xbf16, #tpu.memory_space<hbm>>
        tpu.enqueue_dma source(%dma_start3A_146 : memref<640x64xbf16, #tpu.memory_space<hbm>>) target(%dma_start3A_143 : memref<640x64xbf16, #tpu.memory_space<vmem_shared>>) target_semaphore(%run_scoped3A : memref<!tpu.dma_semaphore, #tpu.memory_space<semaphore_mem>>)
        %dma_wait3A_147 = arith.constant 9360 : i32
        %dma_wait3A_148 = arith.constant 0 : i32
        %dma_wait3A_149 = tpu.memref_slice %arg9[%dma_wait3A_147, %dma_wait3A_148] : memref<10000x64xbf16, #tpu.memory_space<vmem_shared>> -> memref<640x64xbf16, #tpu.memory_space<vmem_shared>>
        %dma_wait3A_150 = arith.constant 9360 : i32
        %dma_wait3A_151 = arith.constant 0 : i32
        %dma_wait3A_152 = tpu.memref_slice %arg2[%dma_wait3A_150, %dma_wait3A_151] : memref<10000x64xbf16, #tpu.memory_space<hbm>> -> memref<640x64xbf16, #tpu.memory_space<hbm>>
        tpu.wait_dma2 semaphore(%run_scoped3A : memref<!tpu.dma_semaphore, #tpu.memory_space<semaphore_mem>>) src(%dma_wait3A_152 : memref<640x64xbf16, #tpu.memory_space<hbm>>) dst(%dma_wait3A_149 : memref<640x64xbf16, #tpu.memory_space<vmem_shared>>)
        tpu.yield
      }) : () -> ()
    } else {
    }
    %barrier3A = arith.constant 0 : index
    tpu.barrier barrier_id(%barrier3A)
    %dma_start3A = arith.constant 0 : i32
    %dma_start3A_7 = arith.constant 0 : i32
    %dma_start3A_8 = arith.constant 0 : i32
    %dma_start3A_9 = arith.constant 0 : i32
    %dma_start3A_10 = tpu.memref_slice %arg8[%dma_start3A_7, %dma_start3A_8, %dma_start3A_9] : memref<5x80x64xbf16, #tpu.memory_space<vmem>> -> memref<1x80x64xbf16, #tpu.memory_space<vmem>>
    %dma_start3A_11 = tpu.memref_squeeze %dma_start3A_10 : memref<1x80x64xbf16, #tpu.memory_space<vmem>> -> memref<80x64xbf16, #tpu.memory_space<vmem>>
    %dma_start3A_12 = arith.constant 0 : i32
    %dma_start3A_13 = tpu.memref_slice %arg6[%dma_start3A, %dma_start3A_12] : memref<125x80xi32, #tpu.memory_space<vmem>> -> memref<1x80xi32, #tpu.memory_space<vmem>>
    %dma_start3A_14 = tpu.memref_squeeze %dma_start3A_13 : memref<1x80xi32, #tpu.memory_space<vmem>> -> memref<80xi32, #tpu.memory_space<vmem>>
    %dma_start3A_15 = arith.constant 0 : i32
    %dma_start3A_16 = arith.constant 0 : i32
    %dma_start3A_17 = tpu.memref_slice %arg2[%dma_start3A_15, %dma_start3A_16] : memref<10000x64xbf16, #tpu.memory_space<hbm>> -> memref<10000x64xbf16, #tpu.memory_space<hbm>>
    tpu.enqueue_indirect_dma source(%dma_start3A_17 : memref<10000x64xbf16, #tpu.memory_space<hbm>>) target(%dma_start3A_11 : memref<80x64xbf16, #tpu.memory_space<vmem>>) offsets(%dma_start3A_14 : memref<80xi32, #tpu.memory_space<vmem>>) semaphore(%arg10 : memref<!tpu.dma_semaphore, #tpu.memory_space<semaphore_mem>>)
    %dma_start3A_18 = arith.constant 1 : i32
    %dma_start3A_19 = arith.constant 1 : i32
    %dma_start3A_20 = arith.constant 0 : i32
    %dma_start3A_21 = arith.constant 0 : i32
    %dma_start3A_22 = tpu.memref_slice %arg8[%dma_start3A_19, %dma_start3A_20, %dma_start3A_21] : memref<5x80x64xbf16, #tpu.memory_space<vmem>> -> memref<1x80x64xbf16, #tpu.memory_space<vmem>>
    %dma_start3A_23 = tpu.memref_squeeze %dma_start3A_22 : memref<1x80x64xbf16, #tpu.memory_space<vmem>> -> memref<80x64xbf16, #tpu.memory_space<vmem>>
    %dma_start3A_24 = arith.constant 0 : i32
    %dma_start3A_25 = tpu.memref_slice %arg6[%dma_start3A_18, %dma_start3A_24] : memref<125x80xi32, #tpu.memory_space<vmem>> -> memref<1x80xi32, #tpu.memory_space<vmem>>
    %dma_start3A_26 = tpu.memref_squeeze %dma_start3A_25 : memref<1x80xi32, #tpu.memory_space<vmem>> -> memref<80xi32, #tpu.memory_space<vmem>>
    %dma_start3A_27 = arith.constant 0 : i32
    %dma_start3A_28 = arith.constant 0 : i32
    %dma_start3A_29 = tpu.memref_slice %arg2[%dma_start3A_27, %dma_start3A_28] : memref<10000x64xbf16, #tpu.memory_space<hbm>> -> memref<10000x64xbf16, #tpu.memory_space<hbm>>
    tpu.enqueue_indirect_dma source(%dma_start3A_29 : memref<10000x64xbf16, #tpu.memory_space<hbm>>) target(%dma_start3A_23 : memref<80x64xbf16, #tpu.memory_space<vmem>>) offsets(%dma_start3A_26 : memref<80xi32, #tpu.memory_space<vmem>>) semaphore(%arg11 : memref<!tpu.dma_semaphore, #tpu.memory_space<semaphore_mem>>)
    %dma_start3A_30 = arith.constant 2 : i32
    %dma_start3A_31 = arith.constant 2 : i32
    %dma_start3A_32 = arith.constant 0 : i32
    %dma_start3A_33 = arith.constant 0 : i32
    %dma_start3A_34 = tpu.memref_slice %arg8[%dma_start3A_31, %dma_start3A_32, %dma_start3A_33] : memref<5x80x64xbf16, #tpu.memory_space<vmem>> -> memref<1x80x64xbf16, #tpu.memory_space<vmem>>
    %dma_start3A_35 = tpu.memref_squeeze %dma_start3A_34 : memref<1x80x64xbf16, #tpu.memory_space<vmem>> -> memref<80x64xbf16, #tpu.memory_space<vmem>>
    %dma_start3A_36 = arith.constant 0 : i32
    %dma_start3A_37 = tpu.memref_slice %arg6[%dma_start3A_30, %dma_start3A_36] : memref<125x80xi32, #tpu.memory_space<vmem>> -> memref<1x80xi32, #tpu.memory_space<vmem>>
    %dma_start3A_38 = tpu.memref_squeeze %dma_start3A_37 : memref<1x80xi32, #tpu.memory_space<vmem>> -> memref<80xi32, #tpu.memory_space<vmem>>
    %dma_start3A_39 = arith.constant 0 : i32
    %dma_start3A_40 = arith.constant 0 : i32
    %dma_start3A_41 = tpu.memref_slice %arg2[%dma_start3A_39, %dma_start3A_40] : memref<10000x64xbf16, #tpu.memory_space<hbm>> -> memref<10000x64xbf16, #tpu.memory_space<hbm>>
    tpu.enqueue_indirect_dma source(%dma_start3A_41 : memref<10000x64xbf16, #tpu.memory_space<hbm>>) target(%dma_start3A_35 : memref<80x64xbf16, #tpu.memory_space<vmem>>) offsets(%dma_start3A_38 : memref<80xi32, #tpu.memory_space<vmem>>) semaphore(%arg12 : memref<!tpu.dma_semaphore, #tpu.memory_space<semaphore_mem>>)
    %dma_start3A_42 = arith.constant 3 : i32
    %dma_start3A_43 = arith.constant 3 : i32
    %dma_start3A_44 = arith.constant 0 : i32
    %dma_start3A_45 = arith.constant 0 : i32
    %dma_start3A_46 = tpu.memref_slice %arg8[%dma_start3A_43, %dma_start3A_44, %dma_start3A_45] : memref<5x80x64xbf16, #tpu.memory_space<vmem>> -> memref<1x80x64xbf16, #tpu.memory_space<vmem>>
    %dma_start3A_47 = tpu.memref_squeeze %dma_start3A_46 : memref<1x80x64xbf16, #tpu.memory_space<vmem>> -> memref<80x64xbf16, #tpu.memory_space<vmem>>
    %dma_start3A_48 = arith.constant 0 : i32
    %dma_start3A_49 = tpu.memref_slice %arg6[%dma_start3A_42, %dma_start3A_48] : memref<125x80xi32, #tpu.memory_space<vmem>> -> memref<1x80xi32, #tpu.memory_space<vmem>>
    %dma_start3A_50 = tpu.memref_squeeze %dma_start3A_49 : memref<1x80xi32, #tpu.memory_space<vmem>> -> memref<80xi32, #tpu.memory_space<vmem>>
    %dma_start3A_51 = arith.constant 0 : i32
    %dma_start3A_52 = arith.constant 0 : i32
    %dma_start3A_53 = tpu.memref_slice %arg2[%dma_start3A_51, %dma_start3A_52] : memref<10000x64xbf16, #tpu.memory_space<hbm>> -> memref<10000x64xbf16, #tpu.memory_space<hbm>>
    tpu.enqueue_indirect_dma source(%dma_start3A_53 : memref<10000x64xbf16, #tpu.memory_space<hbm>>) target(%dma_start3A_47 : memref<80x64xbf16, #tpu.memory_space<vmem>>) offsets(%dma_start3A_50 : memref<80xi32, #tpu.memory_space<vmem>>) semaphore(%arg13 : memref<!tpu.dma_semaphore, #tpu.memory_space<semaphore_mem>>)
    %dma_start3A_54 = arith.constant 4 : i32
    %dma_start3A_55 = arith.constant 4 : i32
    %dma_start3A_56 = arith.constant 0 : i32
    %dma_start3A_57 = arith.constant 0 : i32
    %dma_start3A_58 = tpu.memref_slice %arg8[%dma_start3A_55, %dma_start3A_56, %dma_start3A_57] : memref<5x80x64xbf16, #tpu.memory_space<vmem>> -> memref<1x80x64xbf16, #tpu.memory_space<vmem>>
    %dma_start3A_59 = tpu.memref_squeeze %dma_start3A_58 : memref<1x80x64xbf16, #tpu.memory_space<vmem>> -> memref<80x64xbf16, #tpu.memory_space<vmem>>
    %dma_start3A_60 = arith.constant 0 : i32
    %dma_start3A_61 = tpu.memref_slice %arg6[%dma_start3A_54, %dma_start3A_60] : memref<125x80xi32, #tpu.memory_space<vmem>> -> memref<1x80xi32, #tpu.memory_space<vmem>>
    %dma_start3A_62 = tpu.memref_squeeze %dma_start3A_61 : memref<1x80xi32, #tpu.memory_space<vmem>> -> memref<80xi32, #tpu.memory_space<vmem>>
    %dma_start3A_63 = arith.constant 0 : i32
    %dma_start3A_64 = arith.constant 0 : i32
    %dma_start3A_65 = tpu.memref_slice %arg2[%dma_start3A_63, %dma_start3A_64] : memref<10000x64xbf16, #tpu.memory_space<hbm>> -> memref<10000x64xbf16, #tpu.memory_space<hbm>>
    tpu.enqueue_indirect_dma source(%dma_start3A_65 : memref<10000x64xbf16, #tpu.memory_space<hbm>>) target(%dma_start3A_59 : memref<80x64xbf16, #tpu.memory_space<vmem>>) offsets(%dma_start3A_62 : memref<80xi32, #tpu.memory_space<vmem>>) semaphore(%arg14 : memref<!tpu.dma_semaphore, #tpu.memory_space<semaphore_mem>>)
    %scan3A = arith.constant 0 : i32
    %scan3A_66 = arith.constant 0 : i32
    %scan3A_67 = arith.constant 25 : i32
    %scan3A_68 = arith.addi %scan3A_66, %scan3A_67 : i32
    %scan3A_69 = arith.constant 1 : i32
    scf.for %scan3A_141 = %scan3A_66 to %scan3A_68 step %scan3A_69  : i32 {
      %mul3A_142 = arith.constant 5 : i32
      %mul3A_143 = arith.muli %scan3A_141, %mul3A_142 : i32
      %add3A_144 = arith.constant 0 : i32
      %add3A_145 = arith.addi %mul3A_143, %add3A_144 : i32
      %dma_wait3A_146 = arith.constant 0 : i32
      %dma_wait3A_147 = arith.constant 0 : i32
      %dma_wait3A_148 = arith.constant 0 : i32
      %dma_wait3A_149 = tpu.memref_slice %arg8[%dma_wait3A_146, %dma_wait3A_147, %dma_wait3A_148] : memref<5x80x64xbf16, #tpu.memory_space<vmem>> -> memref<1x80x64xbf16, #tpu.memory_space<vmem>>
      %dma_wait3A_150 = tpu.memref_squeeze %dma_wait3A_149 : memref<1x80x64xbf16, #tpu.memory_space<vmem>> -> memref<80x64xbf16, #tpu.memory_space<vmem>>
      %dma_wait3A_151 = arith.constant 0 : i32
      %dma_wait3A_152 = tpu.memref_slice %arg6[%add3A_145, %dma_wait3A_151] : memref<125x80xi32, #tpu.memory_space<vmem>> -> memref<1x80xi32, #tpu.memory_space<vmem>>
      %dma_wait3A_153 = tpu.memref_squeeze %dma_wait3A_152 : memref<1x80xi32, #tpu.memory_space<vmem>> -> memref<80xi32, #tpu.memory_space<vmem>>
      %dma_wait3A_154 = arith.constant 0 : i32
      %dma_wait3A_155 = arith.constant 0 : i32
      %dma_wait3A_156 = tpu.memref_slice %arg2[%dma_wait3A_154, %dma_wait3A_155] : memref<10000x64xbf16, #tpu.memory_space<hbm>> -> memref<10000x64xbf16, #tpu.memory_space<hbm>>
      tpu.wait_indirect_dma semaphore(%arg10 : memref<!tpu.dma_semaphore, #tpu.memory_space<semaphore_mem>>) src(%dma_wait3A_156 : memref<10000x64xbf16, #tpu.memory_space<hbm>>) dst(%dma_wait3A_150 : memref<80x64xbf16, #tpu.memory_space<vmem>>)
      %dma_start3A_157 = arith.constant 0 : i32
      %dma_start3A_158 = arith.constant 0 : i32
      %dma_start3A_159 = arith.constant 0 : i32
      %dma_start3A_160 = tpu.memref_slice %arg8[%dma_start3A_157, %dma_start3A_158, %dma_start3A_159] : memref<5x80x64xbf16, #tpu.memory_space<vmem>> -> memref<1x80x64xbf16, #tpu.memory_space<vmem>>
      %dma_start3A_161 = tpu.memref_squeeze %dma_start3A_160 : memref<1x80x64xbf16, #tpu.memory_space<vmem>> -> memref<80x64xbf16, #tpu.memory_space<vmem>>
      %dma_start3A_162 = arith.constant 0 : i32
      %dma_start3A_163 = tpu.memref_slice %arg7[%add3A_145, %dma_start3A_162] : memref<125x80xi32, #tpu.memory_space<vmem>> -> memref<1x80xi32, #tpu.memory_space<vmem>>
      %dma_start3A_164 = tpu.memref_squeeze %dma_start3A_163 : memref<1x80xi32, #tpu.memory_space<vmem>> -> memref<80xi32, #tpu.memory_space<vmem>>
      %dma_start3A_165 = arith.constant 0 : i32
      %dma_start3A_166 = arith.constant 0 : i32
      %dma_start3A_167 = tpu.memref_slice %arg9[%dma_start3A_165, %dma_start3A_166] : memref<10000x64xbf16, #tpu.memory_space<vmem_shared>> -> memref<10000x64xbf16, #tpu.memory_space<vmem_shared>>
      tpu.enqueue_indirect_dma source(%dma_start3A_161 : memref<80x64xbf16, #tpu.memory_space<vmem>>) target(%dma_start3A_167 : memref<10000x64xbf16, #tpu.memory_space<vmem_shared>>) offsets(%dma_start3A_164 : memref<80xi32, #tpu.memory_space<vmem>>) semaphore(%arg15 : memref<!tpu.dma_semaphore, #tpu.memory_space<semaphore_mem>>) {add = true}
      %add3A_168 = arith.constant 5 : i32
      %add3A_169 = arith.addi %add3A_145, %add3A_168 : i32
      %lt3A_170 = arith.constant 125 : i32
      %lt3A_171 = arith.cmpi slt, %add3A_169, %lt3A_170 : i32
      %convert_element_type3A_172 = arith.extui %lt3A_171 : i1 to i32
      %cond3A_173 = arith.constant 0 : i32
      %cond3A_174 = arith.cmpi ne, %convert_element_type3A_172, %cond3A_173 : i32
      scf.if %cond3A_174 {
        %dma_wait3A_307 = arith.constant 0 : i32
        %dma_wait3A_308 = arith.constant 0 : i32
        %dma_wait3A_309 = arith.constant 0 : i32
        %dma_wait3A_310 = tpu.memref_slice %arg8[%dma_wait3A_307, %dma_wait3A_308, %dma_wait3A_309] : memref<5x80x64xbf16, #tpu.memory_space<vmem>> -> memref<1x80x64xbf16, #tpu.memory_space<vmem>>
        %dma_wait3A_311 = tpu.memref_squeeze %dma_wait3A_310 : memref<1x80x64xbf16, #tpu.memory_space<vmem>> -> memref<80x64xbf16, #tpu.memory_space<vmem>>
        %dma_wait3A_312 = arith.constant 0 : i32
        %dma_wait3A_313 = tpu.memref_slice %arg7[%add3A_145, %dma_wait3A_312] : memref<125x80xi32, #tpu.memory_space<vmem>> -> memref<1x80xi32, #tpu.memory_space<vmem>>
        %dma_wait3A_314 = tpu.memref_squeeze %dma_wait3A_313 : memref<1x80xi32, #tpu.memory_space<vmem>> -> memref<80xi32, #tpu.memory_space<vmem>>
        %dma_wait3A_315 = arith.constant 0 : i32
        %dma_wait3A_316 = arith.constant 0 : i32
        %dma_wait3A_317 = tpu.memref_slice %arg9[%dma_wait3A_315, %dma_wait3A_316] : memref<10000x64xbf16, #tpu.memory_space<vmem_shared>> -> memref<10000x64xbf16, #tpu.memory_space<vmem_shared>>
        tpu.wait_indirect_dma semaphore(%arg15 : memref<!tpu.dma_semaphore, #tpu.memory_space<semaphore_mem>>) src(%dma_wait3A_311 : memref<80x64xbf16, #tpu.memory_space<vmem>>) dst(%dma_wait3A_317 : memref<10000x64xbf16, #tpu.memory_space<vmem_shared>>)
        %add3A_318 = arith.constant 5 : i32
        %add3A_319 = arith.addi %add3A_145, %add3A_318 : i32
        %dma_start3A_320 = arith.constant 0 : i32
        %dma_start3A_321 = arith.constant 0 : i32
        %dma_start3A_322 = arith.constant 0 : i32
        %dma_start3A_323 = tpu.memref_slice %arg8[%dma_start3A_320, %dma_start3A_321, %dma_start3A_322] : memref<5x80x64xbf16, #tpu.memory_space<vmem>> -> memref<1x80x64xbf16, #tpu.memory_space<vmem>>
        %dma_start3A_324 = tpu.memref_squeeze %dma_start3A_323 : memref<1x80x64xbf16, #tpu.memory_space<vmem>> -> memref<80x64xbf16, #tpu.memory_space<vmem>>
        %dma_start3A_325 = arith.constant 0 : i32
        %dma_start3A_326 = tpu.memref_slice %arg6[%add3A_319, %dma_start3A_325] : memref<125x80xi32, #tpu.memory_space<vmem>> -> memref<1x80xi32, #tpu.memory_space<vmem>>
        %dma_start3A_327 = tpu.memref_squeeze %dma_start3A_326 : memref<1x80xi32, #tpu.memory_space<vmem>> -> memref<80xi32, #tpu.memory_space<vmem>>
        %dma_start3A_328 = arith.constant 0 : i32
        %dma_start3A_329 = arith.constant 0 : i32
        %dma_start3A_330 = tpu.memref_slice %arg2[%dma_start3A_328, %dma_start3A_329] : memref<10000x64xbf16, #tpu.memory_space<hbm>> -> memref<10000x64xbf16, #tpu.memory_space<hbm>>
        tpu.enqueue_indirect_dma source(%dma_start3A_330 : memref<10000x64xbf16, #tpu.memory_space<hbm>>) target(%dma_start3A_324 : memref<80x64xbf16, #tpu.memory_space<vmem>>) offsets(%dma_start3A_327 : memref<80xi32, #tpu.memory_space<vmem>>) semaphore(%arg10 : memref<!tpu.dma_semaphore, #tpu.memory_space<semaphore_mem>>)
      } else {
      }
      %mul3A_175 = arith.constant 5 : i32
      %mul3A_176 = arith.muli %scan3A_141, %mul3A_175 : i32
      %add3A_177 = arith.constant 1 : i32
      %add3A_178 = arith.addi %mul3A_176, %add3A_177 : i32
      %dma_wait3A_179 = arith.constant 1 : i32
      %dma_wait3A_180 = arith.constant 0 : i32
      %dma_wait3A_181 = arith.constant 0 : i32
      %dma_wait3A_182 = tpu.memref_slice %arg8[%dma_wait3A_179, %dma_wait3A_180, %dma_wait3A_181] : memref<5x80x64xbf16, #tpu.memory_space<vmem>> -> memref<1x80x64xbf16, #tpu.memory_space<vmem>>
      %dma_wait3A_183 = tpu.memref_squeeze %dma_wait3A_182 : memref<1x80x64xbf16, #tpu.memory_space<vmem>> -> memref<80x64xbf16, #tpu.memory_space<vmem>>
      %dma_wait3A_184 = arith.constant 0 : i32
      %dma_wait3A_185 = tpu.memref_slice %arg6[%add3A_178, %dma_wait3A_184] : memref<125x80xi32, #tpu.memory_space<vmem>> -> memref<1x80xi32, #tpu.memory_space<vmem>>
      %dma_wait3A_186 = tpu.memref_squeeze %dma_wait3A_185 : memref<1x80xi32, #tpu.memory_space<vmem>> -> memref<80xi32, #tpu.memory_space<vmem>>
      %dma_wait3A_187 = arith.constant 0 : i32
      %dma_wait3A_188 = arith.constant 0 : i32
      %dma_wait3A_189 = tpu.memref_slice %arg2[%dma_wait3A_187, %dma_wait3A_188] : memref<10000x64xbf16, #tpu.memory_space<hbm>> -> memref<10000x64xbf16, #tpu.memory_space<hbm>>
      tpu.wait_indirect_dma semaphore(%arg11 : memref<!tpu.dma_semaphore, #tpu.memory_space<semaphore_mem>>) src(%dma_wait3A_189 : memref<10000x64xbf16, #tpu.memory_space<hbm>>) dst(%dma_wait3A_183 : memref<80x64xbf16, #tpu.memory_space<vmem>>)
      %dma_start3A_190 = arith.constant 1 : i32
      %dma_start3A_191 = arith.constant 0 : i32
      %dma_start3A_192 = arith.constant 0 : i32
      %dma_start3A_193 = tpu.memref_slice %arg8[%dma_start3A_190, %dma_start3A_191, %dma_start3A_192] : memref<5x80x64xbf16, #tpu.memory_space<vmem>> -> memref<1x80x64xbf16, #tpu.memory_space<vmem>>
      %dma_start3A_194 = tpu.memref_squeeze %dma_start3A_193 : memref<1x80x64xbf16, #tpu.memory_space<vmem>> -> memref<80x64xbf16, #tpu.memory_space<vmem>>
      %dma_start3A_195 = arith.constant 0 : i32
      %dma_start3A_196 = tpu.memref_slice %arg7[%add3A_178, %dma_start3A_195] : memref<125x80xi32, #tpu.memory_space<vmem>> -> memref<1x80xi32, #tpu.memory_space<vmem>>
      %dma_start3A_197 = tpu.memref_squeeze %dma_start3A_196 : memref<1x80xi32, #tpu.memory_space<vmem>> -> memref<80xi32, #tpu.memory_space<vmem>>
      %dma_start3A_198 = arith.constant 0 : i32
      %dma_start3A_199 = arith.constant 0 : i32
      %dma_start3A_200 = tpu.memref_slice %arg9[%dma_start3A_198, %dma_start3A_199] : memref<10000x64xbf16, #tpu.memory_space<vmem_shared>> -> memref<10000x64xbf16, #tpu.memory_space<vmem_shared>>
      tpu.enqueue_indirect_dma source(%dma_start3A_194 : memref<80x64xbf16, #tpu.memory_space<vmem>>) target(%dma_start3A_200 : memref<10000x64xbf16, #tpu.memory_space<vmem_shared>>) offsets(%dma_start3A_197 : memref<80xi32, #tpu.memory_space<vmem>>) semaphore(%arg16 : memref<!tpu.dma_semaphore, #tpu.memory_space<semaphore_mem>>) {add = true}
      %add3A_201 = arith.constant 5 : i32
      %add3A_202 = arith.addi %add3A_178, %add3A_201 : i32
      %lt3A_203 = arith.constant 125 : i32
      %lt3A_204 = arith.cmpi slt, %add3A_202, %lt3A_203 : i32
      %convert_element_type3A_205 = arith.extui %lt3A_204 : i1 to i32
      %cond3A_206 = arith.constant 0 : i32
      %cond3A_207 = arith.cmpi ne, %convert_element_type3A_205, %cond3A_206 : i32
      scf.if %cond3A_207 {
        %dma_wait3A_307 = arith.constant 1 : i32
        %dma_wait3A_308 = arith.constant 0 : i32
        %dma_wait3A_309 = arith.constant 0 : i32
        %dma_wait3A_310 = tpu.memref_slice %arg8[%dma_wait3A_307, %dma_wait3A_308, %dma_wait3A_309] : memref<5x80x64xbf16, #tpu.memory_space<vmem>> -> memref<1x80x64xbf16, #tpu.memory_space<vmem>>
        %dma_wait3A_311 = tpu.memref_squeeze %dma_wait3A_310 : memref<1x80x64xbf16, #tpu.memory_space<vmem>> -> memref<80x64xbf16, #tpu.memory_space<vmem>>
        %dma_wait3A_312 = arith.constant 0 : i32
        %dma_wait3A_313 = tpu.memref_slice %arg7[%add3A_178, %dma_wait3A_312] : memref<125x80xi32, #tpu.memory_space<vmem>> -> memref<1x80xi32, #tpu.memory_space<vmem>>
        %dma_wait3A_314 = tpu.memref_squeeze %dma_wait3A_313 : memref<1x80xi32, #tpu.memory_space<vmem>> -> memref<80xi32, #tpu.memory_space<vmem>>
        %dma_wait3A_315 = arith.constant 0 : i32
        %dma_wait3A_316 = arith.constant 0 : i32
        %dma_wait3A_317 = tpu.memref_slice %arg9[%dma_wait3A_315, %dma_wait3A_316] : memref<10000x64xbf16, #tpu.memory_space<vmem_shared>> -> memref<10000x64xbf16, #tpu.memory_space<vmem_shared>>
        tpu.wait_indirect_dma semaphore(%arg16 : memref<!tpu.dma_semaphore, #tpu.memory_space<semaphore_mem>>) src(%dma_wait3A_311 : memref<80x64xbf16, #tpu.memory_space<vmem>>) dst(%dma_wait3A_317 : memref<10000x64xbf16, #tpu.memory_space<vmem_shared>>)
        %add3A_318 = arith.constant 5 : i32
        %add3A_319 = arith.addi %add3A_178, %add3A_318 : i32
        %dma_start3A_320 = arith.constant 1 : i32
        %dma_start3A_321 = arith.constant 0 : i32
        %dma_start3A_322 = arith.constant 0 : i32
        %dma_start3A_323 = tpu.memref_slice %arg8[%dma_start3A_320, %dma_start3A_321, %dma_start3A_322] : memref<5x80x64xbf16, #tpu.memory_space<vmem>> -> memref<1x80x64xbf16, #tpu.memory_space<vmem>>
        %dma_start3A_324 = tpu.memref_squeeze %dma_start3A_323 : memref<1x80x64xbf16, #tpu.memory_space<vmem>> -> memref<80x64xbf16, #tpu.memory_space<vmem>>
        %dma_start3A_325 = arith.constant 0 : i32
        %dma_start3A_326 = tpu.memref_slice %arg6[%add3A_319, %dma_start3A_325] : memref<125x80xi32, #tpu.memory_space<vmem>> -> memref<1x80xi32, #tpu.memory_space<vmem>>
        %dma_start3A_327 = tpu.memref_squeeze %dma_start3A_326 : memref<1x80xi32, #tpu.memory_space<vmem>> -> memref<80xi32, #tpu.memory_space<vmem>>
        %dma_start3A_328 = arith.constant 0 : i32
        %dma_start3A_329 = arith.constant 0 : i32
        %dma_start3A_330 = tpu.memref_slice %arg2[%dma_start3A_328, %dma_start3A_329] : memref<10000x64xbf16, #tpu.memory_space<hbm>> -> memref<10000x64xbf16, #tpu.memory_space<hbm>>
        tpu.enqueue_indirect_dma source(%dma_start3A_330 : memref<10000x64xbf16, #tpu.memory_space<hbm>>) target(%dma_start3A_324 : memref<80x64xbf16, #tpu.memory_space<vmem>>) offsets(%dma_start3A_327 : memref<80xi32, #tpu.memory_space<vmem>>) semaphore(%arg11 : memref<!tpu.dma_semaphore, #tpu.memory_space<semaphore_mem>>)
      } else {
      }
      %mul3A_208 = arith.constant 5 : i32
      %mul3A_209 = arith.muli %scan3A_141, %mul3A_208 : i32
      %add3A_210 = arith.constant 2 : i32
      %add3A_211 = arith.addi %mul3A_209, %add3A_210 : i32
      %dma_wait3A_212 = arith.constant 2 : i32
      %dma_wait3A_213 = arith.constant 0 : i32
      %dma_wait3A_214 = arith.constant 0 : i32
      %dma_wait3A_215 = tpu.memref_slice %arg8[%dma_wait3A_212, %dma_wait3A_213, %dma_wait3A_214] : memref<5x80x64xbf16, #tpu.memory_space<vmem>> -> memref<1x80x64xbf16, #tpu.memory_space<vmem>>
      %dma_wait3A_216 = tpu.memref_squeeze %dma_wait3A_215 : memref<1x80x64xbf16, #tpu.memory_space<vmem>> -> memref<80x64xbf16, #tpu.memory_space<vmem>>
      %dma_wait3A_217 = arith.constant 0 : i32
      %dma_wait3A_218 = tpu.memref_slice %arg6[%add3A_211, %dma_wait3A_217] : memref<125x80xi32, #tpu.memory_space<vmem>> -> memref<1x80xi32, #tpu.memory_space<vmem>>
      %dma_wait3A_219 = tpu.memref_squeeze %dma_wait3A_218 : memref<1x80xi32, #tpu.memory_space<vmem>> -> memref<80xi32, #tpu.memory_space<vmem>>
      %dma_wait3A_220 = arith.constant 0 : i32
      %dma_wait3A_221 = arith.constant 0 : i32
      %dma_wait3A_222 = tpu.memref_slice %arg2[%dma_wait3A_220, %dma_wait3A_221] : memref<10000x64xbf16, #tpu.memory_space<hbm>> -> memref<10000x64xbf16, #tpu.memory_space<hbm>>
      tpu.wait_indirect_dma semaphore(%arg12 : memref<!tpu.dma_semaphore, #tpu.memory_space<semaphore_mem>>) src(%dma_wait3A_222 : memref<10000x64xbf16, #tpu.memory_space<hbm>>) dst(%dma_wait3A_216 : memref<80x64xbf16, #tpu.memory_space<vmem>>)
      %dma_start3A_223 = arith.constant 2 : i32
      %dma_start3A_224 = arith.constant 0 : i32
      %dma_start3A_225 = arith.constant 0 : i32
      %dma_start3A_226 = tpu.memref_slice %arg8[%dma_start3A_223, %dma_start3A_224, %dma_start3A_225] : memref<5x80x64xbf16, #tpu.memory_space<vmem>> -> memref<1x80x64xbf16, #tpu.memory_space<vmem>>
      %dma_start3A_227 = tpu.memref_squeeze %dma_start3A_226 : memref<1x80x64xbf16, #tpu.memory_space<vmem>> -> memref<80x64xbf16, #tpu.memory_space<vmem>>
      %dma_start3A_228 = arith.constant 0 : i32
      %dma_start3A_229 = tpu.memref_slice %arg7[%add3A_211, %dma_start3A_228] : memref<125x80xi32, #tpu.memory_space<vmem>> -> memref<1x80xi32, #tpu.memory_space<vmem>>
      %dma_start3A_230 = tpu.memref_squeeze %dma_start3A_229 : memref<1x80xi32, #tpu.memory_space<vmem>> -> memref<80xi32, #tpu.memory_space<vmem>>
      %dma_start3A_231 = arith.constant 0 : i32
      %dma_start3A_232 = arith.constant 0 : i32
      %dma_start3A_233 = tpu.memref_slice %arg9[%dma_start3A_231, %dma_start3A_232] : memref<10000x64xbf16, #tpu.memory_space<vmem_shared>> -> memref<10000x64xbf16, #tpu.memory_space<vmem_shared>>
      tpu.enqueue_indirect_dma source(%dma_start3A_227 : memref<80x64xbf16, #tpu.memory_space<vmem>>) target(%dma_start3A_233 : memref<10000x64xbf16, #tpu.memory_space<vmem_shared>>) offsets(%dma_start3A_230 : memref<80xi32, #tpu.memory_space<vmem>>) semaphore(%arg17 : memref<!tpu.dma_semaphore, #tpu.memory_space<semaphore_mem>>) {add = true}
      %add3A_234 = arith.constant 5 : i32
      %add3A_235 = arith.addi %add3A_211, %add3A_234 : i32
      %lt3A_236 = arith.constant 125 : i32
      %lt3A_237 = arith.cmpi slt, %add3A_235, %lt3A_236 : i32
      %convert_element_type3A_238 = arith.extui %lt3A_237 : i1 to i32
      %cond3A_239 = arith.constant 0 : i32
      %cond3A_240 = arith.cmpi ne, %convert_element_type3A_238, %cond3A_239 : i32
      scf.if %cond3A_240 {
        %dma_wait3A_307 = arith.constant 2 : i32
        %dma_wait3A_308 = arith.constant 0 : i32
        %dma_wait3A_309 = arith.constant 0 : i32
        %dma_wait3A_310 = tpu.memref_slice %arg8[%dma_wait3A_307, %dma_wait3A_308, %dma_wait3A_309] : memref<5x80x64xbf16, #tpu.memory_space<vmem>> -> memref<1x80x64xbf16, #tpu.memory_space<vmem>>
        %dma_wait3A_311 = tpu.memref_squeeze %dma_wait3A_310 : memref<1x80x64xbf16, #tpu.memory_space<vmem>> -> memref<80x64xbf16, #tpu.memory_space<vmem>>
        %dma_wait3A_312 = arith.constant 0 : i32
        %dma_wait3A_313 = tpu.memref_slice %arg7[%add3A_211, %dma_wait3A_312] : memref<125x80xi32, #tpu.memory_space<vmem>> -> memref<1x80xi32, #tpu.memory_space<vmem>>
        %dma_wait3A_314 = tpu.memref_squeeze %dma_wait3A_313 : memref<1x80xi32, #tpu.memory_space<vmem>> -> memref<80xi32, #tpu.memory_space<vmem>>
        %dma_wait3A_315 = arith.constant 0 : i32
        %dma_wait3A_316 = arith.constant 0 : i32
        %dma_wait3A_317 = tpu.memref_slice %arg9[%dma_wait3A_315, %dma_wait3A_316] : memref<10000x64xbf16, #tpu.memory_space<vmem_shared>> -> memref<10000x64xbf16, #tpu.memory_space<vmem_shared>>
        tpu.wait_indirect_dma semaphore(%arg17 : memref<!tpu.dma_semaphore, #tpu.memory_space<semaphore_mem>>) src(%dma_wait3A_311 : memref<80x64xbf16, #tpu.memory_space<vmem>>) dst(%dma_wait3A_317 : memref<10000x64xbf16, #tpu.memory_space<vmem_shared>>)
        %add3A_318 = arith.constant 5 : i32
        %add3A_319 = arith.addi %add3A_211, %add3A_318 : i32
        %dma_start3A_320 = arith.constant 2 : i32
        %dma_start3A_321 = arith.constant 0 : i32
        %dma_start3A_322 = arith.constant 0 : i32
        %dma_start3A_323 = tpu.memref_slice %arg8[%dma_start3A_320, %dma_start3A_321, %dma_start3A_322] : memref<5x80x64xbf16, #tpu.memory_space<vmem>> -> memref<1x80x64xbf16, #tpu.memory_space<vmem>>
        %dma_start3A_324 = tpu.memref_squeeze %dma_start3A_323 : memref<1x80x64xbf16, #tpu.memory_space<vmem>> -> memref<80x64xbf16, #tpu.memory_space<vmem>>
        %dma_start3A_325 = arith.constant 0 : i32
        %dma_start3A_326 = tpu.memref_slice %arg6[%add3A_319, %dma_start3A_325] : memref<125x80xi32, #tpu.memory_space<vmem>> -> memref<1x80xi32, #tpu.memory_space<vmem>>
        %dma_start3A_327 = tpu.memref_squeeze %dma_start3A_326 : memref<1x80xi32, #tpu.memory_space<vmem>> -> memref<80xi32, #tpu.memory_space<vmem>>
        %dma_start3A_328 = arith.constant 0 : i32
        %dma_start3A_329 = arith.constant 0 : i32
        %dma_start3A_330 = tpu.memref_slice %arg2[%dma_start3A_328, %dma_start3A_329] : memref<10000x64xbf16, #tpu.memory_space<hbm>> -> memref<10000x64xbf16, #tpu.memory_space<hbm>>
        tpu.enqueue_indirect_dma source(%dma_start3A_330 : memref<10000x64xbf16, #tpu.memory_space<hbm>>) target(%dma_start3A_324 : memref<80x64xbf16, #tpu.memory_space<vmem>>) offsets(%dma_start3A_327 : memref<80xi32, #tpu.memory_space<vmem>>) semaphore(%arg12 : memref<!tpu.dma_semaphore, #tpu.memory_space<semaphore_mem>>)
      } else {
      }
      %mul3A_241 = arith.constant 5 : i32
      %mul3A_242 = arith.muli %scan3A_141, %mul3A_241 : i32
      %add3A_243 = arith.constant 3 : i32
      %add3A_244 = arith.addi %mul3A_242, %add3A_243 : i32
      %dma_wait3A_245 = arith.constant 3 : i32
      %dma_wait3A_246 = arith.constant 0 : i32
      %dma_wait3A_247 = arith.constant 0 : i32
      %dma_wait3A_248 = tpu.memref_slice %arg8[%dma_wait3A_245, %dma_wait3A_246, %dma_wait3A_247] : memref<5x80x64xbf16, #tpu.memory_space<vmem>> -> memref<1x80x64xbf16, #tpu.memory_space<vmem>>
      %dma_wait3A_249 = tpu.memref_squeeze %dma_wait3A_248 : memref<1x80x64xbf16, #tpu.memory_space<vmem>> -> memref<80x64xbf16, #tpu.memory_space<vmem>>
      %dma_wait3A_250 = arith.constant 0 : i32
      %dma_wait3A_251 = tpu.memref_slice %arg6[%add3A_244, %dma_wait3A_250] : memref<125x80xi32, #tpu.memory_space<vmem>> -> memref<1x80xi32, #tpu.memory_space<vmem>>
      %dma_wait3A_252 = tpu.memref_squeeze %dma_wait3A_251 : memref<1x80xi32, #tpu.memory_space<vmem>> -> memref<80xi32, #tpu.memory_space<vmem>>
      %dma_wait3A_253 = arith.constant 0 : i32
      %dma_wait3A_254 = arith.constant 0 : i32
      %dma_wait3A_255 = tpu.memref_slice %arg2[%dma_wait3A_253, %dma_wait3A_254] : memref<10000x64xbf16, #tpu.memory_space<hbm>> -> memref<10000x64xbf16, #tpu.memory_space<hbm>>
      tpu.wait_indirect_dma semaphore(%arg13 : memref<!tpu.dma_semaphore, #tpu.memory_space<semaphore_mem>>) src(%dma_wait3A_255 : memref<10000x64xbf16, #tpu.memory_space<hbm>>) dst(%dma_wait3A_249 : memref<80x64xbf16, #tpu.memory_space<vmem>>)
      %dma_start3A_256 = arith.constant 3 : i32
      %dma_start3A_257 = arith.constant 0 : i32
      %dma_start3A_258 = arith.constant 0 : i32
      %dma_start3A_259 = tpu.memref_slice %arg8[%dma_start3A_256, %dma_start3A_257, %dma_start3A_258] : memref<5x80x64xbf16, #tpu.memory_space<vmem>> -> memref<1x80x64xbf16, #tpu.memory_space<vmem>>
      %dma_start3A_260 = tpu.memref_squeeze %dma_start3A_259 : memref<1x80x64xbf16, #tpu.memory_space<vmem>> -> memref<80x64xbf16, #tpu.memory_space<vmem>>
      %dma_start3A_261 = arith.constant 0 : i32
      %dma_start3A_262 = tpu.memref_slice %arg7[%add3A_244, %dma_start3A_261] : memref<125x80xi32, #tpu.memory_space<vmem>> -> memref<1x80xi32, #tpu.memory_space<vmem>>
      %dma_start3A_263 = tpu.memref_squeeze %dma_start3A_262 : memref<1x80xi32, #tpu.memory_space<vmem>> -> memref<80xi32, #tpu.memory_space<vmem>>
      %dma_start3A_264 = arith.constant 0 : i32
      %dma_start3A_265 = arith.constant 0 : i32
      %dma_start3A_266 = tpu.memref_slice %arg9[%dma_start3A_264, %dma_start3A_265] : memref<10000x64xbf16, #tpu.memory_space<vmem_shared>> -> memref<10000x64xbf16, #tpu.memory_space<vmem_shared>>
      tpu.enqueue_indirect_dma source(%dma_start3A_260 : memref<80x64xbf16, #tpu.memory_space<vmem>>) target(%dma_start3A_266 : memref<10000x64xbf16, #tpu.memory_space<vmem_shared>>) offsets(%dma_start3A_263 : memref<80xi32, #tpu.memory_space<vmem>>) semaphore(%arg18 : memref<!tpu.dma_semaphore, #tpu.memory_space<semaphore_mem>>) {add = true}
      %add3A_267 = arith.constant 5 : i32
      %add3A_268 = arith.addi %add3A_244, %add3A_267 : i32
      %lt3A_269 = arith.constant 125 : i32
      %lt3A_270 = arith.cmpi slt, %add3A_268, %lt3A_269 : i32
      %convert_element_type3A_271 = arith.extui %lt3A_270 : i1 to i32
      %cond3A_272 = arith.constant 0 : i32
      %cond3A_273 = arith.cmpi ne, %convert_element_type3A_271, %cond3A_272 : i32
      scf.if %cond3A_273 {
        %dma_wait3A_307 = arith.constant 3 : i32
        %dma_wait3A_308 = arith.constant 0 : i32
        %dma_wait3A_309 = arith.constant 0 : i32
        %dma_wait3A_310 = tpu.memref_slice %arg8[%dma_wait3A_307, %dma_wait3A_308, %dma_wait3A_309] : memref<5x80x64xbf16, #tpu.memory_space<vmem>> -> memref<1x80x64xbf16, #tpu.memory_space<vmem>>
        %dma_wait3A_311 = tpu.memref_squeeze %dma_wait3A_310 : memref<1x80x64xbf16, #tpu.memory_space<vmem>> -> memref<80x64xbf16, #tpu.memory_space<vmem>>
        %dma_wait3A_312 = arith.constant 0 : i32
        %dma_wait3A_313 = tpu.memref_slice %arg7[%add3A_244, %dma_wait3A_312] : memref<125x80xi32, #tpu.memory_space<vmem>> -> memref<1x80xi32, #tpu.memory_space<vmem>>
        %dma_wait3A_314 = tpu.memref_squeeze %dma_wait3A_313 : memref<1x80xi32, #tpu.memory_space<vmem>> -> memref<80xi32, #tpu.memory_space<vmem>>
        %dma_wait3A_315 = arith.constant 0 : i32
        %dma_wait3A_316 = arith.constant 0 : i32
        %dma_wait3A_317 = tpu.memref_slice %arg9[%dma_wait3A_315, %dma_wait3A_316] : memref<10000x64xbf16, #tpu.memory_space<vmem_shared>> -> memref<10000x64xbf16, #tpu.memory_space<vmem_shared>>
        tpu.wait_indirect_dma semaphore(%arg18 : memref<!tpu.dma_semaphore, #tpu.memory_space<semaphore_mem>>) src(%dma_wait3A_311 : memref<80x64xbf16, #tpu.memory_space<vmem>>) dst(%dma_wait3A_317 : memref<10000x64xbf16, #tpu.memory_space<vmem_shared>>)
        %add3A_318 = arith.constant 5 : i32
        %add3A_319 = arith.addi %add3A_244, %add3A_318 : i32
        %dma_start3A_320 = arith.constant 3 : i32
        %dma_start3A_321 = arith.constant 0 : i32
        %dma_start3A_322 = arith.constant 0 : i32
        %dma_start3A_323 = tpu.memref_slice %arg8[%dma_start3A_320, %dma_start3A_321, %dma_start3A_322] : memref<5x80x64xbf16, #tpu.memory_space<vmem>> -> memref<1x80x64xbf16, #tpu.memory_space<vmem>>
        %dma_start3A_324 = tpu.memref_squeeze %dma_start3A_323 : memref<1x80x64xbf16, #tpu.memory_space<vmem>> -> memref<80x64xbf16, #tpu.memory_space<vmem>>
        %dma_start3A_325 = arith.constant 0 : i32
        %dma_start3A_326 = tpu.memref_slice %arg6[%add3A_319, %dma_start3A_325] : memref<125x80xi32, #tpu.memory_space<vmem>> -> memref<1x80xi32, #tpu.memory_space<vmem>>
        %dma_start3A_327 = tpu.memref_squeeze %dma_start3A_326 : memref<1x80xi32, #tpu.memory_space<vmem>> -> memref<80xi32, #tpu.memory_space<vmem>>
        %dma_start3A_328 = arith.constant 0 : i32
        %dma_start3A_329 = arith.constant 0 : i32
        %dma_start3A_330 = tpu.memref_slice %arg2[%dma_start3A_328, %dma_start3A_329] : memref<10000x64xbf16, #tpu.memory_space<hbm>> -> memref<10000x64xbf16, #tpu.memory_space<hbm>>
        tpu.enqueue_indirect_dma source(%dma_start3A_330 : memref<10000x64xbf16, #tpu.memory_space<hbm>>) target(%dma_start3A_324 : memref<80x64xbf16, #tpu.memory_space<vmem>>) offsets(%dma_start3A_327 : memref<80xi32, #tpu.memory_space<vmem>>) semaphore(%arg13 : memref<!tpu.dma_semaphore, #tpu.memory_space<semaphore_mem>>)
      } else {
      }
      %mul3A_274 = arith.constant 5 : i32
      %mul3A_275 = arith.muli %scan3A_141, %mul3A_274 : i32
      %add3A_276 = arith.constant 4 : i32
      %add3A_277 = arith.addi %mul3A_275, %add3A_276 : i32
      %dma_wait3A_278 = arith.constant 4 : i32
      %dma_wait3A_279 = arith.constant 0 : i32
      %dma_wait3A_280 = arith.constant 0 : i32
      %dma_wait3A_281 = tpu.memref_slice %arg8[%dma_wait3A_278, %dma_wait3A_279, %dma_wait3A_280] : memref<5x80x64xbf16, #tpu.memory_space<vmem>> -> memref<1x80x64xbf16, #tpu.memory_space<vmem>>
      %dma_wait3A_282 = tpu.memref_squeeze %dma_wait3A_281 : memref<1x80x64xbf16, #tpu.memory_space<vmem>> -> memref<80x64xbf16, #tpu.memory_space<vmem>>
      %dma_wait3A_283 = arith.constant 0 : i32
      %dma_wait3A_284 = tpu.memref_slice %arg6[%add3A_277, %dma_wait3A_283] : memref<125x80xi32, #tpu.memory_space<vmem>> -> memref<1x80xi32, #tpu.memory_space<vmem>>
      %dma_wait3A_285 = tpu.memref_squeeze %dma_wait3A_284 : memref<1x80xi32, #tpu.memory_space<vmem>> -> memref<80xi32, #tpu.memory_space<vmem>>
      %dma_wait3A_286 = arith.constant 0 : i32
      %dma_wait3A_287 = arith.constant 0 : i32
      %dma_wait3A_288 = tpu.memref_slice %arg2[%dma_wait3A_286, %dma_wait3A_287] : memref<10000x64xbf16, #tpu.memory_space<hbm>> -> memref<10000x64xbf16, #tpu.memory_space<hbm>>
      tpu.wait_indirect_dma semaphore(%arg14 : memref<!tpu.dma_semaphore, #tpu.memory_space<semaphore_mem>>) src(%dma_wait3A_288 : memref<10000x64xbf16, #tpu.memory_space<hbm>>) dst(%dma_wait3A_282 : memref<80x64xbf16, #tpu.memory_space<vmem>>)
      %dma_start3A_289 = arith.constant 4 : i32
      %dma_start3A_290 = arith.constant 0 : i32
      %dma_start3A_291 = arith.constant 0 : i32
      %dma_start3A_292 = tpu.memref_slice %arg8[%dma_start3A_289, %dma_start3A_290, %dma_start3A_291] : memref<5x80x64xbf16, #tpu.memory_space<vmem>> -> memref<1x80x64xbf16, #tpu.memory_space<vmem>>
      %dma_start3A_293 = tpu.memref_squeeze %dma_start3A_292 : memref<1x80x64xbf16, #tpu.memory_space<vmem>> -> memref<80x64xbf16, #tpu.memory_space<vmem>>
      %dma_start3A_294 = arith.constant 0 : i32
      %dma_start3A_295 = tpu.memref_slice %arg7[%add3A_277, %dma_start3A_294] : memref<125x80xi32, #tpu.memory_space<vmem>> -> memref<1x80xi32, #tpu.memory_space<vmem>>
      %dma_start3A_296 = tpu.memref_squeeze %dma_start3A_295 : memref<1x80xi32, #tpu.memory_space<vmem>> -> memref<80xi32, #tpu.memory_space<vmem>>
      %dma_start3A_297 = arith.constant 0 : i32
      %dma_start3A_298 = arith.constant 0 : i32
      %dma_start3A_299 = tpu.memref_slice %arg9[%dma_start3A_297, %dma_start3A_298] : memref<10000x64xbf16, #tpu.memory_space<vmem_shared>> -> memref<10000x64xbf16, #tpu.memory_space<vmem_shared>>
      tpu.enqueue_indirect_dma source(%dma_start3A_293 : memref<80x64xbf16, #tpu.memory_space<vmem>>) target(%dma_start3A_299 : memref<10000x64xbf16, #tpu.memory_space<vmem_shared>>) offsets(%dma_start3A_296 : memref<80xi32, #tpu.memory_space<vmem>>) semaphore(%arg19 : memref<!tpu.dma_semaphore, #tpu.memory_space<semaphore_mem>>) {add = true}
      %add3A_300 = arith.constant 5 : i32
      %add3A_301 = arith.addi %add3A_277, %add3A_300 : i32
      %lt3A_302 = arith.constant 125 : i32
      %lt3A_303 = arith.cmpi slt, %add3A_301, %lt3A_302 : i32
      %convert_element_type3A_304 = arith.extui %lt3A_303 : i1 to i32
      %cond3A_305 = arith.constant 0 : i32
      %cond3A_306 = arith.cmpi ne, %convert_element_type3A_304, %cond3A_305 : i32
      scf.if %cond3A_306 {
        %dma_wait3A_307 = arith.constant 4 : i32
        %dma_wait3A_308 = arith.constant 0 : i32
        %dma_wait3A_309 = arith.constant 0 : i32
        %dma_wait3A_310 = tpu.memref_slice %arg8[%dma_wait3A_307, %dma_wait3A_308, %dma_wait3A_309] : memref<5x80x64xbf16, #tpu.memory_space<vmem>> -> memref<1x80x64xbf16, #tpu.memory_space<vmem>>
        %dma_wait3A_311 = tpu.memref_squeeze %dma_wait3A_310 : memref<1x80x64xbf16, #tpu.memory_space<vmem>> -> memref<80x64xbf16, #tpu.memory_space<vmem>>
        %dma_wait3A_312 = arith.constant 0 : i32
        %dma_wait3A_313 = tpu.memref_slice %arg7[%add3A_277, %dma_wait3A_312] : memref<125x80xi32, #tpu.memory_space<vmem>> -> memref<1x80xi32, #tpu.memory_space<vmem>>
        %dma_wait3A_314 = tpu.memref_squeeze %dma_wait3A_313 : memref<1x80xi32, #tpu.memory_space<vmem>> -> memref<80xi32, #tpu.memory_space<vmem>>
        %dma_wait3A_315 = arith.constant 0 : i32
        %dma_wait3A_316 = arith.constant 0 : i32
        %dma_wait3A_317 = tpu.memref_slice %arg9[%dma_wait3A_315, %dma_wait3A_316] : memref<10000x64xbf16, #tpu.memory_space<vmem_shared>> -> memref<10000x64xbf16, #tpu.memory_space<vmem_shared>>
        tpu.wait_indirect_dma semaphore(%arg19 : memref<!tpu.dma_semaphore, #tpu.memory_space<semaphore_mem>>) src(%dma_wait3A_311 : memref<80x64xbf16, #tpu.memory_space<vmem>>) dst(%dma_wait3A_317 : memref<10000x64xbf16, #tpu.memory_space<vmem_shared>>)
        %add3A_318 = arith.constant 5 : i32
        %add3A_319 = arith.addi %add3A_277, %add3A_318 : i32
        %dma_start3A_320 = arith.constant 4 : i32
        %dma_start3A_321 = arith.constant 0 : i32
        %dma_start3A_322 = arith.constant 0 : i32
        %dma_start3A_323 = tpu.memref_slice %arg8[%dma_start3A_320, %dma_start3A_321, %dma_start3A_322] : memref<5x80x64xbf16, #tpu.memory_space<vmem>> -> memref<1x80x64xbf16, #tpu.memory_space<vmem>>
        %dma_start3A_324 = tpu.memref_squeeze %dma_start3A_323 : memref<1x80x64xbf16, #tpu.memory_space<vmem>> -> memref<80x64xbf16, #tpu.memory_space<vmem>>
        %dma_start3A_325 = arith.constant 0 : i32
        %dma_start3A_326 = tpu.memref_slice %arg6[%add3A_319, %dma_start3A_325] : memref<125x80xi32, #tpu.memory_space<vmem>> -> memref<1x80xi32, #tpu.memory_space<vmem>>
        %dma_start3A_327 = tpu.memref_squeeze %dma_start3A_326 : memref<1x80xi32, #tpu.memory_space<vmem>> -> memref<80xi32, #tpu.memory_space<vmem>>
        %dma_start3A_328 = arith.constant 0 : i32
        %dma_start3A_329 = arith.constant 0 : i32
        %dma_start3A_330 = tpu.memref_slice %arg2[%dma_start3A_328, %dma_start3A_329] : memref<10000x64xbf16, #tpu.memory_space<hbm>> -> memref<10000x64xbf16, #tpu.memory_space<hbm>>
        tpu.enqueue_indirect_dma source(%dma_start3A_330 : memref<10000x64xbf16, #tpu.memory_space<hbm>>) target(%dma_start3A_324 : memref<80x64xbf16, #tpu.memory_space<vmem>>) offsets(%dma_start3A_327 : memref<80xi32, #tpu.memory_space<vmem>>) semaphore(%arg14 : memref<!tpu.dma_semaphore, #tpu.memory_space<semaphore_mem>>)
      } else {
      }
    }
    %scan3A_70 = arith.constant 25 : i32
    %dma_wait3A = arith.constant 0 : i32
    %dma_wait3A_71 = arith.constant 120 : i32
    %dma_wait3A_72 = arith.constant 0 : i32
    %dma_wait3A_73 = arith.constant 0 : i32
    %dma_wait3A_74 = tpu.memref_slice %arg8[%dma_wait3A, %dma_wait3A_72, %dma_wait3A_73] : memref<5x80x64xbf16, #tpu.memory_space<vmem>> -> memref<1x80x64xbf16, #tpu.memory_space<vmem>>
    %dma_wait3A_75 = tpu.memref_squeeze %dma_wait3A_74 : memref<1x80x64xbf16, #tpu.memory_space<vmem>> -> memref<80x64xbf16, #tpu.memory_space<vmem>>
    %dma_wait3A_76 = arith.constant 0 : i32
    %dma_wait3A_77 = tpu.memref_slice %arg7[%dma_wait3A_71, %dma_wait3A_76] : memref<125x80xi32, #tpu.memory_space<vmem>> -> memref<1x80xi32, #tpu.memory_space<vmem>>
    %dma_wait3A_78 = tpu.memref_squeeze %dma_wait3A_77 : memref<1x80xi32, #tpu.memory_space<vmem>> -> memref<80xi32, #tpu.memory_space<vmem>>
    %dma_wait3A_79 = arith.constant 0 : i32
    %dma_wait3A_80 = arith.constant 0 : i32
    %dma_wait3A_81 = tpu.memref_slice %arg9[%dma_wait3A_79, %dma_wait3A_80] : memref<10000x64xbf16, #tpu.memory_space<vmem_shared>> -> memref<10000x64xbf16, #tpu.memory_space<vmem_shared>>
    tpu.wait_indirect_dma semaphore(%arg15 : memref<!tpu.dma_semaphore, #tpu.memory_space<semaphore_mem>>) src(%dma_wait3A_75 : memref<80x64xbf16, #tpu.memory_space<vmem>>) dst(%dma_wait3A_81 : memref<10000x64xbf16, #tpu.memory_space<vmem_shared>>)
    %dma_wait3A_82 = arith.constant 1 : i32
    %dma_wait3A_83 = arith.constant 121 : i32
    %dma_wait3A_84 = arith.constant 0 : i32
    %dma_wait3A_85 = arith.constant 0 : i32
    %dma_wait3A_86 = tpu.memref_slice %arg8[%dma_wait3A_82, %dma_wait3A_84, %dma_wait3A_85] : memref<5x80x64xbf16, #tpu.memory_space<vmem>> -> memref<1x80x64xbf16, #tpu.memory_space<vmem>>
    %dma_wait3A_87 = tpu.memref_squeeze %dma_wait3A_86 : memref<1x80x64xbf16, #tpu.memory_space<vmem>> -> memref<80x64xbf16, #tpu.memory_space<vmem>>
    %dma_wait3A_88 = arith.constant 0 : i32
    %dma_wait3A_89 = tpu.memref_slice %arg7[%dma_wait3A_83, %dma_wait3A_88] : memref<125x80xi32, #tpu.memory_space<vmem>> -> memref<1x80xi32, #tpu.memory_space<vmem>>
    %dma_wait3A_90 = tpu.memref_squeeze %dma_wait3A_89 : memref<1x80xi32, #tpu.memory_space<vmem>> -> memref<80xi32, #tpu.memory_space<vmem>>
    %dma_wait3A_91 = arith.constant 0 : i32
    %dma_wait3A_92 = arith.constant 0 : i32
    %dma_wait3A_93 = tpu.memref_slice %arg9[%dma_wait3A_91, %dma_wait3A_92] : memref<10000x64xbf16, #tpu.memory_space<vmem_shared>> -> memref<10000x64xbf16, #tpu.memory_space<vmem_shared>>
    tpu.wait_indirect_dma semaphore(%arg16 : memref<!tpu.dma_semaphore, #tpu.memory_space<semaphore_mem>>) src(%dma_wait3A_87 : memref<80x64xbf16, #tpu.memory_space<vmem>>) dst(%dma_wait3A_93 : memref<10000x64xbf16, #tpu.memory_space<vmem_shared>>)
    %dma_wait3A_94 = arith.constant 2 : i32
    %dma_wait3A_95 = arith.constant 122 : i32
    %dma_wait3A_96 = arith.constant 0 : i32
    %dma_wait3A_97 = arith.constant 0 : i32
    %dma_wait3A_98 = tpu.memref_slice %arg8[%dma_wait3A_94, %dma_wait3A_96, %dma_wait3A_97] : memref<5x80x64xbf16, #tpu.memory_space<vmem>> -> memref<1x80x64xbf16, #tpu.memory_space<vmem>>
    %dma_wait3A_99 = tpu.memref_squeeze %dma_wait3A_98 : memref<1x80x64xbf16, #tpu.memory_space<vmem>> -> memref<80x64xbf16, #tpu.memory_space<vmem>>
    %dma_wait3A_100 = arith.constant 0 : i32
    %dma_wait3A_101 = tpu.memref_slice %arg7[%dma_wait3A_95, %dma_wait3A_100] : memref<125x80xi32, #tpu.memory_space<vmem>> -> memref<1x80xi32, #tpu.memory_space<vmem>>
    %dma_wait3A_102 = tpu.memref_squeeze %dma_wait3A_101 : memref<1x80xi32, #tpu.memory_space<vmem>> -> memref<80xi32, #tpu.memory_space<vmem>>
    %dma_wait3A_103 = arith.constant 0 : i32
    %dma_wait3A_104 = arith.constant 0 : i32
    %dma_wait3A_105 = tpu.memref_slice %arg9[%dma_wait3A_103, %dma_wait3A_104] : memref<10000x64xbf16, #tpu.memory_space<vmem_shared>> -> memref<10000x64xbf16, #tpu.memory_space<vmem_shared>>
    tpu.wait_indirect_dma semaphore(%arg17 : memref<!tpu.dma_semaphore, #tpu.memory_space<semaphore_mem>>) src(%dma_wait3A_99 : memref<80x64xbf16, #tpu.memory_space<vmem>>) dst(%dma_wait3A_105 : memref<10000x64xbf16, #tpu.memory_space<vmem_shared>>)
    %dma_wait3A_106 = arith.constant 3 : i32
    %dma_wait3A_107 = arith.constant 123 : i32
    %dma_wait3A_108 = arith.constant 0 : i32
    %dma_wait3A_109 = arith.constant 0 : i32
    %dma_wait3A_110 = tpu.memref_slice %arg8[%dma_wait3A_106, %dma_wait3A_108, %dma_wait3A_109] : memref<5x80x64xbf16, #tpu.memory_space<vmem>> -> memref<1x80x64xbf16, #tpu.memory_space<vmem>>
    %dma_wait3A_111 = tpu.memref_squeeze %dma_wait3A_110 : memref<1x80x64xbf16, #tpu.memory_space<vmem>> -> memref<80x64xbf16, #tpu.memory_space<vmem>>
    %dma_wait3A_112 = arith.constant 0 : i32
    %dma_wait3A_113 = tpu.memref_slice %arg7[%dma_wait3A_107, %dma_wait3A_112] : memref<125x80xi32, #tpu.memory_space<vmem>> -> memref<1x80xi32, #tpu.memory_space<vmem>>
    %dma_wait3A_114 = tpu.memref_squeeze %dma_wait3A_113 : memref<1x80xi32, #tpu.memory_space<vmem>> -> memref<80xi32, #tpu.memory_space<vmem>>
    %dma_wait3A_115 = arith.constant 0 : i32
    %dma_wait3A_116 = arith.constant 0 : i32
    %dma_wait3A_117 = tpu.memref_slice %arg9[%dma_wait3A_115, %dma_wait3A_116] : memref<10000x64xbf16, #tpu.memory_space<vmem_shared>> -> memref<10000x64xbf16, #tpu.memory_space<vmem_shared>>
    tpu.wait_indirect_dma semaphore(%arg18 : memref<!tpu.dma_semaphore, #tpu.memory_space<semaphore_mem>>) src(%dma_wait3A_111 : memref<80x64xbf16, #tpu.memory_space<vmem>>) dst(%dma_wait3A_117 : memref<10000x64xbf16, #tpu.memory_space<vmem_shared>>)
    %dma_wait3A_118 = arith.constant 4 : i32
    %dma_wait3A_119 = arith.constant 124 : i32
    %dma_wait3A_120 = arith.constant 0 : i32
    %dma_wait3A_121 = arith.constant 0 : i32
    %dma_wait3A_122 = tpu.memref_slice %arg8[%dma_wait3A_118, %dma_wait3A_120, %dma_wait3A_121] : memref<5x80x64xbf16, #tpu.memory_space<vmem>> -> memref<1x80x64xbf16, #tpu.memory_space<vmem>>
    %dma_wait3A_123 = tpu.memref_squeeze %dma_wait3A_122 : memref<1x80x64xbf16, #tpu.memory_space<vmem>> -> memref<80x64xbf16, #tpu.memory_space<vmem>>
    %dma_wait3A_124 = arith.constant 0 : i32
    %dma_wait3A_125 = tpu.memref_slice %arg7[%dma_wait3A_119, %dma_wait3A_124] : memref<125x80xi32, #tpu.memory_space<vmem>> -> memref<1x80xi32, #tpu.memory_space<vmem>>
    %dma_wait3A_126 = tpu.memref_squeeze %dma_wait3A_125 : memref<1x80xi32, #tpu.memory_space<vmem>> -> memref<80xi32, #tpu.memory_space<vmem>>
    %dma_wait3A_127 = arith.constant 0 : i32
    %dma_wait3A_128 = arith.constant 0 : i32
    %dma_wait3A_129 = tpu.memref_slice %arg9[%dma_wait3A_127, %dma_wait3A_128] : memref<10000x64xbf16, #tpu.memory_space<vmem_shared>> -> memref<10000x64xbf16, #tpu.memory_space<vmem_shared>>
    tpu.wait_indirect_dma semaphore(%arg19 : memref<!tpu.dma_semaphore, #tpu.memory_space<semaphore_mem>>) src(%dma_wait3A_123 : memref<80x64xbf16, #tpu.memory_space<vmem>>) dst(%dma_wait3A_129 : memref<10000x64xbf16, #tpu.memory_space<vmem_shared>>)
    %barrier3A_130 = arith.constant 0 : index
    tpu.barrier barrier_id(%barrier3A_130)
    %lt3A_131 = arith.constant 15 : i32
    %lt3A_132 = arith.cmpi slt, %arg1, %lt3A_131 : i32
    %convert_element_type3A_133 = arith.extui %lt3A_132 : i1 to i32
    %cond3A_134 = arith.constant 0 : i32
    %cond3A_135 = arith.cmpi ne, %convert_element_type3A_133, %cond3A_134 : i32
    scf.if %cond3A_135 {
      %mul3A_141 = arith.constant 624 : i32
      %mul3A_142 = arith.muli %arg1, %mul3A_141 : i32
      %mul3A_143 = arith.constant 624 : i32
      %mul3A_144 = arith.muli %arg1, %mul3A_143 : i32
      %mul3A_145 = arith.constant 10000 : i32
      %mul3A_146 = arith.muli %arg0, %mul3A_145 : i32
      %add3A_147 = arith.addi %mul3A_146, %mul3A_144 : i32
      "tpu.region"() ({
        %run_scoped3A = tpu.sem_alloc : memref<!tpu.dma_semaphore, #tpu.memory_space<semaphore_mem>>
        %dma_start3A_148 = arith.constant 0 : i32
        %dma_start3A_149 = tpu.memref_slice %arg5[%add3A_147, %dma_start3A_148] : memref<20000x64xbf16, #tpu.memory_space<hbm>> -> memref<624x64xbf16, #tpu.memory_space<hbm>>
        %dma_start3A_150 = arith.constant 0 : i32
        %dma_start3A_151 = tpu.memref_slice %arg9[%mul3A_142, %dma_start3A_150] : memref<10000x64xbf16, #tpu.memory_space<vmem_shared>> -> memref<624x64xbf16, #tpu.memory_space<vmem_shared>>
        tpu.enqueue_dma source(%dma_start3A_151 : memref<624x64xbf16, #tpu.memory_space<vmem_shared>>) target(%dma_start3A_149 : memref<624x64xbf16, #tpu.memory_space<hbm>>) target_semaphore(%run_scoped3A : memref<!tpu.dma_semaphore, #tpu.memory_space<semaphore_mem>>)
        %dma_wait3A_152 = arith.constant 0 : i32
        %dma_wait3A_153 = tpu.memref_slice %arg5[%add3A_147, %dma_wait3A_152] : memref<20000x64xbf16, #tpu.memory_space<hbm>> -> memref<624x64xbf16, #tpu.memory_space<hbm>>
        %dma_wait3A_154 = arith.constant 0 : i32
        %dma_wait3A_155 = tpu.memref_slice %arg9[%mul3A_142, %dma_wait3A_154] : memref<10000x64xbf16, #tpu.memory_space<vmem_shared>> -> memref<624x64xbf16, #tpu.memory_space<vmem_shared>>
        tpu.wait_dma2 semaphore(%run_scoped3A : memref<!tpu.dma_semaphore, #tpu.memory_space<semaphore_mem>>) src(%dma_wait3A_155 : memref<624x64xbf16, #tpu.memory_space<vmem_shared>>) dst(%dma_wait3A_153 : memref<624x64xbf16, #tpu.memory_space<hbm>>)
        tpu.yield
      }) : () -> ()
    } else {
    }
    %eq3A_136 = arith.constant 15 : i32
    %eq3A_137 = arith.cmpi eq, %arg1, %eq3A_136 : i32
    %convert_element_type3A_138 = arith.extui %eq3A_137 : i1 to i32
    %cond3A_139 = arith.constant 0 : i32
    %cond3A_140 = arith.cmpi ne, %convert_element_type3A_138, %cond3A_139 : i32
    scf.if %cond3A_140 {
      %mul3A_141 = arith.constant 10000 : i32
      %mul3A_142 = arith.muli %arg0, %mul3A_141 : i32
      %add3A_143 = arith.constant 9360 : i32
      %add3A_144 = arith.addi %mul3A_142, %add3A_143 : i32
      "tpu.region"() ({
        %run_scoped3A = tpu.sem_alloc : memref<!tpu.dma_semaphore, #tpu.memory_space<semaphore_mem>>
        %dma_start3A_145 = arith.constant 0 : i32
        %dma_start3A_146 = tpu.memref_slice %arg5[%add3A_144, %dma_start3A_145] : memref<20000x64xbf16, #tpu.memory_space<hbm>> -> memref<640x64xbf16, #tpu.memory_space<hbm>>
        %dma_start3A_147 = arith.constant 9360 : i32
        %dma_start3A_148 = arith.constant 0 : i32
        %dma_start3A_149 = tpu.memref_slice %arg9[%dma_start3A_147, %dma_start3A_148] : memref<10000x64xbf16, #tpu.memory_space<vmem_shared>> -> memref<640x64xbf16, #tpu.memory_space<vmem_shared>>
        tpu.enqueue_dma source(%dma_start3A_149 : memref<640x64xbf16, #tpu.memory_space<vmem_shared>>) target(%dma_start3A_146 : memref<640x64xbf16, #tpu.memory_space<hbm>>) target_semaphore(%run_scoped3A : memref<!tpu.dma_semaphore, #tpu.memory_space<semaphore_mem>>)
        %dma_wait3A_150 = arith.constant 0 : i32
        %dma_wait3A_151 = tpu.memref_slice %arg5[%add3A_144, %dma_wait3A_150] : memref<20000x64xbf16, #tpu.memory_space<hbm>> -> memref<640x64xbf16, #tpu.memory_space<hbm>>
        %dma_wait3A_152 = arith.constant 9360 : i32
        %dma_wait3A_153 = arith.constant 0 : i32
        %dma_wait3A_154 = tpu.memref_slice %arg9[%dma_wait3A_152, %dma_wait3A_153] : memref<10000x64xbf16, #tpu.memory_space<vmem_shared>> -> memref<640x64xbf16, #tpu.memory_space<vmem_shared>>
        tpu.wait_dma2 semaphore(%run_scoped3A : memref<!tpu.dma_semaphore, #tpu.memory_space<semaphore_mem>>) src(%dma_wait3A_154 : memref<640x64xbf16, #tpu.memory_space<vmem_shared>>) dst(%dma_wait3A_151 : memref<640x64xbf16, #tpu.memory_space<hbm>>)
        tpu.yield
      }) : () -> ()
    } else {
    }
    return
  }
}

#map = affine_map<(d0, d1) -> (0, 0, 0)>
#map1 = affine_map<(d0, d1) -> (0, 0)>
module attributes {stable_mosaic.version = 14 : i64} {
  func.func @_sc_degree(%arg0: i32, %arg1: i32, %arg2: memref<32x250x40xi32, #tpu.memory_space<hbm>>, %arg3: memref<10000x8xf32, #tpu.memory_space<hbm>>, %arg4: memref<20000x8xf32, #tpu.memory_space<hbm>>, %arg5: memref<250x40xi32, #tpu.memory_space<vmem>>, %arg6: memref<40x8xf32, #tpu.memory_space<vmem>>, %arg7: memref<10000x8xf32, #tpu.memory_space<vmem_shared>>, %arg8: memref<!tpu.dma_semaphore, #tpu.memory_space<semaphore_mem>>) attributes {dimension_semantics = [#tpu.dimension_semantics<core_parallel>, #tpu.dimension_semantics<subcore_parallel>], iteration_bounds = array<i64: 2, 16>, scalar_prefetch = 0 : i64, scratch_operands = 4 : i64, tpu.core_type = #tpu.core_type<sc_vector_subcore>, window_params = [{transform_indices = #map}, {transform_indices = #map1}, {transform_indices = #map1}]} {
    %mul3A = arith.constant 16 : i32
    %mul3A_0 = arith.muli %arg0, %mul3A : i32
    %add3A = arith.addi %mul3A_0, %arg1 : i32
    "tpu.region"() ({
      %run_scoped3A = tpu.sem_alloc : memref<!tpu.dma_semaphore, #tpu.memory_space<semaphore_mem>>
      %dma_start3A = arith.constant 0 : i32
      %dma_start3A_23 = arith.constant 0 : i32
      %dma_start3A_24 = tpu.memref_slice %arg2[%add3A, %dma_start3A, %dma_start3A_23] : memref<32x250x40xi32, #tpu.memory_space<hbm>> -> memref<1x250x40xi32, #tpu.memory_space<hbm>>
      %dma_start3A_25 = tpu.memref_squeeze %dma_start3A_24 : memref<1x250x40xi32, #tpu.memory_space<hbm>> -> memref<250x40xi32, #tpu.memory_space<hbm>>
      %dma_start3A_26 = arith.constant 0 : i32
      %dma_start3A_27 = arith.constant 0 : i32
      %dma_start3A_28 = tpu.memref_slice %arg2[%add3A, %dma_start3A_26, %dma_start3A_27] : memref<32x250x40xi32, #tpu.memory_space<hbm>> -> memref<1x250x40xi32, #tpu.memory_space<hbm>>
      %dma_start3A_29 = tpu.memref_squeeze %dma_start3A_28 : memref<1x250x40xi32, #tpu.memory_space<hbm>> -> memref<250x40xi32, #tpu.memory_space<hbm>>
      tpu.enqueue_dma source(%dma_start3A_29 : memref<250x40xi32, #tpu.memory_space<hbm>>) target(%arg5 : memref<250x40xi32, #tpu.memory_space<vmem>>) target_semaphore(%run_scoped3A : memref<!tpu.dma_semaphore, #tpu.memory_space<semaphore_mem>>)
      %dma_wait3A = arith.constant 0 : i32
      %dma_wait3A_30 = arith.constant 0 : i32
      %dma_wait3A_31 = tpu.memref_slice %arg2[%add3A, %dma_wait3A, %dma_wait3A_30] : memref<32x250x40xi32, #tpu.memory_space<hbm>> -> memref<1x250x40xi32, #tpu.memory_space<hbm>>
      %dma_wait3A_32 = tpu.memref_squeeze %dma_wait3A_31 : memref<1x250x40xi32, #tpu.memory_space<hbm>> -> memref<250x40xi32, #tpu.memory_space<hbm>>
      %dma_wait3A_33 = arith.constant 0 : i32
      %dma_wait3A_34 = arith.constant 0 : i32
      %dma_wait3A_35 = tpu.memref_slice %arg2[%add3A, %dma_wait3A_33, %dma_wait3A_34] : memref<32x250x40xi32, #tpu.memory_space<hbm>> -> memref<1x250x40xi32, #tpu.memory_space<hbm>>
      %dma_wait3A_36 = tpu.memref_squeeze %dma_wait3A_35 : memref<1x250x40xi32, #tpu.memory_space<hbm>> -> memref<250x40xi32, #tpu.memory_space<hbm>>
      tpu.wait_dma2 semaphore(%run_scoped3A : memref<!tpu.dma_semaphore, #tpu.memory_space<semaphore_mem>>) src(%dma_wait3A_36 : memref<250x40xi32, #tpu.memory_space<hbm>>) dst(%arg5 : memref<250x40xi32, #tpu.memory_space<vmem>>)
      tpu.yield
    }) : () -> ()
    %lt3A = arith.constant 15 : i32
    %lt3A_1 = arith.cmpi slt, %arg1, %lt3A : i32
    %convert_element_type3A = arith.extui %lt3A_1 : i1 to i32
    %cond3A = arith.constant 0 : i32
    %cond3A_2 = arith.cmpi ne, %convert_element_type3A, %cond3A : i32
    scf.if %cond3A_2 {
      %mul3A_23 = arith.constant 624 : i32
      %mul3A_24 = arith.muli %arg1, %mul3A_23 : i32
      %mul3A_25 = arith.constant 624 : i32
      %mul3A_26 = arith.muli %arg1, %mul3A_25 : i32
      "tpu.region"() ({
        %run_scoped3A = tpu.sem_alloc : memref<!tpu.dma_semaphore, #tpu.memory_space<semaphore_mem>>
        %dma_start3A = arith.constant 0 : i32
        %dma_start3A_27 = tpu.memref_slice %arg7[%mul3A_26, %dma_start3A] : memref<10000x8xf32, #tpu.memory_space<vmem_shared>> -> memref<624x8xf32, #tpu.memory_space<vmem_shared>>
        %dma_start3A_28 = arith.constant 0 : i32
        %dma_start3A_29 = tpu.memref_slice %arg3[%mul3A_24, %dma_start3A_28] : memref<10000x8xf32, #tpu.memory_space<hbm>> -> memref<624x8xf32, #tpu.memory_space<hbm>>
        tpu.enqueue_dma source(%dma_start3A_29 : memref<624x8xf32, #tpu.memory_space<hbm>>) target(%dma_start3A_27 : memref<624x8xf32, #tpu.memory_space<vmem_shared>>) target_semaphore(%run_scoped3A : memref<!tpu.dma_semaphore, #tpu.memory_space<semaphore_mem>>)
        %dma_wait3A = arith.constant 0 : i32
        %dma_wait3A_30 = tpu.memref_slice %arg7[%mul3A_26, %dma_wait3A] : memref<10000x8xf32, #tpu.memory_space<vmem_shared>> -> memref<624x8xf32, #tpu.memory_space<vmem_shared>>
        %dma_wait3A_31 = arith.constant 0 : i32
        %dma_wait3A_32 = tpu.memref_slice %arg3[%mul3A_24, %dma_wait3A_31] : memref<10000x8xf32, #tpu.memory_space<hbm>> -> memref<624x8xf32, #tpu.memory_space<hbm>>
        tpu.wait_dma2 semaphore(%run_scoped3A : memref<!tpu.dma_semaphore, #tpu.memory_space<semaphore_mem>>) src(%dma_wait3A_32 : memref<624x8xf32, #tpu.memory_space<hbm>>) dst(%dma_wait3A_30 : memref<624x8xf32, #tpu.memory_space<vmem_shared>>)
        tpu.yield
      }) : () -> ()
    } else {
    }
    %eq3A = arith.constant 15 : i32
    %eq3A_3 = arith.cmpi eq, %arg1, %eq3A : i32
    %convert_element_type3A_4 = arith.extui %eq3A_3 : i1 to i32
    %cond3A_5 = arith.constant 0 : i32
    %cond3A_6 = arith.cmpi ne, %convert_element_type3A_4, %cond3A_5 : i32
    scf.if %cond3A_6 {
      "tpu.region"() ({
        %run_scoped3A = tpu.sem_alloc : memref<!tpu.dma_semaphore, #tpu.memory_space<semaphore_mem>>
        %dma_start3A = arith.constant 9360 : i32
        %dma_start3A_23 = arith.constant 0 : i32
        %dma_start3A_24 = tpu.memref_slice %arg7[%dma_start3A, %dma_start3A_23] : memref<10000x8xf32, #tpu.memory_space<vmem_shared>> -> memref<640x8xf32, #tpu.memory_space<vmem_shared>>
        %dma_start3A_25 = arith.constant 9360 : i32
        %dma_start3A_26 = arith.constant 0 : i32
        %dma_start3A_27 = tpu.memref_slice %arg3[%dma_start3A_25, %dma_start3A_26] : memref<10000x8xf32, #tpu.memory_space<hbm>> -> memref<640x8xf32, #tpu.memory_space<hbm>>
        tpu.enqueue_dma source(%dma_start3A_27 : memref<640x8xf32, #tpu.memory_space<hbm>>) target(%dma_start3A_24 : memref<640x8xf32, #tpu.memory_space<vmem_shared>>) target_semaphore(%run_scoped3A : memref<!tpu.dma_semaphore, #tpu.memory_space<semaphore_mem>>)
        %dma_wait3A = arith.constant 9360 : i32
        %dma_wait3A_28 = arith.constant 0 : i32
        %dma_wait3A_29 = tpu.memref_slice %arg7[%dma_wait3A, %dma_wait3A_28] : memref<10000x8xf32, #tpu.memory_space<vmem_shared>> -> memref<640x8xf32, #tpu.memory_space<vmem_shared>>
        %dma_wait3A_30 = arith.constant 9360 : i32
        %dma_wait3A_31 = arith.constant 0 : i32
        %dma_wait3A_32 = tpu.memref_slice %arg3[%dma_wait3A_30, %dma_wait3A_31] : memref<10000x8xf32, #tpu.memory_space<hbm>> -> memref<640x8xf32, #tpu.memory_space<hbm>>
        tpu.wait_dma2 semaphore(%run_scoped3A : memref<!tpu.dma_semaphore, #tpu.memory_space<semaphore_mem>>) src(%dma_wait3A_32 : memref<640x8xf32, #tpu.memory_space<hbm>>) dst(%dma_wait3A_29 : memref<640x8xf32, #tpu.memory_space<vmem_shared>>)
        tpu.yield
      }) : () -> ()
    } else {
    }
    "tpu.region"() ({
      %run_scoped3A = tpu.sem_alloc : memref<!tpu.dma_semaphore, #tpu.memory_space<semaphore_mem>>
      %dma_start3A = arith.constant 0 : i32
      %dma_start3A_23 = arith.constant 0 : i32
      %dma_start3A_24 = tpu.memref_slice %arg3[%dma_start3A, %dma_start3A_23] : memref<10000x8xf32, #tpu.memory_space<hbm>> -> memref<40x8xf32, #tpu.memory_space<hbm>>
      %dma_start3A_25 = arith.constant 0 : i32
      %dma_start3A_26 = arith.constant 0 : i32
      %dma_start3A_27 = tpu.memref_slice %arg3[%dma_start3A_25, %dma_start3A_26] : memref<10000x8xf32, #tpu.memory_space<hbm>> -> memref<40x8xf32, #tpu.memory_space<hbm>>
      tpu.enqueue_dma source(%dma_start3A_27 : memref<40x8xf32, #tpu.memory_space<hbm>>) target(%arg6 : memref<40x8xf32, #tpu.memory_space<vmem>>) target_semaphore(%run_scoped3A : memref<!tpu.dma_semaphore, #tpu.memory_space<semaphore_mem>>)
      %dma_wait3A = arith.constant 0 : i32
      %dma_wait3A_28 = arith.constant 0 : i32
      %dma_wait3A_29 = tpu.memref_slice %arg3[%dma_wait3A, %dma_wait3A_28] : memref<10000x8xf32, #tpu.memory_space<hbm>> -> memref<40x8xf32, #tpu.memory_space<hbm>>
      %dma_wait3A_30 = arith.constant 0 : i32
      %dma_wait3A_31 = arith.constant 0 : i32
      %dma_wait3A_32 = tpu.memref_slice %arg3[%dma_wait3A_30, %dma_wait3A_31] : memref<10000x8xf32, #tpu.memory_space<hbm>> -> memref<40x8xf32, #tpu.memory_space<hbm>>
      tpu.wait_dma2 semaphore(%run_scoped3A : memref<!tpu.dma_semaphore, #tpu.memory_space<semaphore_mem>>) src(%dma_wait3A_32 : memref<40x8xf32, #tpu.memory_space<hbm>>) dst(%arg6 : memref<40x8xf32, #tpu.memory_space<vmem>>)
      tpu.yield
    }) : () -> ()
    %barrier3A = arith.constant 0 : index
    tpu.barrier barrier_id(%barrier3A)
    %scan3A = arith.constant 0 : i32
    %scan3A_7 = arith.constant 0 : i32
    %scan3A_8 = arith.constant 50 : i32
    %scan3A_9 = arith.addi %scan3A_7, %scan3A_8 : i32
    %scan3A_10 = arith.constant 1 : i32
    scf.for %scan3A_23 = %scan3A_7 to %scan3A_9 step %scan3A_10  : i32 {
      %mul3A_24 = arith.constant 5 : i32
      %mul3A_25 = arith.muli %scan3A_23, %mul3A_24 : i32
      %add3A_26 = arith.constant 0 : i32
      %add3A_27 = arith.addi %mul3A_25, %add3A_26 : i32
      %dma_start3A = arith.constant 0 : i32
      %dma_start3A_28 = tpu.memref_slice %arg5[%add3A_27, %dma_start3A] : memref<250x40xi32, #tpu.memory_space<vmem>> -> memref<1x40xi32, #tpu.memory_space<vmem>>
      %dma_start3A_29 = tpu.memref_squeeze %dma_start3A_28 : memref<1x40xi32, #tpu.memory_space<vmem>> -> memref<40xi32, #tpu.memory_space<vmem>>
      %dma_start3A_30 = arith.constant 0 : i32
      %dma_start3A_31 = arith.constant 0 : i32
      %dma_start3A_32 = tpu.memref_slice %arg7[%dma_start3A_30, %dma_start3A_31] : memref<10000x8xf32, #tpu.memory_space<vmem_shared>> -> memref<10000x8xf32, #tpu.memory_space<vmem_shared>>
      tpu.enqueue_indirect_dma source(%arg6 : memref<40x8xf32, #tpu.memory_space<vmem>>) target(%dma_start3A_32 : memref<10000x8xf32, #tpu.memory_space<vmem_shared>>) offsets(%dma_start3A_29 : memref<40xi32, #tpu.memory_space<vmem>>) semaphore(%arg8 : memref<!tpu.dma_semaphore, #tpu.memory_space<semaphore_mem>>) {add = true}
      %mul3A_33 = arith.constant 5 : i32
      %mul3A_34 = arith.muli %scan3A_23, %mul3A_33 : i32
      %add3A_35 = arith.constant 1 : i32
      %add3A_36 = arith.addi %mul3A_34, %add3A_35 : i32
      %dma_start3A_37 = arith.constant 0 : i32
      %dma_start3A_38 = tpu.memref_slice %arg5[%add3A_36, %dma_start3A_37] : memref<250x40xi32, #tpu.memory_space<vmem>> -> memref<1x40xi32, #tpu.memory_space<vmem>>
      %dma_start3A_39 = tpu.memref_squeeze %dma_start3A_38 : memref<1x40xi32, #tpu.memory_space<vmem>> -> memref<40xi32, #tpu.memory_space<vmem>>
      %dma_start3A_40 = arith.constant 0 : i32
      %dma_start3A_41 = arith.constant 0 : i32
      %dma_start3A_42 = tpu.memref_slice %arg7[%dma_start3A_40, %dma_start3A_41] : memref<10000x8xf32, #tpu.memory_space<vmem_shared>> -> memref<10000x8xf32, #tpu.memory_space<vmem_shared>>
      tpu.enqueue_indirect_dma source(%arg6 : memref<40x8xf32, #tpu.memory_space<vmem>>) target(%dma_start3A_42 : memref<10000x8xf32, #tpu.memory_space<vmem_shared>>) offsets(%dma_start3A_39 : memref<40xi32, #tpu.memory_space<vmem>>) semaphore(%arg8 : memref<!tpu.dma_semaphore, #tpu.memory_space<semaphore_mem>>) {add = true}
      %mul3A_43 = arith.constant 5 : i32
      %mul3A_44 = arith.muli %scan3A_23, %mul3A_43 : i32
      %add3A_45 = arith.constant 2 : i32
      %add3A_46 = arith.addi %mul3A_44, %add3A_45 : i32
      %dma_start3A_47 = arith.constant 0 : i32
      %dma_start3A_48 = tpu.memref_slice %arg5[%add3A_46, %dma_start3A_47] : memref<250x40xi32, #tpu.memory_space<vmem>> -> memref<1x40xi32, #tpu.memory_space<vmem>>
      %dma_start3A_49 = tpu.memref_squeeze %dma_start3A_48 : memref<1x40xi32, #tpu.memory_space<vmem>> -> memref<40xi32, #tpu.memory_space<vmem>>
      %dma_start3A_50 = arith.constant 0 : i32
      %dma_start3A_51 = arith.constant 0 : i32
      %dma_start3A_52 = tpu.memref_slice %arg7[%dma_start3A_50, %dma_start3A_51] : memref<10000x8xf32, #tpu.memory_space<vmem_shared>> -> memref<10000x8xf32, #tpu.memory_space<vmem_shared>>
      tpu.enqueue_indirect_dma source(%arg6 : memref<40x8xf32, #tpu.memory_space<vmem>>) target(%dma_start3A_52 : memref<10000x8xf32, #tpu.memory_space<vmem_shared>>) offsets(%dma_start3A_49 : memref<40xi32, #tpu.memory_space<vmem>>) semaphore(%arg8 : memref<!tpu.dma_semaphore, #tpu.memory_space<semaphore_mem>>) {add = true}
      %mul3A_53 = arith.constant 5 : i32
      %mul3A_54 = arith.muli %scan3A_23, %mul3A_53 : i32
      %add3A_55 = arith.constant 3 : i32
      %add3A_56 = arith.addi %mul3A_54, %add3A_55 : i32
      %dma_start3A_57 = arith.constant 0 : i32
      %dma_start3A_58 = tpu.memref_slice %arg5[%add3A_56, %dma_start3A_57] : memref<250x40xi32, #tpu.memory_space<vmem>> -> memref<1x40xi32, #tpu.memory_space<vmem>>
      %dma_start3A_59 = tpu.memref_squeeze %dma_start3A_58 : memref<1x40xi32, #tpu.memory_space<vmem>> -> memref<40xi32, #tpu.memory_space<vmem>>
      %dma_start3A_60 = arith.constant 0 : i32
      %dma_start3A_61 = arith.constant 0 : i32
      %dma_start3A_62 = tpu.memref_slice %arg7[%dma_start3A_60, %dma_start3A_61] : memref<10000x8xf32, #tpu.memory_space<vmem_shared>> -> memref<10000x8xf32, #tpu.memory_space<vmem_shared>>
      tpu.enqueue_indirect_dma source(%arg6 : memref<40x8xf32, #tpu.memory_space<vmem>>) target(%dma_start3A_62 : memref<10000x8xf32, #tpu.memory_space<vmem_shared>>) offsets(%dma_start3A_59 : memref<40xi32, #tpu.memory_space<vmem>>) semaphore(%arg8 : memref<!tpu.dma_semaphore, #tpu.memory_space<semaphore_mem>>) {add = true}
      %mul3A_63 = arith.constant 5 : i32
      %mul3A_64 = arith.muli %scan3A_23, %mul3A_63 : i32
      %add3A_65 = arith.constant 4 : i32
      %add3A_66 = arith.addi %mul3A_64, %add3A_65 : i32
      %dma_start3A_67 = arith.constant 0 : i32
      %dma_start3A_68 = tpu.memref_slice %arg5[%add3A_66, %dma_start3A_67] : memref<250x40xi32, #tpu.memory_space<vmem>> -> memref<1x40xi32, #tpu.memory_space<vmem>>
      %dma_start3A_69 = tpu.memref_squeeze %dma_start3A_68 : memref<1x40xi32, #tpu.memory_space<vmem>> -> memref<40xi32, #tpu.memory_space<vmem>>
      %dma_start3A_70 = arith.constant 0 : i32
      %dma_start3A_71 = arith.constant 0 : i32
      %dma_start3A_72 = tpu.memref_slice %arg7[%dma_start3A_70, %dma_start3A_71] : memref<10000x8xf32, #tpu.memory_space<vmem_shared>> -> memref<10000x8xf32, #tpu.memory_space<vmem_shared>>
      tpu.enqueue_indirect_dma source(%arg6 : memref<40x8xf32, #tpu.memory_space<vmem>>) target(%dma_start3A_72 : memref<10000x8xf32, #tpu.memory_space<vmem_shared>>) offsets(%dma_start3A_69 : memref<40xi32, #tpu.memory_space<vmem>>) semaphore(%arg8 : memref<!tpu.dma_semaphore, #tpu.memory_space<semaphore_mem>>) {add = true}
      %mul3A_73 = arith.constant 5 : i32
      %mul3A_74 = arith.muli %scan3A_23, %mul3A_73 : i32
      %add3A_75 = arith.constant 0 : i32
      %add3A_76 = arith.addi %mul3A_74, %add3A_75 : i32
      %dma_wait3A = arith.constant 0 : i32
      %dma_wait3A_77 = tpu.memref_slice %arg5[%add3A_76, %dma_wait3A] : memref<250x40xi32, #tpu.memory_space<vmem>> -> memref<1x40xi32, #tpu.memory_space<vmem>>
      %dma_wait3A_78 = tpu.memref_squeeze %dma_wait3A_77 : memref<1x40xi32, #tpu.memory_space<vmem>> -> memref<40xi32, #tpu.memory_space<vmem>>
      %dma_wait3A_79 = arith.constant 0 : i32
      %dma_wait3A_80 = arith.constant 0 : i32
      %dma_wait3A_81 = tpu.memref_slice %arg7[%dma_wait3A_79, %dma_wait3A_80] : memref<10000x8xf32, #tpu.memory_space<vmem_shared>> -> memref<10000x8xf32, #tpu.memory_space<vmem_shared>>
      tpu.wait_indirect_dma semaphore(%arg8 : memref<!tpu.dma_semaphore, #tpu.memory_space<semaphore_mem>>) src(%arg6 : memref<40x8xf32, #tpu.memory_space<vmem>>) dst(%dma_wait3A_81 : memref<10000x8xf32, #tpu.memory_space<vmem_shared>>)
      %mul3A_82 = arith.constant 5 : i32
      %mul3A_83 = arith.muli %scan3A_23, %mul3A_82 : i32
      %add3A_84 = arith.constant 1 : i32
      %add3A_85 = arith.addi %mul3A_83, %add3A_84 : i32
      %dma_wait3A_86 = arith.constant 0 : i32
      %dma_wait3A_87 = tpu.memref_slice %arg5[%add3A_85, %dma_wait3A_86] : memref<250x40xi32, #tpu.memory_space<vmem>> -> memref<1x40xi32, #tpu.memory_space<vmem>>
      %dma_wait3A_88 = tpu.memref_squeeze %dma_wait3A_87 : memref<1x40xi32, #tpu.memory_space<vmem>> -> memref<40xi32, #tpu.memory_space<vmem>>
      %dma_wait3A_89 = arith.constant 0 : i32
      %dma_wait3A_90 = arith.constant 0 : i32
      %dma_wait3A_91 = tpu.memref_slice %arg7[%dma_wait3A_89, %dma_wait3A_90] : memref<10000x8xf32, #tpu.memory_space<vmem_shared>> -> memref<10000x8xf32, #tpu.memory_space<vmem_shared>>
      tpu.wait_indirect_dma semaphore(%arg8 : memref<!tpu.dma_semaphore, #tpu.memory_space<semaphore_mem>>) src(%arg6 : memref<40x8xf32, #tpu.memory_space<vmem>>) dst(%dma_wait3A_91 : memref<10000x8xf32, #tpu.memory_space<vmem_shared>>)
      %mul3A_92 = arith.constant 5 : i32
      %mul3A_93 = arith.muli %scan3A_23, %mul3A_92 : i32
      %add3A_94 = arith.constant 2 : i32
      %add3A_95 = arith.addi %mul3A_93, %add3A_94 : i32
      %dma_wait3A_96 = arith.constant 0 : i32
      %dma_wait3A_97 = tpu.memref_slice %arg5[%add3A_95, %dma_wait3A_96] : memref<250x40xi32, #tpu.memory_space<vmem>> -> memref<1x40xi32, #tpu.memory_space<vmem>>
      %dma_wait3A_98 = tpu.memref_squeeze %dma_wait3A_97 : memref<1x40xi32, #tpu.memory_space<vmem>> -> memref<40xi32, #tpu.memory_space<vmem>>
      %dma_wait3A_99 = arith.constant 0 : i32
      %dma_wait3A_100 = arith.constant 0 : i32
      %dma_wait3A_101 = tpu.memref_slice %arg7[%dma_wait3A_99, %dma_wait3A_100] : memref<10000x8xf32, #tpu.memory_space<vmem_shared>> -> memref<10000x8xf32, #tpu.memory_space<vmem_shared>>
      tpu.wait_indirect_dma semaphore(%arg8 : memref<!tpu.dma_semaphore, #tpu.memory_space<semaphore_mem>>) src(%arg6 : memref<40x8xf32, #tpu.memory_space<vmem>>) dst(%dma_wait3A_101 : memref<10000x8xf32, #tpu.memory_space<vmem_shared>>)
      %mul3A_102 = arith.constant 5 : i32
      %mul3A_103 = arith.muli %scan3A_23, %mul3A_102 : i32
      %add3A_104 = arith.constant 3 : i32
      %add3A_105 = arith.addi %mul3A_103, %add3A_104 : i32
      %dma_wait3A_106 = arith.constant 0 : i32
      %dma_wait3A_107 = tpu.memref_slice %arg5[%add3A_105, %dma_wait3A_106] : memref<250x40xi32, #tpu.memory_space<vmem>> -> memref<1x40xi32, #tpu.memory_space<vmem>>
      %dma_wait3A_108 = tpu.memref_squeeze %dma_wait3A_107 : memref<1x40xi32, #tpu.memory_space<vmem>> -> memref<40xi32, #tpu.memory_space<vmem>>
      %dma_wait3A_109 = arith.constant 0 : i32
      %dma_wait3A_110 = arith.constant 0 : i32
      %dma_wait3A_111 = tpu.memref_slice %arg7[%dma_wait3A_109, %dma_wait3A_110] : memref<10000x8xf32, #tpu.memory_space<vmem_shared>> -> memref<10000x8xf32, #tpu.memory_space<vmem_shared>>
      tpu.wait_indirect_dma semaphore(%arg8 : memref<!tpu.dma_semaphore, #tpu.memory_space<semaphore_mem>>) src(%arg6 : memref<40x8xf32, #tpu.memory_space<vmem>>) dst(%dma_wait3A_111 : memref<10000x8xf32, #tpu.memory_space<vmem_shared>>)
      %mul3A_112 = arith.constant 5 : i32
      %mul3A_113 = arith.muli %scan3A_23, %mul3A_112 : i32
      %add3A_114 = arith.constant 4 : i32
      %add3A_115 = arith.addi %mul3A_113, %add3A_114 : i32
      %dma_wait3A_116 = arith.constant 0 : i32
      %dma_wait3A_117 = tpu.memref_slice %arg5[%add3A_115, %dma_wait3A_116] : memref<250x40xi32, #tpu.memory_space<vmem>> -> memref<1x40xi32, #tpu.memory_space<vmem>>
      %dma_wait3A_118 = tpu.memref_squeeze %dma_wait3A_117 : memref<1x40xi32, #tpu.memory_space<vmem>> -> memref<40xi32, #tpu.memory_space<vmem>>
      %dma_wait3A_119 = arith.constant 0 : i32
      %dma_wait3A_120 = arith.constant 0 : i32
      %dma_wait3A_121 = tpu.memref_slice %arg7[%dma_wait3A_119, %dma_wait3A_120] : memref<10000x8xf32, #tpu.memory_space<vmem_shared>> -> memref<10000x8xf32, #tpu.memory_space<vmem_shared>>
      tpu.wait_indirect_dma semaphore(%arg8 : memref<!tpu.dma_semaphore, #tpu.memory_space<semaphore_mem>>) src(%arg6 : memref<40x8xf32, #tpu.memory_space<vmem>>) dst(%dma_wait3A_121 : memref<10000x8xf32, #tpu.memory_space<vmem_shared>>)
    }
    %scan3A_11 = arith.constant 50 : i32
    %barrier3A_12 = arith.constant 0 : index
    tpu.barrier barrier_id(%barrier3A_12)
    %lt3A_13 = arith.constant 15 : i32
    %lt3A_14 = arith.cmpi slt, %arg1, %lt3A_13 : i32
    %convert_element_type3A_15 = arith.extui %lt3A_14 : i1 to i32
    %cond3A_16 = arith.constant 0 : i32
    %cond3A_17 = arith.cmpi ne, %convert_element_type3A_15, %cond3A_16 : i32
    scf.if %cond3A_17 {
      %mul3A_23 = arith.constant 624 : i32
      %mul3A_24 = arith.muli %arg1, %mul3A_23 : i32
      %mul3A_25 = arith.constant 624 : i32
      %mul3A_26 = arith.muli %arg1, %mul3A_25 : i32
      %mul3A_27 = arith.constant 10000 : i32
      %mul3A_28 = arith.muli %arg0, %mul3A_27 : i32
      %add3A_29 = arith.addi %mul3A_28, %mul3A_26 : i32
      "tpu.region"() ({
        %run_scoped3A = tpu.sem_alloc : memref<!tpu.dma_semaphore, #tpu.memory_space<semaphore_mem>>
        %dma_start3A = arith.constant 0 : i32
        %dma_start3A_30 = tpu.memref_slice %arg4[%add3A_29, %dma_start3A] : memref<20000x8xf32, #tpu.memory_space<hbm>> -> memref<624x8xf32, #tpu.memory_space<hbm>>
        %dma_start3A_31 = arith.constant 0 : i32
        %dma_start3A_32 = tpu.memref_slice %arg7[%mul3A_24, %dma_start3A_31] : memref<10000x8xf32, #tpu.memory_space<vmem_shared>> -> memref<624x8xf32, #tpu.memory_space<vmem_shared>>
        tpu.enqueue_dma source(%dma_start3A_32 : memref<624x8xf32, #tpu.memory_space<vmem_shared>>) target(%dma_start3A_30 : memref<624x8xf32, #tpu.memory_space<hbm>>) target_semaphore(%run_scoped3A : memref<!tpu.dma_semaphore, #tpu.memory_space<semaphore_mem>>)
        %dma_wait3A = arith.constant 0 : i32
        %dma_wait3A_33 = tpu.memref_slice %arg4[%add3A_29, %dma_wait3A] : memref<20000x8xf32, #tpu.memory_space<hbm>> -> memref<624x8xf32, #tpu.memory_space<hbm>>
        %dma_wait3A_34 = arith.constant 0 : i32
        %dma_wait3A_35 = tpu.memref_slice %arg7[%mul3A_24, %dma_wait3A_34] : memref<10000x8xf32, #tpu.memory_space<vmem_shared>> -> memref<624x8xf32, #tpu.memory_space<vmem_shared>>
        tpu.wait_dma2 semaphore(%run_scoped3A : memref<!tpu.dma_semaphore, #tpu.memory_space<semaphore_mem>>) src(%dma_wait3A_35 : memref<624x8xf32, #tpu.memory_space<vmem_shared>>) dst(%dma_wait3A_33 : memref<624x8xf32, #tpu.memory_space<hbm>>)
        tpu.yield
      }) : () -> ()
    } else {
    }
    %eq3A_18 = arith.constant 15 : i32
    %eq3A_19 = arith.cmpi eq, %arg1, %eq3A_18 : i32
    %convert_element_type3A_20 = arith.extui %eq3A_19 : i1 to i32
    %cond3A_21 = arith.constant 0 : i32
    %cond3A_22 = arith.cmpi ne, %convert_element_type3A_20, %cond3A_21 : i32
    scf.if %cond3A_22 {
      %mul3A_23 = arith.constant 10000 : i32
      %mul3A_24 = arith.muli %arg0, %mul3A_23 : i32
      %add3A_25 = arith.constant 9360 : i32
      %add3A_26 = arith.addi %mul3A_24, %add3A_25 : i32
      "tpu.region"() ({
        %run_scoped3A = tpu.sem_alloc : memref<!tpu.dma_semaphore, #tpu.memory_space<semaphore_mem>>
        %dma_start3A = arith.constant 0 : i32
        %dma_start3A_27 = tpu.memref_slice %arg4[%add3A_26, %dma_start3A] : memref<20000x8xf32, #tpu.memory_space<hbm>> -> memref<640x8xf32, #tpu.memory_space<hbm>>
        %dma_start3A_28 = arith.constant 9360 : i32
        %dma_start3A_29 = arith.constant 0 : i32
        %dma_start3A_30 = tpu.memref_slice %arg7[%dma_start3A_28, %dma_start3A_29] : memref<10000x8xf32, #tpu.memory_space<vmem_shared>> -> memref<640x8xf32, #tpu.memory_space<vmem_shared>>
        tpu.enqueue_dma source(%dma_start3A_30 : memref<640x8xf32, #tpu.memory_space<vmem_shared>>) target(%dma_start3A_27 : memref<640x8xf32, #tpu.memory_space<hbm>>) target_semaphore(%run_scoped3A : memref<!tpu.dma_semaphore, #tpu.memory_space<semaphore_mem>>)
        %dma_wait3A = arith.constant 0 : i32
        %dma_wait3A_31 = tpu.memref_slice %arg4[%add3A_26, %dma_wait3A] : memref<20000x8xf32, #tpu.memory_space<hbm>> -> memref<640x8xf32, #tpu.memory_space<hbm>>
        %dma_wait3A_32 = arith.constant 9360 : i32
        %dma_wait3A_33 = arith.constant 0 : i32
        %dma_wait3A_34 = tpu.memref_slice %arg7[%dma_wait3A_32, %dma_wait3A_33] : memref<10000x8xf32, #tpu.memory_space<vmem_shared>> -> memref<640x8xf32, #tpu.memory_space<vmem_shared>>
        tpu.wait_dma2 semaphore(%run_scoped3A : memref<!tpu.dma_semaphore, #tpu.memory_space<semaphore_mem>>) src(%dma_wait3A_34 : memref<640x8xf32, #tpu.memory_space<vmem_shared>>) dst(%dma_wait3A_31 : memref<640x8xf32, #tpu.memory_space<hbm>>)
        tpu.yield
      }) : () -> ()
    } else {
    }
    return
  }
}

module attributes {stable_mosaic.version = 14 : i64} {
  func.func @_tc_prep_body(%arg0: i32, %arg1: memref<2x2000x8xf32, #tpu.memory_space<vmem>>, %arg2: memref<2000x128xf32, #tpu.memory_space<vmem>>, %arg3: memref<2000x8xf32, #tpu.memory_space<vmem>>, %arg4: memref<2000x128xbf16, #tpu.memory_space<vmem>>) attributes {dimension_semantics = [#tpu.dimension_semantics<arbitrary>], iteration_bounds = array<i64: 5>, scalar_prefetch = 0 : i64, scratch_operands = 0 : i64, tpu.core_type = #tpu.core_type<tc>, window_params = [{transform_indices = @transform_0, window_bounds = array<i64: 2, 2000, 8>}, {transform_indices = @transform_1, window_bounds = array<i64: 2000, 128>}, {transform_indices = @transform_2, window_bounds = array<i64: 2000, 8>}, {transform_indices = @transform_3, window_bounds = array<i64: 2000, 128>}]} {
    %get3A = arith.constant 0 : index
    %get3A_0 = arith.constant 0 : index
    %get3A_1 = arith.constant 0 : index
    %get3A_2 = vector.load %arg1[%get3A, %get3A_0, %get3A_1] : memref<2x2000x8xf32, #tpu.memory_space<vmem>>, vector<1x2000x8xf32>
    %get3A_3 = vector.shape_cast %get3A_2 : vector<1x2000x8xf32> to vector<2000x8xf32>
    %get3A_4 = arith.constant 1 : index
    %get3A_5 = arith.constant 0 : index
    %get3A_6 = arith.constant 0 : index
    %get3A_7 = vector.load %arg1[%get3A_4, %get3A_5, %get3A_6] : memref<2x2000x8xf32, #tpu.memory_space<vmem>>, vector<1x2000x8xf32>
    %get3A_8 = vector.shape_cast %get3A_7 : vector<1x2000x8xf32> to vector<2000x8xf32>
    %add3A = arith.addf %get3A_3, %get3A_8 : vector<2000x8xf32>
    %sub3A = arith.constant 1.000000e+00 : f32
    %sub3A_9 = vector.broadcast %sub3A : f32 to vector<2000x8xf32>
    %sub3A_10 = arith.subf %add3A, %sub3A_9 : vector<2000x8xf32>
    %rsqrt3A = math.rsqrt %sub3A_10 : vector<2000x8xf32>
    %swap3A = arith.constant 0 : index
    %swap3A_11 = arith.constant 0 : index
    %swap3A_12 = vector.load %arg3[%swap3A, %swap3A_11] : memref<2000x8xf32, #tpu.memory_space<vmem>>, vector<2000x8xf32>
    tpu.vector_store %arg3[%swap3A, %swap3A_11], %rsqrt3A {strides = array<i32>} : memref<2000x8xf32, #tpu.memory_space<vmem>>, vector<2000x8xf32>,
    %get3A_13 = arith.constant 0 : index
    %get3A_14 = arith.constant 0 : index
    %get3A_15 = vector.load %arg2[%get3A_13, %get3A_14] : memref<2000x128xf32, #tpu.memory_space<vmem>>, vector<2000x128xf32>
    %slice3A = vector.extract_strided_slice %rsqrt3A {offsets = [0, 0], sizes = [2000, 1], strides = [1, 1]} : vector<2000x8xf32> to vector<2000x1xf32>
    %mul3A = vector.broadcast %slice3A : vector<2000x1xf32> to vector<2000x128xf32>
    %mul3A_16 = arith.mulf %get3A_15, %mul3A : vector<2000x128xf32>
    %convert_element_type3A = arith.truncf %mul3A_16 : vector<2000x128xf32> to vector<2000x128xbf16>
    %swap3A_17 = arith.constant 0 : index
    %swap3A_18 = arith.constant 0 : index
    %swap3A_19 = vector.load %arg4[%swap3A_17, %swap3A_18] : memref<2000x128xbf16, #tpu.memory_space<vmem>>, vector<2000x128xbf16>
    tpu.vector_store %arg4[%swap3A_17, %swap3A_18], %convert_element_type3A {strides = array<i32>} : memref<2000x128xbf16, #tpu.memory_space<vmem>>, vector<2000x128xbf16>,
    return
  }
  func.func @transform_0(%arg0: i32) -> (i32, i32, i32) {
    %c0_i32 = arith.constant 0 : i32
    %c0_i32_0 = arith.constant 0 : i32
    %c0_i32_1 = arith.constant 0 : i32
    return %c0_i32, %arg0, %c0_i32_0 : i32, i32, i32
  }
  func.func @transform_1(%arg0: i32) -> (i32, i32) {
    %c0_i32 = arith.constant 0 : i32
    %c0_i32_0 = arith.constant 0 : i32
    return %arg0, %c0_i32 : i32, i32
  }
  func.func @transform_2(%arg0: i32) -> (i32, i32) {
    %c0_i32 = arith.constant 0 : i32
    %c0_i32_0 = arith.constant 0 : i32
    return %arg0, %c0_i32 : i32, i32
  }
  func.func @transform_3(%arg0: i32) -> (i32, i32) {
    %c0_i32 = arith.constant 0 : i32
    %c0_i32_0 = arith.constant 0 : i32
    return %arg0, %c0_i32 : i32, i32
  }
}

module attributes {stable_mosaic.version = 14 : i64} {
  func.func @_tc_mid_body(%arg0: i32, %arg1: memref<2x2000x128xbf16, #tpu.memory_space<vmem>>, %arg2: memref<2000x128xbf16, #tpu.memory_space<vmem>>, %arg3: memref<2000x8xf32, #tpu.memory_space<vmem>>, %arg4: memref<128x256xf32, #tpu.memory_space<vmem>>, %arg5: memref<1x256xf32, #tpu.memory_space<vmem>>, %arg6: memref<256x64xf32, #tpu.memory_space<vmem>>, %arg7: memref<2000x64xbf16, #tpu.memory_space<vmem>>) attributes {dimension_semantics = [#tpu.dimension_semantics<arbitrary>], iteration_bounds = array<i64: 5>, scalar_prefetch = 0 : i64, scratch_operands = 0 : i64, tpu.core_type = #tpu.core_type<tc>, window_params = [{transform_indices = @transform_0, window_bounds = array<i64: 2, 2000, 128>}, {transform_indices = @transform_1, window_bounds = array<i64: 2000, 128>}, {transform_indices = @transform_2, window_bounds = array<i64: 2000, 8>}, {pipeline_mode = #tpu.pipeline_mode<synchronous>, transform_indices = @transform_3, window_bounds = array<i64: 128, 256>}, {pipeline_mode = #tpu.pipeline_mode<synchronous>, transform_indices = @transform_4, window_bounds = array<i64: 1, 256>}, {pipeline_mode = #tpu.pipeline_mode<synchronous>, transform_indices = @transform_5, window_bounds = array<i64: 256, 64>}, {transform_indices = @transform_6, window_bounds = array<i64: 2000, 64>}]} {
    %get3A = arith.constant 0 : index
    %get3A_0 = arith.constant 0 : index
    %get3A_1 = vector.load %arg3[%get3A, %get3A_0] : memref<2000x8xf32, #tpu.memory_space<vmem>>, vector<2000x1xf32>
    %get3A_2 = arith.constant 0 : index
    %get3A_3 = arith.constant 0 : index
    %get3A_4 = arith.constant 0 : index
    %get3A_5 = vector.load %arg1[%get3A_2, %get3A_3, %get3A_4] : memref<2x2000x128xbf16, #tpu.memory_space<vmem>>, vector<1x2000x128xbf16>
    %get3A_6 = vector.shape_cast %get3A_5 : vector<1x2000x128xbf16> to vector<2000x128xbf16>
    %convert_element_type3A = arith.extf %get3A_6 : vector<2000x128xbf16> to vector<2000x128xf32>
    %get3A_7 = arith.constant 1 : index
    %get3A_8 = arith.constant 0 : index
    %get3A_9 = arith.constant 0 : index
    %get3A_10 = vector.load %arg1[%get3A_7, %get3A_8, %get3A_9] : memref<2x2000x128xbf16, #tpu.memory_space<vmem>>, vector<1x2000x128xbf16>
    %get3A_11 = vector.shape_cast %get3A_10 : vector<1x2000x128xbf16> to vector<2000x128xbf16>
    %convert_element_type3A_12 = arith.extf %get3A_11 : vector<2000x128xbf16> to vector<2000x128xf32>
    %add3A = arith.addf %convert_element_type3A, %convert_element_type3A_12 : vector<2000x128xf32>
    %get3A_13 = arith.constant 0 : index
    %get3A_14 = arith.constant 0 : index
    %get3A_15 = vector.load %arg2[%get3A_13, %get3A_14] : memref<2000x128xbf16, #tpu.memory_space<vmem>>, vector<2000x128xbf16>
    %convert_element_type3A_16 = arith.extf %get3A_15 : vector<2000x128xbf16> to vector<2000x128xf32>
    %sub3A = arith.subf %add3A, %convert_element_type3A_16 : vector<2000x128xf32>
    %mul3A = vector.broadcast %get3A_1 : vector<2000x1xf32> to vector<2000x128xf32>
    %mul3A_17 = arith.mulf %sub3A, %mul3A : vector<2000x128xf32>
    %get3A_18 = arith.constant 0 : index
    %get3A_19 = arith.constant 0 : index
    %get3A_20 = vector.load %arg4[%get3A_18, %get3A_19] : memref<128x256xf32, #tpu.memory_space<vmem>>, vector<128x256xf32>
    %dot_general3A = arith.constant dense<0.000000e+00> : vector<2000x256xf32>
    %dot_general3A_21 = tpu.matmul %mul3A_17, %get3A_20, %dot_general3A {dimension_numbers = #tpu.dot_dimension_numbers<[1], [0], [0], [1], [0, 0, 1, 1], [], []>, transpose_lhs_hint = false} : vector<2000x128xf32>, vector<128x256xf32>, vector<2000x256xf32> -> vector<2000x256xf32>
    %get3A_22 = arith.constant 0 : index
    %get3A_23 = arith.constant 0 : index
    %get3A_24 = vector.load %arg5[%get3A_22, %get3A_23] : memref<1x256xf32, #tpu.memory_space<vmem>>, vector<1x256xf32>
    %add3A_25 = vector.broadcast %get3A_24 : vector<1x256xf32> to vector<2000x256xf32>
    %add3A_26 = arith.addf %dot_general3A_21, %add3A_25 : vector<2000x256xf32>
    %max3A = arith.constant 0.000000e+00 : f32
    %max3A_27 = vector.broadcast %max3A : f32 to vector<2000x256xf32>
    %max3A_28 = arith.maximumf %add3A_26, %max3A_27 : vector<2000x256xf32>
    %get3A_29 = arith.constant 0 : index
    %get3A_30 = arith.constant 0 : index
    %get3A_31 = vector.load %arg6[%get3A_29, %get3A_30] : memref<256x64xf32, #tpu.memory_space<vmem>>, vector<256x64xf32>
    %dot_general3A_32 = arith.constant dense<0.000000e+00> : vector<2000x64xf32>
    %dot_general3A_33 = tpu.matmul %max3A_28, %get3A_31, %dot_general3A_32 {dimension_numbers = #tpu.dot_dimension_numbers<[1], [0], [0], [1], [0, 0, 1, 1], [], []>, transpose_lhs_hint = false} : vector<2000x256xf32>, vector<256x64xf32>, vector<2000x64xf32> -> vector<2000x64xf32>
    %mul3A_34 = vector.broadcast %get3A_1 : vector<2000x1xf32> to vector<2000x64xf32>
    %mul3A_35 = arith.mulf %dot_general3A_33, %mul3A_34 : vector<2000x64xf32>
    %convert_element_type3A_36 = arith.truncf %mul3A_35 : vector<2000x64xf32> to vector<2000x64xbf16>
    %swap3A = arith.constant 0 : index
    %swap3A_37 = arith.constant 0 : index
    %swap3A_38 = vector.load %arg7[%swap3A, %swap3A_37] : memref<2000x64xbf16, #tpu.memory_space<vmem>>, vector<2000x64xbf16>
    tpu.vector_store %arg7[%swap3A, %swap3A_37], %convert_element_type3A_36 {strides = array<i32>} : memref<2000x64xbf16, #tpu.memory_space<vmem>>, vector<2000x64xbf16>,
    return
  }
  func.func @transform_0(%arg0: i32) -> (i32, i32, i32) {
    %c0_i32 = arith.constant 0 : i32
    %c0_i32_0 = arith.constant 0 : i32
    %c0_i32_1 = arith.constant 0 : i32
    return %c0_i32, %arg0, %c0_i32_0 : i32, i32, i32
  }
  func.func @transform_1(%arg0: i32) -> (i32, i32) {
    %c0_i32 = arith.constant 0 : i32
    %c0_i32_0 = arith.constant 0 : i32
    return %arg0, %c0_i32 : i32, i32
  }
  func.func @transform_2(%arg0: i32) -> (i32, i32) {
    %c0_i32 = arith.constant 0 : i32
    %c0_i32_0 = arith.constant 0 : i32
    return %arg0, %c0_i32 : i32, i32
  }
  func.func @transform_3(%arg0: i32) -> (i32, i32) {
    %c0_i32 = arith.constant 0 : i32
    %c0_i32_0 = arith.constant 0 : i32
    %c0_i32_1 = arith.constant 0 : i32
    return %c0_i32, %c0_i32_0 : i32, i32
  }
  func.func @transform_4(%arg0: i32) -> (i32, i32) {
    %c0_i32 = arith.constant 0 : i32
    %c0_i32_0 = arith.constant 0 : i32
    %c0_i32_1 = arith.constant 0 : i32
    return %c0_i32, %c0_i32_0 : i32, i32
  }
  func.func @transform_5(%arg0: i32) -> (i32, i32) {
    %c0_i32 = arith.constant 0 : i32
    %c0_i32_0 = arith.constant 0 : i32
    %c0_i32_1 = arith.constant 0 : i32
    return %c0_i32, %c0_i32_0 : i32, i32
  }
  func.func @transform_6(%arg0: i32) -> (i32, i32) {
    %c0_i32 = arith.constant 0 : i32
    %c0_i32_0 = arith.constant 0 : i32
    return %arg0, %c0_i32 : i32, i32
  }
}

module attributes {stable_mosaic.version = 14 : i64} {
  func.func @_tc_final_body(%arg0: i32, %arg1: memref<2x2000x64xbf16, #tpu.memory_space<vmem>>, %arg2: memref<2000x64xbf16, #tpu.memory_space<vmem>>, %arg3: memref<2000x8xf32, #tpu.memory_space<vmem>>, %arg4: memref<1x64xf32, #tpu.memory_space<vmem>>, %arg5: memref<2000x64xf32, #tpu.memory_space<vmem>>) attributes {dimension_semantics = [#tpu.dimension_semantics<arbitrary>], iteration_bounds = array<i64: 5>, scalar_prefetch = 0 : i64, scratch_operands = 0 : i64, tpu.core_type = #tpu.core_type<tc>, window_params = [{transform_indices = @transform_0, window_bounds = array<i64: 2, 2000, 64>}, {transform_indices = @transform_1, window_bounds = array<i64: 2000, 64>}, {transform_indices = @transform_2, window_bounds = array<i64: 2000, 8>}, {pipeline_mode = #tpu.pipeline_mode<synchronous>, transform_indices = @transform_3, window_bounds = array<i64: 1, 64>}, {transform_indices = @transform_4, window_bounds = array<i64: 2000, 64>}]} {
    %get3A = arith.constant 0 : index
    %get3A_0 = arith.constant 0 : index
    %get3A_1 = vector.load %arg3[%get3A, %get3A_0] : memref<2000x8xf32, #tpu.memory_space<vmem>>, vector<2000x1xf32>
    %get3A_2 = arith.constant 0 : index
    %get3A_3 = arith.constant 0 : index
    %get3A_4 = arith.constant 0 : index
    %get3A_5 = vector.load %arg1[%get3A_2, %get3A_3, %get3A_4] : memref<2x2000x64xbf16, #tpu.memory_space<vmem>>, vector<1x2000x64xbf16>
    %get3A_6 = vector.shape_cast %get3A_5 : vector<1x2000x64xbf16> to vector<2000x64xbf16>
    %convert_element_type3A = arith.extf %get3A_6 : vector<2000x64xbf16> to vector<2000x64xf32>
    %get3A_7 = arith.constant 1 : index
    %get3A_8 = arith.constant 0 : index
    %get3A_9 = arith.constant 0 : index
    %get3A_10 = vector.load %arg1[%get3A_7, %get3A_8, %get3A_9] : memref<2x2000x64xbf16, #tpu.memory_space<vmem>>, vector<1x2000x64xbf16>
    %get3A_11 = vector.shape_cast %get3A_10 : vector<1x2000x64xbf16> to vector<2000x64xbf16>
    %convert_element_type3A_12 = arith.extf %get3A_11 : vector<2000x64xbf16> to vector<2000x64xf32>
    %add3A = arith.addf %convert_element_type3A, %convert_element_type3A_12 : vector<2000x64xf32>
    %get3A_13 = arith.constant 0 : index
    %get3A_14 = arith.constant 0 : index
    %get3A_15 = vector.load %arg2[%get3A_13, %get3A_14] : memref<2000x64xbf16, #tpu.memory_space<vmem>>, vector<2000x64xbf16>
    %convert_element_type3A_16 = arith.extf %get3A_15 : vector<2000x64xbf16> to vector<2000x64xf32>
    %sub3A = arith.subf %add3A, %convert_element_type3A_16 : vector<2000x64xf32>
    %mul3A = vector.broadcast %get3A_1 : vector<2000x1xf32> to vector<2000x64xf32>
    %mul3A_17 = arith.mulf %sub3A, %mul3A : vector<2000x64xf32>
    %get3A_18 = arith.constant 0 : index
    %get3A_19 = arith.constant 0 : index
    %get3A_20 = vector.load %arg4[%get3A_18, %get3A_19] : memref<1x64xf32, #tpu.memory_space<vmem>>, vector<1x64xf32>
    %add3A_21 = vector.broadcast %get3A_20 : vector<1x64xf32> to vector<2000x64xf32>
    %add3A_22 = arith.addf %mul3A_17, %add3A_21 : vector<2000x64xf32>
    %reduce_max3A = arith.constant dense<0xFF800000> : vector<2000xf32>
    %reduce_max3A_23 = vector.multi_reduction <maximumf>, %add3A_22, %reduce_max3A [1] : vector<2000x64xf32> to vector<2000xf32>
    %broadcast_in_dim3A = vector.shape_cast %reduce_max3A_23 : vector<2000xf32> to vector<2000x1xf32>
    %sub3A_24 = vector.broadcast %broadcast_in_dim3A : vector<2000x1xf32> to vector<2000x64xf32>
    %sub3A_25 = arith.subf %add3A_22, %sub3A_24 : vector<2000x64xf32>
    %exp3A = math.exp %sub3A_25 : vector<2000x64xf32>
    %reduce_sum3A = arith.constant dense<0.000000e+00> : vector<2000xf32>
    %reduce_sum3A_26 = vector.multi_reduction <add>, %exp3A, %reduce_sum3A [1] : vector<2000x64xf32> to vector<2000xf32>
    %broadcast_in_dim3A_27 = vector.shape_cast %reduce_sum3A_26 : vector<2000xf32> to vector<2000x1xf32>
    %log3A = math.log %broadcast_in_dim3A_27 : vector<2000x1xf32>
    %sub3A_28 = vector.broadcast %broadcast_in_dim3A : vector<2000x1xf32> to vector<2000x64xf32>
    %sub3A_29 = arith.subf %add3A_22, %sub3A_28 : vector<2000x64xf32>
    %sub3A_30 = vector.broadcast %log3A : vector<2000x1xf32> to vector<2000x64xf32>
    %sub3A_31 = arith.subf %sub3A_29, %sub3A_30 : vector<2000x64xf32>
    %swap3A = arith.constant 0 : index
    %swap3A_32 = arith.constant 0 : index
    %swap3A_33 = vector.load %arg5[%swap3A, %swap3A_32] : memref<2000x64xf32, #tpu.memory_space<vmem>>, vector<2000x64xf32>
    tpu.vector_store %arg5[%swap3A, %swap3A_32], %sub3A_31 {strides = array<i32>} : memref<2000x64xf32, #tpu.memory_space<vmem>>, vector<2000x64xf32>,
    return
  }
  func.func @transform_0(%arg0: i32) -> (i32, i32, i32) {
    %c0_i32 = arith.constant 0 : i32
    %c0_i32_0 = arith.constant 0 : i32
    %c0_i32_1 = arith.constant 0 : i32
    return %c0_i32, %arg0, %c0_i32_0 : i32, i32, i32
  }
  func.func @transform_1(%arg0: i32) -> (i32, i32) {
    %c0_i32 = arith.constant 0 : i32
    %c0_i32_0 = arith.constant 0 : i32
    return %arg0, %c0_i32 : i32, i32
  }
  func.func @transform_2(%arg0: i32) -> (i32, i32) {
    %c0_i32 = arith.constant 0 : i32
    %c0_i32_0 = arith.constant 0 : i32
    return %arg0, %c0_i32 : i32, i32
  }
  func.func @transform_3(%arg0: i32) -> (i32, i32) {
    %c0_i32 = arith.constant 0 : i32
    %c0_i32_0 = arith.constant 0 : i32
    %c0_i32_1 = arith.constant 0 : i32
    return %c0_i32, %c0_i32_0 : i32, i32
  }
  func.func @transform_4(%arg0: i32) -> (i32, i32) {
    %c0_i32 = arith.constant 0 : i32
    %c0_i32_0 = arith.constant 0 : i32
    return %arg0, %c0_i32 : i32, i32
  }
}

</mosaic_0001>

<sc_bundles>
// kernel: kernel.11.cloned.1.call-start
scs
__scs_entry_jumppad:
0x0: {  	(pc) =	sbr.rel $0x88, $3  }
0x1: {  	(tag) =	ssettag $0x0;
	lr =	simm.s32 $0x1  }
0x2: {  	[smem:$0x3F9B] =	sst lr;
	_ =	strace $0xD0000000  }
0x3: {  	_ = 	snop  }
0x4: {  	_ = 	snop  }
0x5: {  	_ = 	snop  }
0x6: {  	_ = 	snop  }
0x7: {  	_ = 	snop  }
__scs_overlays_trampoline_lowered:
0x8: {  	[smem:$0x3FAA] =	sst s0  }
0x9: {  	[smem:$0x3FAB] =	sst s1  }
0xa: {  	[smem:$0x3FAC] =	sst s2  }
0xb: {  	[smem:$0x3FAD] =	sst s3  }
0xc: {  	[smem:$0x3FAE] =	sst s4  }
0xd: {  	[smem:$0x3FAF] =	sst s5  }
0xe: {  	[smem:$0x3FB0] =	sst s6  }
0xf: {  	[smem:$0x3FB1] =	sst s7  }
0x10: {  	[smem:$0x3FB2] =	sst s8  }
0x11: {  	[smem:$0x3FB3] =	sst s9;
	s0 =	simm.s32 @!p0 $0x0  }
0x12: {  	s1 =	sld [smem:$0x3F99];
	s0 =	simm.s32 @p0 $0x1  }
0x13: {  	[smem:$0x3FB4] =	sst s0;
	s0 =	simm.s32 @!p1 $0x0  }
0x14: {  	s2 =	sld [smem:$0x3F98];
	s0 =	simm.s32 @p1 $0x1  }
0x15: {  	[smem:$0x3FB5] =	sst s0;
	s0 =	simm.s32 @!p2 $0x0  }
0x16: {  	s3 =	sld [smem:$0x3FDB];
	s0 =	simm.s32 @p2 $0x1  }
0x17: {  	s4 =	simm.s32 $0x1BF5;
	[smem:$0x3FB7] =	sst s0  }
0x18: {  	s0 =	sld [smem:$0x3F9A];
	_ =	swait.ge [sflag:s4], $0x0  }
0x19: {  	s7 =	sld [smem:$0x3F9B]  }
0x1a: {  	s8 =	sadd.s32 $0xFFFFE003, lr  }
0x1b: {  	s9 =	sadd.s32 $0xFFFFFEF7, lr;
	s5 =	simm.s32 $0xFFFFFFFF;
	p2 =	slt.u32 s8, $0xFFFFF086  }
0x1c: {  	p1 =	slt.u32 s9, $0xF7A;
	s5 =	simm.s32 @!p2 $0x0  }
0x1d: {  	s5 =	simm.s32 @p1 $0x1;
	p0 =	seq.s32 s7, s2  }
0x1e: {  	s7 =	smul.u32 @!p0 $0xF7A, s2;
	p2 =	seq.s32 @!p0 s5, $0x0  }
0x1f: {  	s9 =	smul.u32 $0xF7A, s1;
	s8 =	simm.s32 @!p0 $0x1BF5;
	p2 =	por !p2, p0  }
0x20: {  	[sflag:s8] =	ssyncset.s32 @!p0 $0xFFFFF086;
	s6 =	sadd.s32 @!p0 s3, s7;
	s7 =	simm.s32 @!p0 $0x108  }
0x21: {  	s3 =	sadd.s32 s3, s9;
	s6 =	sadd.s32 @!p0 $0x88, s6;
	s7 =	simm.s32 @p2 $0x1082  }
0x22: {  	[simem:s7], [sflag:s8] =	dma.local @!p0 [hbm:s6], $0xF7A  }
0x23: {  	s9 =	sor.u32 $0xD0000000, s2;
	s6 =	simm.s32 $0x108;
	_ =	swait.ge @!p0 [sflag:s8], $0x0  }
0x24: {  	s3 =	sadd.s32 $0x88, s3;
	s6 =	simm.s32 @!p1 $0x1082;
	[sflag:s4] =	ssyncset.s32 $0xFFFFF086  }
0x25: {  	[simem:s6], [sflag:s4] =	dma.local [hbm:s3], $0xF7A  }
0x26: {  	[smem:$0x3F9B] =	sst s1;
	(tag) =	ssettag s2;
	_ =	strace s9  }
0x27: {  	s1 =	sld [smem:$0x3FAB]  }
0x28: {  	s2 =	sld [smem:$0x3FAC]  }
0x29: {  	s4 =	sld [smem:$0x3FAE]  }
0x2a: {  	p0 =	seq.s32 s5, $0x0;
	s5 =	sld [smem:$0x3FAF]  }
0x2b: {  	s6 =	sld [smem:$0x3FB0]  }
0x2c: {  	s7 =	sld [smem:$0x3FB1]  }
0x2d: {  	s3 =	simm.s32 $0x108;
	s8 =	sld [smem:$0x3FB2]  }
0x2e: {  	s3 =	simm.s32 @!p0 $0x1082;
	s9 =	sld [smem:$0x3FB3]  }
0x2f: {  	lr =	sadd.s32 s0, s3;
	s0 =	sld [smem:$0x3FAA]  }
0x30: {  	s3 =	sld [smem:$0x3FAD]  }
0x31: {  	[smem:$0x3FB6] =	sst s10  }
0x32: {  	s10 =	sld [smem:$0x3FB4];
	_ =	sdelay $0x3  }
0x33: {  	p0 =	seq.s32 s10, $0x1;
	s10 =	sld [smem:$0x3FB6];
	_ =	sdelay $0x3  }
0x34: {  	[smem:$0x3FB6] =	sst s10  }
0x35: {  	s10 =	sld [smem:$0x3FB5];
	_ =	sdelay $0x3  }
0x36: {  	p1 =	seq.s32 s10, $0x1;
	s10 =	sld [smem:$0x3FB6];
	_ =	sdelay $0x3  }
0x37: {  	[smem:$0x3FB6] =	sst s10  }
0x38: {  	s10 =	sld [smem:$0x3FB7]  }
0x39: {  	_ = 	snop;
	(pc) =	sbr.ind lr, $3  }
0x3a: {  	_ = 	snop  }
0x3b: {  	_ = 	snop  }
0x3c: {  	p2 =	seq.s32 s10, $0x1;
	s10 =	sld [smem:$0x3FB6]  }
0x3d: {  	_ =	shalt  }
0x3e: {  	_ =	shalt  }
0x3f: {  	_ =	shalt  }
0x40: {  	_ =	shalt  }
0x41: {  	_ =	shalt  }
0x42: {  	_ =	shalt  }
0x43: {  	_ =	shalt  }
0x44: {  	_ =	shalt  }
0x45: {  	_ =	shalt  }
0x46: {  	_ =	shalt  }
0x47: {  	_ =	shalt  }
0x48: {  	_ =	shalt  }
0x49: {  	_ =	shalt  }
0x4a: {  	_ =	shalt  }
0x4b: {  	_ =	shalt  }
0x4c: {  	_ =	shalt  }
0x4d: {  	_ =	shalt  }
0x4e: {  	_ =	shalt  }
0x4f: {  	_ =	shalt  }
0x50: {  	_ =	shalt  }
0x51: {  	_ =	shalt  }
0x52: {  	_ =	shalt  }
0x53: {  	_ =	shalt  }
0x54: {  	_ =	shalt  }
0x55: {  	_ =	shalt  }
0x56: {  	_ =	shalt  }
0x57: {  	_ =	shalt  }
0x58: {  	_ =	shalt  }
0x59: {  	_ =	shalt  }
0x5a: {  	_ =	shalt  }
0x5b: {  	_ =	shalt  }
0x5c: {  	_ =	shalt  }
0x5d: {  	_ =	shalt  }
0x5e: {  	_ =	shalt  }
0x5f: {  	_ =	shalt  }
0x60: {  	_ =	shalt  }
0x61: {  	_ =	shalt  }
0x62: {  	_ =	shalt  }
0x63: {  	_ =	shalt  }
0x64: {  	_ =	shalt  }
0x65: {  	_ =	shalt  }
0x66: {  	_ =	shalt  }
0x67: {  	_ =	shalt  }
0x68: {  	_ =	shalt  }
0x69: {  	_ =	shalt  }
0x6a: {  	_ =	shalt  }
0x6b: {  	_ =	shalt  }
0x6c: {  	_ =	shalt  }
0x6d: {  	_ =	shalt  }
0x6e: {  	_ =	shalt  }
0x6f: {  	_ =	shalt  }
0x70: {  	_ =	shalt  }
0x71: {  	_ =	shalt  }
0x72: {  	_ =	shalt  }
0x73: {  	_ =	shalt  }
0x74: {  	_ =	shalt  }
0x75: {  	_ =	shalt  }
0x76: {  	_ =	shalt  }
0x77: {  	_ =	shalt  }
0x78: {  	_ =	shalt  }
0x79: {  	_ =	shalt  }
0x7a: {  	_ =	shalt  }
0x7b: {  	_ =	shalt  }
0x7c: {  	_ =	shalt  }
0x7d: {  	_ =	shalt  }
0x7e: {  	_ =	shalt  }
0x7f: {  	_ =	shalt  }
0x80: {  	_ =	shalt  }
0x81: {  	_ =	shalt  }
0x82: {  	_ =	shalt  }
0x83: {  	_ =	shalt  }
0x84: {  	_ =	shalt  }
0x85: {  	_ =	shalt  }
0x86: {  	_ =	shalt  }
0x87: {  	_ =	shalt  }
.Lfunc_end0:
.L_simem_size_0:
called_computation.1_lowered:
.L_overlay_start_0:
0x88: {  	s2 =	sld [smem:$0x3FD9]  }
0x89: {  	s3 =	sld [smem:$0x3FFE];
	_ =	sdelay $0x1  }
0x8a: {  	s1 =	srdreg.scid  }
0x8b: {  	s0 =	sand.u32 $0x1, s1  }
0x8c: {  	s17 =	sshll.u32 s0, $0xA;
	s2 =	sadd.s32 s3, s2  }
0x8d: {  	s2 =	sadd.s32 s2, s17  }
0x8e: {  	[smem:$0x3FC2] =	sst s2  }
0x8f: {  	_ = 	snop  }
0x90: {  	s2 =	sld [smem:$0x3FD0];
	(tm) =	ssettm $0x1  }
0x91: {  	s18 =	sld [smem:$0x3FFB];
	_ =	sdelay $0x3  }
0x92: {  	_ =	strace s18  }
0x93: {  	s3 =	sld [smem:$0x3FFC];
	_ =	sdelay $0x3  }
0x94: {  	_ =	strace s3  }
0x95: {  	s3 =	sld [smem:$0x3FFD];
	_ =	sdelay $0x3  }
0x96: {  	_ =	strace s3  }
0x97: {  	_ =	strace $0x8FFFFFFF  }
0x98: {  	s19 =	sld [smem:$0x3FDB];
	_ =	sdelay $0x1  }
0x99: {  	s4 =	simm.s32 $_scs_section_size  }
0x9a: {  	s5 =	simm.s32 $_size__tile_overlayer_lowered;
	s6 =	simm.s32 $_tile_overlayer_lowered  }
0x9b: {  	s22 =	simm.s32 $0x1BFF;
	s21 =	sshll.u32 s6, $0x1;
	s3 =	sadd.s32 s4, s19  }
0x9c: {  	s7 =	simm.s32 $0x0;
	s20 =	sshll.u32 s5, $0x1;
	s5 =	sadd.s32 s21, s3  }
0x9d: {  	[timem:s7], [sflag:s22] =	dma.local [hbm:s5], s20  }
0x9e: {  	_ =	swait.ge [sflag:s22], s20  }
0x9f: {  	s4 =	ssub.s32 $0x0, s20;
	[sflag:s22] =	ssyncset.done $0x0  }
0xa0: {  	[sflag:s22] =	ssyncadd.s32 s4;
	_ =	sdelay $0x1  }
0xa1: {  	s23 =	simm.s32 $0x1B8B  }
0xa2: {  	_ =	swait.ge [sflag:s23], $0x1  }
0xa3: {  	[sflag:s23] =	ssyncset.done $0x0  }
0xa4: {  	s25 =	simm.s32 $0x1B8E;
	s24 =	sld [smem:$0x3FFE];
	[sflag:s23] =	ssyncadd.s32 $0xFFFFFFFF  }
0xa5: {  	s26 =	simm.s32 $execute0_lowered;
	[smem:$0x3FD2] =	sst s25  }
0xa6: {  	s5 =	sshll.u32 s26, $0x1;
	_ =	strace $0x80000049;
	[dreg:$0x1] =	wrdreg $0xFFFFFFFF  }
0xa7: {  	s28 =	simm.s32 $_size_execute0_lowered;
	s3 =	sadd.s32 s3, s5;
	[dreg:$0x0] =	wrdreg $0x0  }
0xa8: {  	s5 =	sshll.u32 s28, $0x1;
	[dreg:$0x2] =	wrdreg s3  }
0xa9: {  	[dreg:$0x3] =	wrdreg s5  }
0xaa: {  	[dreg:$0x4] =	wrdreg $0xC0  }
0xab: {  	_ =	task [dreg:s7], $0x5FFFF  }
0xac: {  	[dreg:$0x1] =	wrdreg $0xFFFFFFFF  }
0xad: {  	[dreg:$0x0] =	wrdreg $0x60  }
0xae: {  	[dreg:$0x2] =	wrdreg s2  }
0xaf: {  	[dreg:$0x3] =	wrdreg s24  }
0xb0: {  	[dreg:$0x4] =	wrdreg $0xB2200  }
0xb1: {  	[dreg:$0x5] =	wrdreg $0x9  }
0xb2: {  	_ =	task.clear_ibuf [dreg:s7], $0x6FFFF;
	_ =	strace $0x90000049  }
0xb3: {  	s29 =	simm.s32 $0x9;
	_ =	strace $0x8000004B  }
0xb4: {  	_ =	swait.ge [sflag:s29], $0x1  }
0xb5: {  	[sflag:s29] =	ssyncadd.s32 $0xFFFFFFFF  }
0xb6: {  	_ =	strace $0x9000004B  }
0xb7: {  	_ =	sfence  }
0xb8: {  	s30 =	sld [smem:$0x0];
	_ =	sdelay $0x2  }
0xb9: {  	s31 =	sshll.u32 s1, $0xD;
	s1 =	sshrl.u32 s1, $0x2  }
0xba: {  	s3 =	sand.u32 $0x4000, s31;
	s1 =	sadd.s32 s1, s30  }
0xbb: {  	s0 =	sor.u32 s3, s0;
	s1 =	sshll.u32 s1, $0x11  }
0xbc: {  	s0 =	sor.u32 s1, s0  }
0xbd: {  	s0 =	sadd.s32 $0x8F2B, s0  }
0xbe: {  	[sflag:s0] =	ssyncadd.remote.s32 $0x1  }
0xbf: {  	_ =	sfence.sel $0xFFFF  }
0xc0: {  	[dreg:$0x0] =	wrdreg $0xFFFFFFFF;
	(pc) =	sbr.abs _section_cstart, $3  }
0xc1: {  	[dreg:$0x1] =	wrdreg $0xFFFFFFFF  }
0xc2: {  	_ =	task.clear_ibuf [dreg:s7], $0x2FFFF;
	_ =	strace $0x9FFFFFFF  }
0xc3: {  	(tm) =	ssettm $0x7FFFFFFF  }
tec
execute0_lowered:
.L_overlay_start_1:
0x0: {  	(tag) =	ssettag $0x1  }
0x1: {  	s1 =	rddreg [dreg:$0x0]  }
0x2: {  	s0 =	srdreg.scid;
	s2 =	rddreg [dreg:$0x1]  }
0x3: {  	s14 =	stileid.u32;
	s3 =	rddreg [dreg:$0x2];
	s12 =	simm.s32 $0xB  }
0x4: {  	s17 =	simm.s32 $0x50;
	s18 =	simm.s32 $0x4E20;
	s19 =	simm.s32 $0x6220  }
0x5: {  	s21 =	simm.s32 $0x7620;
	s28 =	simm.s32 $0x1;
	s29 =	simm.s32 $0x6  }
0x6: {  	s30 =	simm.s32 $0x2;
	s31 =	simm.s32 $0x7;
	s8 =	smul.u32 $0x13800, s14  }
0x7: {  	s20 =	simm.s32 $0x9;
	s0 =	sand.u32 $0x1, s0;
	s9 =	smul.u32 $0x1380, s14  }
0x8: {  	s13 =	sadd.s32 $0x92400, s3;
	s10 =	smul.u32 $0x27000, s14;
	s25 =	sadd.s32 $0x12480, s1  }
0x9: {  	p0 =	seq.s32 s14, $0xF;
	s4 =	sshll.u32 s0, $0x4;
	s23 =	smul.u32 $0x13880, s0  }
0xa: {  	s6 =	ssub.s32 $0x2, s0;
	s0 =	smul.u32 $0x138800, s0;
	s5 =	sor.u32 s14, s4  }
0xb: {  	s4 =	simm.s32 $0x0;
	s7 =	sshrl.u32 s6, $0x1;
	s24 =	sshrl.u32 s8, $0x1  }
0xc: {  	s8 =	sshrl.u32 s8, $0x4;
	s26 =	sshrl.u32 s10, $0x2;
	s5 =	smul.u32 $0x4E2, s5  }
0xd: {  	[smem:$0x7FF] =	sst s4;
	s6 =	ssub.s32 s6, s7;
	s8 =	sadd.s32 s1, s8  }
0xe: {  	s7 =	sadd.s32 s9, s23;
	_ =	strace $0x8000004A;
	[dreg:$0x6] =	wrdreg s8  }
0xf: {  	s0 =	sshrl.u32 s0, $0x4;
	s23 =	simm.s32 $0x8A20;
	[dreg:$0x7] =	wrdreg s25  }
0x10: {  	s11 =	smax.u32 s6, $0x1;
	s5 =	sadd.s32 s5, s2;
	s2 =	sadd.s32 $0x15200, s2  }
0x11: {  	s22 =	sadd.s32 $0x1600, s5;
	s5 =	sadd.s32 $0xB400, s5;
	s9 =	sadd.s32 s2, s7  }
0x12: {  	s0 =	sadd.s32 s2, s0;
	s2 =	sadd.s32 s26, s3;
	[dreg:$0x4] =	wrdreg s22  }
0x13: {  	s26 =	simm.s32 $0x9E20;
	[dreg:$0x5] =	wrdreg s5;
	s5 =	sadd.s32 s24, s3  }
0x14: {  	s10 =	sadd.s32 $0x12480, s0;
	s0 =	sshll.u32 @!p0 s14, $0x6;
	s14 =	sshrl.u32 @p0 s13, $0x3  }
0x15: {  	s25 =	sshrl.u32 @!p0 s2, $0x3;
	s2 =	simm.s32 $0x3;
	s13 =	simm.s32 $0x4  }
0x16: {  	s22 =	simm.s32 $0x5;
	s24 =	simm.s32 $0xA;
	s15 =	sor.u32 @!p0 $0x1C0B, s0  }
0x17: {  	s16 =	sshrl.u32 @!p0 s5, $0x3;
	s0 =	simm.s32 $0x8;
	s5 =	simm.s32 $0x0  }
.LBB2_1:
0x18: {  	s6 =	rddreg [dreg:$0x4]  }
0x19: {  	[tilespmem:s4], [sflag:$0xB] =	stream.linear.gather [hbm4b:s6+s4], $0x2710, $0x38;
	[tilespmem:$0x14E60] =	vst v63  }
0x1a: {  	_ =	swait.ge [sflag:s12], $0x2710  }
0x1b: {  	[sflag:s12] =	ssyncset.done $0x0  }
0x1c: {  	s7 =	simm.s32 $0x2710;
	s8 =	rddreg [dreg:$0x5];
	[sflag:s12] =	ssyncadd.s32 $0xFFFFD8F0  }
0x1d: {  	[tilespmem:s7], [sflag:$0xB] =	stream.linear.gather [hbm4b:s8+s4], $0x2710, $0x38;
	[tilespmem:$0x14E60] =	vst v63  }
0x1e: {  	_ =	swait.ge [sflag:s12], $0x2710  }
0x1f: {  	[sflag:s12] =	ssyncset.done $0x0  }
0x20: {  	s6 =	simm.s32 @p0 $0x1FCB;
	s7 =	rddreg [dreg:$0x7];
	[sflag:s12] =	ssyncadd.s32 $0xFFFFD8F0  }
0x21: {  	[spmem:s14], [sflag:s6] =	dma.local @p0 [hbm:s7], $0x1400  }
0x22: {  	s6 =	simm.s32 @p0 $0xB  }
0x23: {  	_ =	swait.ge @p0 [sflag:s6], $0x1400  }
0x24: {  	[sflag:s6] =	ssyncset.done @p0 $0x0  }
0x25: {  	[sflag:s6] =	ssyncadd.s32 @p0 $0xFFFFEC00;
	s6 =	rddreg [dreg:$0x6]  }
0x26: {  	[spmem:s16], [sflag:s15] =	dma.local @!p0 [hbm:s6], $0x1380  }
0x27: {  	s6 =	simm.s32 @!p0 $0xB  }
0x28: {  	_ =	swait.ge @!p0 [sflag:s6], $0x1380  }
0x29: {  	[sflag:s6] =	ssyncset.done @!p0 $0x0  }
0x2a: {  	[sflag:s6] =	ssyncadd.s32 @!p0 $0xFFFFEC80  }
0x2b: {  	[bflag:$0x0] =	sbarrier.arrive $0xFFFF  }
0x2c: {  	[tilespmem:s18], [sflag:$0x1] =	stream.indirect.gather [hbm4b:s1+s17], $0x40, s4, s17, $0xb8;
	[tilespmem:$0x14E60] =	vst v63  }
0x2d: {  	_ = 	snop  }
0x2e: {  	[tilespmem:s19], [sflag:$0x2] =	stream.indirect.gather [hbm4b:s1+s17], $0x40, s17, s17, $0xb8;
	[tilespmem:$0x14E60] =	vst v63  }
0x2f: {  	s7 =	simm.s32 $0xA0  }
0x30: {  	[tilespmem:s21], [sflag:$0x3] =	stream.indirect.gather [hbm4b:s1+s17], $0x40, s7, s17, $0xb8;
	[tilespmem:$0x14E60] =	vst v63  }
0x31: {  	s8 =	simm.s32 $0xF0  }
0x32: {  	[tilespmem:s23], [sflag:$0x4] =	stream.indirect.gather [hbm4b:s1+s17], $0x40, s8, s17, $0xb8;
	[tilespmem:$0x14E60] =	vst v63  }
0x33: {  	s7 =	simm.s32 $0x140  }
0x34: {  	[tilespmem:s26], [sflag:$0x5] =	stream.indirect.gather [hbm4b:s1+s17], $0x40, s7, s17, $0xb8;
	[tilespmem:$0x14E60] =	vst v63  }
0x35: {  	_ =	swait.ge [sflag:s28], $0x1400  }
0x36: {  	[sflag:s28] =	ssyncset.done $0x0  }
0x37: {  	s8 =	simm.s32 $0x2710;
	[sflag:s28] =	ssyncadd.s32 $0xFFFFEC00  }
0x38: {  	[spmem:s3] =	stream.indirect.scatter.add.bf16 [tilespmem:s18], [sflag:$0x6], $0x40, s8, s17, $0xb8;
	[tilespmem:$0x14E60] =	vst v63  }
0x39: {  	_ =	swait.ge [sflag:s29], $0x1400  }
0x3a: {  	[sflag:s29] =	ssyncset.done $0x0  }
0x3b: {  	s7 =	simm.s32 $0x190;
	[sflag:s29] =	ssyncadd.s32 $0xFFFFEC00  }
0x3c: {  	[tilespmem:s18], [sflag:$0x1] =	stream.indirect.gather [hbm4b:s1+s17], $0x40, s7, s17, $0xb8;
	[tilespmem:$0x14E60] =	vst v63  }
0x3d: {  	_ =	swait.ge [sflag:s30], $0x1400  }
0x3e: {  	[sflag:s30] =	ssyncset.done $0x0  }
0x3f: {  	s8 =	simm.s32 $0x2760;
	[sflag:s30] =	ssyncadd.s32 $0xFFFFEC00  }
0x40: {  	[spmem:s3] =	stream.indirect.scatter.add.bf16 [tilespmem:s19], [sflag:$0x7], $0x40, s8, s17, $0xb8;
	[tilespmem:$0x14E60] =	vst v63  }
0x41: {  	_ =	swait.ge [sflag:s31], $0x1400  }
0x42: {  	[sflag:s31] =	ssyncset.done $0x0  }
0x43: {  	s7 =	simm.s32 $0x1E0;
	[sflag:s31] =	ssyncadd.s32 $0xFFFFEC00  }
0x44: {  	[tilespmem:s19], [sflag:$0x2] =	stream.indirect.gather [hbm4b:s1+s17], $0x40, s7, s17, $0xb8;
	[tilespmem:$0x14E60] =	vst v63  }
0x45: {  	_ =	swait.ge [sflag:s2], $0x1400  }
0x46: {  	[sflag:s2] =	ssyncset.done $0x0  }
0x47: {  	s8 =	simm.s32 $0x27B0;
	[sflag:s2] =	ssyncadd.s32 $0xFFFFEC00  }
0x48: {  	[spmem:s3] =	stream.indirect.scatter.add.bf16 [tilespmem:s21], [sflag:$0x8], $0x40, s8, s17, $0xb8;
	[tilespmem:$0x14E60] =	vst v63  }
0x49: {  	_ =	swait.ge [sflag:s0], $0x1400  }
0x4a: {  	[sflag:s0] =	ssyncset.done $0x0  }
0x4b: {  	s7 =	simm.s32 $0x230;
	[sflag:s0] =	ssyncadd.s32 $0xFFFFEC00  }
0x4c: {  	[tilespmem:s21], [sflag:$0x3] =	stream.indirect.gather [hbm4b:s1+s17], $0x40, s7, s17, $0xb8;
	[tilespmem:$0x14E60] =	vst v63  }
0x4d: {  	_ =	swait.ge [sflag:s13], $0x1400  }
0x4e: {  	[sflag:s13] =	ssyncset.done $0x0  }
0x4f: {  	s8 =	simm.s32 $0x2800;
	[sflag:s13] =	ssyncadd.s32 $0xFFFFEC00  }
0x50: {  	[spmem:s3] =	stream.indirect.scatter.add.bf16 [tilespmem:s23], [sflag:$0x9], $0x40, s8, s17, $0xb8;
	[tilespmem:$0x14E60] =	vst v63  }
0x51: {  	_ =	swait.ge [sflag:s20], $0x1400  }
0x52: {  	[sflag:s20] =	ssyncset.done $0x0  }
0x53: {  	s7 =	simm.s32 $0x280;
	[sflag:s20] =	ssyncadd.s32 $0xFFFFEC00  }
0x54: {  	[tilespmem:s23], [sflag:$0x4] =	stream.indirect.gather [hbm4b:s1+s17], $0x40, s7, s17, $0xb8;
	[tilespmem:$0x14E60] =	vst v63  }
0x55: {  	_ =	swait.ge [sflag:s22], $0x1400  }
0x56: {  	[sflag:s22] =	ssyncset.done $0x0  }
0x57: {  	s8 =	simm.s32 $0x2850;
	[sflag:s22] =	ssyncadd.s32 $0xFFFFEC00  }
0x58: {  	[spmem:s3] =	stream.indirect.scatter.add.bf16 [tilespmem:s26], [sflag:$0xA], $0x40, s8, s17, $0xb8;
	[tilespmem:$0x14E60] =	vst v63  }
0x59: {  	_ =	swait.ge [sflag:s24], $0x1400  }
0x5a: {  	[sflag:s24] =	ssyncset.done $0x0  }
0x5b: {  	s6 =	simm.s32 $0x640;
	s7 =	simm.s32 $0x2D0;
	[sflag:s24] =	ssyncadd.s32 $0xFFFFEC00  }
.LBB2_2:
0x5c: {  	[tilespmem:s26], [sflag:$0x5] =	stream.indirect.gather [hbm4b:s1+s17], $0x40, s7, s17, $0xb8;
	[tilespmem:$0x14E60] =	vst v63  }
0x5d: {  	s7 =	smov.u32 s6  }
0x5e: {  	p1 =	sne.s32 s6, $0x8FC0;
	s6 =	sadd.s32 $0x640, s6;
	_ =	swait.ge [sflag:s28], $0x1400  }
0x5f: {  	s7 =	sshra.s32 s7, $0x2;
	[sflag:s28] =	ssyncset.done $0x0  }
0x60: {  	s8 =	sadd.s32 $0x2710, s7;
	[sflag:s28] =	ssyncadd.s32 $0xFFFFEC00  }
0x61: {  	[spmem:s3] =	stream.indirect.scatter.add.bf16 [tilespmem:s18], [sflag:$0x6], $0x40, s8, s17, $0xb8;
	[tilespmem:$0x14E60] =	vst v63  }
0x62: {  	_ =	swait.ge [sflag:s29], $0x1400  }
0x63: {  	[sflag:s29] =	ssyncset.done $0x0  }
0x64: {  	s8 =	sadd.s32 $0x190, s7;
	[sflag:s29] =	ssyncadd.s32 $0xFFFFEC00  }
0x65: {  	[tilespmem:s18], [sflag:$0x1] =	stream.indirect.gather [hbm4b:s1+s17], $0x40, s8, s17, $0xb8;
	[tilespmem:$0x14E60] =	vst v63  }
0x66: {  	_ =	swait.ge [sflag:s30], $0x1400  }
0x67: {  	[sflag:s30] =	ssyncset.done $0x0  }
0x68: {  	s8 =	sadd.s32 $0x2760, s7;
	[sflag:s30] =	ssyncadd.s32 $0xFFFFEC00  }
0x69: {  	[spmem:s3] =	stream.indirect.scatter.add.bf16 [tilespmem:s19], [sflag:$0x7], $0x40, s8, s17, $0xb8;
	[tilespmem:$0x14E60] =	vst v63  }
0x6a: {  	_ =	swait.ge [sflag:s31], $0x1400  }
0x6b: {  	[sflag:s31] =	ssyncset.done $0x0  }
0x6c: {  	s8 =	sadd.s32 $0x1E0, s7;
	[sflag:s31] =	ssyncadd.s32 $0xFFFFEC00  }
0x6d: {  	[tilespmem:s19], [sflag:$0x2] =	stream.indirect.gather [hbm4b:s1+s17], $0x40, s8, s17, $0xb8;
	[tilespmem:$0x14E60] =	vst v63  }
0x6e: {  	_ =	swait.ge [sflag:s2], $0x1400  }
0x6f: {  	[sflag:s2] =	ssyncset.done $0x0  }
0x70: {  	s8 =	sadd.s32 $0x27B0, s7;
	[sflag:s2] =	ssyncadd.s32 $0xFFFFEC00  }
0x71: {  	[spmem:s3] =	stream.indirect.scatter.add.bf16 [tilespmem:s21], [sflag:$0x8], $0x40, s8, s17, $0xb8;
	[tilespmem:$0x14E60] =	vst v63  }
0x72: {  	_ =	swait.ge [sflag:s0], $0x1400  }
0x73: {  	[sflag:s0] =	ssyncset.done $0x0  }
0x74: {  	s8 =	sadd.s32 $0x230, s7;
	[sflag:s0] =	ssyncadd.s32 $0xFFFFEC00  }
0x75: {  	[tilespmem:s21], [sflag:$0x3] =	stream.indirect.gather [hbm4b:s1+s17], $0x40, s8, s17, $0xb8;
	[tilespmem:$0x14E60] =	vst v63  }
0x76: {  	_ =	swait.ge [sflag:s13], $0x1400  }
0x77: {  	[sflag:s13] =	ssyncset.done $0x0  }
0x78: {  	s8 =	sadd.s32 $0x2800, s7;
	[sflag:s13] =	ssyncadd.s32 $0xFFFFEC00  }
0x79: {  	[spmem:s3] =	stream.indirect.scatter.add.bf16 [tilespmem:s23], [sflag:$0x9], $0x40, s8, s17, $0xb8;
	[tilespmem:$0x14E60] =	vst v63  }
0x7a: {  	_ =	swait.ge [sflag:s20], $0x1400  }
0x7b: {  	[sflag:s20] =	ssyncset.done $0x0  }
0x7c: {  	s8 =	sadd.s32 $0x280, s7;
	[sflag:s20] =	ssyncadd.s32 $0xFFFFEC00  }
0x7d: {  	[tilespmem:s23], [sflag:$0x4] =	stream.indirect.gather [hbm4b:s1+s17], $0x40, s8, s17, $0xb8;
	[tilespmem:$0x14E60] =	vst v63  }
0x7e: {  	_ =	swait.ge [sflag:s22], $0x1400  }
0x7f: {  	[sflag:s22] =	ssyncset.done $0x0  }
.Ltmp0:
0x80: {  	s8 =	sadd.s32 $0x2850, s7;
	[sflag:s22] =	ssyncadd.s32 $0xFFFFEC00;
	(pc) =	sbr.rel @p1 .LBB2_2-.Ltmp0, $4  }
0x81: {  	[spmem:s3] =	stream.indirect.scatter.add.bf16 [tilespmem:s26], [sflag:$0xA], $0x40, s8, s17, $0xb8;
	[tilespmem:$0x14E60] =	vst v63  }
0x82: {  	_ =	swait.ge [sflag:s24], $0x1400  }
0x83: {  	[sflag:s24] =	ssyncset.done $0x0  }
0x84: {  	s7 =	sadd.s32 $0x2D0, s7;
	[sflag:s24] =	ssyncadd.s32 $0xFFFFEC00  }
0x85: {  	[tilespmem:s26], [sflag:$0x5] =	stream.indirect.gather [hbm4b:s1+s17], $0x40, s7, s17, $0xb8;
	[tilespmem:$0x14E60] =	vst v63  }
0x86: {  	_ =	swait.ge [sflag:s28], $0x1400  }
0x87: {  	[sflag:s28] =	ssyncset.done $0x0  }
0x88: {  	s6 =	simm.s32 $0x4C90;
	[sflag:s28] =	ssyncadd.s32 $0xFFFFEC00  }
0x89: {  	[spmem:s3] =	stream.indirect.scatter.add.bf16 [tilespmem:s18], [sflag:$0x6], $0x40, s6, s17, $0xb8;
	[tilespmem:$0x14E60] =	vst v63  }
0x8a: {  	_ =	swait.ge [sflag:s30], $0x1400  }
0x8b: {  	[sflag:s30] =	ssyncset.done $0x0  }
0x8c: {  	s7 =	simm.s32 $0x4CE0;
	[sflag:s30] =	ssyncadd.s32 $0xFFFFEC00  }
0x8d: {  	[spmem:s3] =	stream.indirect.scatter.add.bf16 [tilespmem:s19], [sflag:$0x7], $0x40, s7, s17, $0xb8;
	[tilespmem:$0x14E60] =	vst v63  }
0x8e: {  	_ =	swait.ge [sflag:s2], $0x1400  }
0x8f: {  	[sflag:s2] =	ssyncset.done $0x0  }
0x90: {  	s8 =	simm.s32 $0x4D30;
	[sflag:s2] =	ssyncadd.s32 $0xFFFFEC00  }
0x91: {  	[spmem:s3] =	stream.indirect.scatter.add.bf16 [tilespmem:s21], [sflag:$0x8], $0x40, s8, s17, $0xb8;
	[tilespmem:$0x14E60] =	vst v63  }
0x92: {  	_ =	swait.ge [sflag:s13], $0x1400  }
0x93: {  	[sflag:s13] =	ssyncset.done $0x0  }
0x94: {  	s7 =	simm.s32 $0x4D80;
	[sflag:s13] =	ssyncadd.s32 $0xFFFFEC00  }
0x95: {  	[spmem:s3] =	stream.indirect.scatter.add.bf16 [tilespmem:s23], [sflag:$0x9], $0x40, s7, s17, $0xb8;
	[tilespmem:$0x14E60] =	vst v63  }
0x96: {  	_ =	swait.ge [sflag:s22], $0x1400  }
0x97: {  	[sflag:s22] =	ssyncset.done $0x0  }
0x98: {  	s8 =	simm.s32 $0x4DD0;
	[sflag:s22] =	ssyncadd.s32 $0xFFFFEC00  }
0x99: {  	[spmem:s3] =	stream.indirect.scatter.add.bf16 [tilespmem:s26], [sflag:$0xA], $0x40, s8, s17, $0xb8;
	[tilespmem:$0x14E60] =	vst v63  }
0x9a: {  	_ =	swait.ge [sflag:s29], $0x1400  }
0x9b: {  	[sflag:s29] =	ssyncset.done $0x0  }
0x9c: {  	[sflag:s29] =	ssyncadd.s32 $0xFFFFEC00  }
0x9d: {  	_ =	swait.ge [sflag:s31], $0x1400  }
0x9e: {  	[sflag:s31] =	ssyncset.done $0x0  }
0x9f: {  	[sflag:s31] =	ssyncadd.s32 $0xFFFFEC00  }
0xa0: {  	_ =	swait.ge [sflag:s0], $0x1400  }
0xa1: {  	[sflag:s0] =	ssyncset.done $0x0  }
0xa2: {  	[sflag:s0] =	ssyncadd.s32 $0xFFFFEC00  }
0xa3: {  	_ =	swait.ge [sflag:s20], $0x1400  }
0xa4: {  	[sflag:s20] =	ssyncset.done $0x0  }
0xa5: {  	[sflag:s20] =	ssyncadd.s32 $0xFFFFEC00  }
0xa6: {  	_ =	swait.ge [sflag:s24], $0x1400  }
0xa7: {  	[sflag:s24] =	ssyncset.done $0x0  }
0xa8: {  	[sflag:s24] =	ssyncadd.s32 $0xFFFFEC00  }
0xa9: {  	s6 =	simm.s32 @p0 $0x1FCB;
	[bflag:$0x0] =	sbarrier.arrive $0xFFFF  }
0xaa: {  	[hbm:s10], [sflag:s6] =	dma.local @p0 [spmem:s14], $0x1400  }
0xab: {  	s6 =	simm.s32 @p0 $0xB  }
0xac: {  	s5 =	sadd.s32 $0x1, s5;
	_ =	swait.ge @p0 [sflag:s6], $0x1400  }
0xad: {  	p1 =	sne.s32 s5, s11;
	[sflag:s6] =	ssyncset.done @p0 $0x0  }
.Ltmp1:
0xae: {  	[sflag:s6] =	ssyncadd.s32 @p0 $0xFFFFEC00;
	s6 =	simm.s32 @!p0 $0xB;
	(pc) =	sbr.rel @p1 .LBB2_1-.Ltmp1, $4  }
0xaf: {  	[hbm:s9], [sflag:s15] =	dma.local @!p0 [spmem:s25], $0x1380  }
0xb0: {  	_ =	swait.ge @!p0 [sflag:s6], $0x1380  }
0xb1: {  	[sflag:s6] =	ssyncset.done @!p0 $0x0  }
0xb2: {  	[sflag:s6] =	ssyncadd.s32 @!p0 $0xFFFFEC80  }
0xb3: {  	_ =	sfence.sel $0x180000  }
0xb4: {  	[bflag:$0x0] =	sbarrier.arrive $0xFFFF  }
0xb5: {  	_ =	strace $0x9000004A  }
0xb6: {  	s0 =	stileid.u32;
	[bflag:$0x2] =	sbarrier.arrive $0xFFFF  }
0xb7: {  	p0 =	sne.s32 s0, $0x0;
	s0 =	rddreg [dreg:$0x3]  }
0xb8: {  	s0 =	sadd.s32 @!p0 $0x100000, s0  }
0xb9: {  	[sflag:s0] =	ssyncadd.tile.s32 @!p0 $0x1;
	_ =	shalt  }
.Lfunc_end2:
_tile_overlayer_lowered:
.L_overlay_start_2:
0xba: {  	(tag) =	ssettag $0x2  }
0xbb: {  	s0 =	rddreg [dreg:$0x0];
	s2 =	stileid.u32  }
0xbc: {  	s1 =	rddreg [dreg:$0x1];
	p0 =	sne.s32 s2, $0x0  }
0xbd: {  	s3 =	rddreg [dreg:$0x2];
	[bflag:$0x3] =	sbarrier.arrive $0xFFFF;
	s2 =	simm.s32 @!p0 $0x1C0B  }
0xbe: {  	[timem:s3], [sflag:s2] =	dma.local @!p0 [hbm:s0], s1  }
0xbf: {  	s0 =	simm.s32 @!p0 $0xB  }
0xc0: {  	_ =	swait.ge @!p0 [sflag:s0], s1  }
0xc1: {  	s1 =	ssub.s32 @!p0 $0x0, s1;
	[sflag:s0] =	ssyncset.done @!p0 $0x0  }
0xc2: {  	[sflag:s0] =	ssyncadd.s32 @!p0 s1  }
0xc3: {  	[bflag:$0x3] =	sbarrier.arrive $0xFFFF  }
0xc4: {  	_ =	shalt  }

// kernel: kernel.14.cloned.1.call-start
scs
__scs_entry_jumppad:
0x0: {  	(pc) =	sbr.rel $0x88, $3  }
0x1: {  	(tag) =	ssettag $0x0;
	lr =	simm.s32 $0x1  }
0x2: {  	[smem:$0x3F9B] =	sst lr;
	_ =	strace $0xD0000000  }
0x3: {  	_ = 	snop  }
0x4: {  	_ = 	snop  }
0x5: {  	_ = 	snop  }
0x6: {  	_ = 	snop  }
0x7: {  	_ = 	snop  }
__scs_overlays_trampoline_lowered:
0x8: {  	[smem:$0x3FAA] =	sst s0  }
0x9: {  	[smem:$0x3FAB] =	sst s1  }
0xa: {  	[smem:$0x3FAC] =	sst s2  }
0xb: {  	[smem:$0x3FAD] =	sst s3  }
0xc: {  	[smem:$0x3FAE] =	sst s4  }
0xd: {  	[smem:$0x3FAF] =	sst s5  }
0xe: {  	[smem:$0x3FB0] =	sst s6  }
0xf: {  	[smem:$0x3FB1] =	sst s7  }
0x10: {  	[smem:$0x3FB2] =	sst s8  }
0x11: {  	[smem:$0x3FB3] =	sst s9;
	s0 =	simm.s32 @!p0 $0x0  }
0x12: {  	s1 =	sld [smem:$0x3F99];
	s0 =	simm.s32 @p0 $0x1  }
0x13: {  	[smem:$0x3FB4] =	sst s0;
	s0 =	simm.s32 @!p1 $0x0  }
0x14: {  	s2 =	sld [smem:$0x3F98];
	s0 =	simm.s32 @p1 $0x1  }
0x15: {  	[smem:$0x3FB5] =	sst s0;
	s0 =	simm.s32 @!p2 $0x0  }
0x16: {  	s3 =	sld [smem:$0x3FDB];
	s0 =	simm.s32 @p2 $0x1  }
0x17: {  	s4 =	simm.s32 $0x1BF5;
	[smem:$0x3FB7] =	sst s0  }
0x18: {  	s0 =	sld [smem:$0x3F9A];
	_ =	swait.ge [sflag:s4], $0x0  }
0x19: {  	s7 =	sld [smem:$0x3F9B]  }
0x1a: {  	s8 =	sadd.s32 $0xFFFFE003, lr  }
0x1b: {  	s9 =	sadd.s32 $0xFFFFFEF7, lr;
	s5 =	simm.s32 $0xFFFFFFFF;
	p2 =	slt.u32 s8, $0xFFFFF086  }
0x1c: {  	p1 =	slt.u32 s9, $0xF7A;
	s5 =	simm.s32 @!p2 $0x0  }
0x1d: {  	s5 =	simm.s32 @p1 $0x1;
	p0 =	seq.s32 s7, s2  }
0x1e: {  	s7 =	smul.u32 @!p0 $0xF7A, s2;
	p2 =	seq.s32 @!p0 s5, $0x0  }
0x1f: {  	s9 =	smul.u32 $0xF7A, s1;
	s8 =	simm.s32 @!p0 $0x1BF5;
	p2 =	por !p2, p0  }
0x20: {  	[sflag:s8] =	ssyncset.s32 @!p0 $0xFFFFF086;
	s6 =	sadd.s32 @!p0 s3, s7;
	s7 =	simm.s32 @!p0 $0x108  }
0x21: {  	s3 =	sadd.s32 s3, s9;
	s6 =	sadd.s32 @!p0 $0x88, s6;
	s7 =	simm.s32 @p2 $0x1082  }
0x22: {  	[simem:s7], [sflag:s8] =	dma.local @!p0 [hbm:s6], $0xF7A  }
0x23: {  	s9 =	sor.u32 $0xD0000000, s2;
	s6 =	simm.s32 $0x108;
	_ =	swait.ge @!p0 [sflag:s8], $0x0  }
0x24: {  	s3 =	sadd.s32 $0x88, s3;
	s6 =	simm.s32 @!p1 $0x1082;
	[sflag:s4] =	ssyncset.s32 $0xFFFFF086  }
0x25: {  	[simem:s6], [sflag:s4] =	dma.local [hbm:s3], $0xF7A  }
0x26: {  	[smem:$0x3F9B] =	sst s1;
	(tag) =	ssettag s2;
	_ =	strace s9  }
0x27: {  	s1 =	sld [smem:$0x3FAB]  }
0x28: {  	s2 =	sld [smem:$0x3FAC]  }
0x29: {  	s4 =	sld [smem:$0x3FAE]  }
0x2a: {  	p0 =	seq.s32 s5, $0x0;
	s5 =	sld [smem:$0x3FAF]  }
0x2b: {  	s6 =	sld [smem:$0x3FB0]  }
0x2c: {  	s7 =	sld [smem:$0x3FB1]  }
0x2d: {  	s3 =	simm.s32 $0x108;
	s8 =	sld [smem:$0x3FB2]  }
0x2e: {  	s3 =	simm.s32 @!p0 $0x1082;
	s9 =	sld [smem:$0x3FB3]  }
0x2f: {  	lr =	sadd.s32 s0, s3;
	s0 =	sld [smem:$0x3FAA]  }
0x30: {  	s3 =	sld [smem:$0x3FAD]  }
0x31: {  	[smem:$0x3FB6] =	sst s10  }
0x32: {  	s10 =	sld [smem:$0x3FB4];
	_ =	sdelay $0x3  }
0x33: {  	p0 =	seq.s32 s10, $0x1;
	s10 =	sld [smem:$0x3FB6];
	_ =	sdelay $0x3  }
0x34: {  	[smem:$0x3FB6] =	sst s10  }
0x35: {  	s10 =	sld [smem:$0x3FB5];
	_ =	sdelay $0x3  }
0x36: {  	p1 =	seq.s32 s10, $0x1;
	s10 =	sld [smem:$0x3FB6];
	_ =	sdelay $0x3  }
0x37: {  	[smem:$0x3FB6] =	sst s10  }
0x38: {  	s10 =	sld [smem:$0x3FB7]  }
0x39: {  	_ = 	snop;
	(pc) =	sbr.ind lr, $3  }
0x3a: {  	_ = 	snop  }
0x3b: {  	_ = 	snop  }
0x3c: {  	p2 =	seq.s32 s10, $0x1;
	s10 =	sld [smem:$0x3FB6]  }
0x3d: {  	_ =	shalt  }
0x3e: {  	_ =	shalt  }
0x3f: {  	_ =	shalt  }
0x40: {  	_ =	shalt  }
0x41: {  	_ =	shalt  }
0x42: {  	_ =	shalt  }
0x43: {  	_ =	shalt  }
0x44: {  	_ =	shalt  }
0x45: {  	_ =	shalt  }
0x46: {  	_ =	shalt  }
0x47: {  	_ =	shalt  }
0x48: {  	_ =	shalt  }
0x49: {  	_ =	shalt  }
0x4a: {  	_ =	shalt  }
0x4b: {  	_ =	shalt  }
0x4c: {  	_ =	shalt  }
0x4d: {  	_ =	shalt  }
0x4e: {  	_ =	shalt  }
0x4f: {  	_ =	shalt  }
0x50: {  	_ =	shalt  }
0x51: {  	_ =	shalt  }
0x52: {  	_ =	shalt  }
0x53: {  	_ =	shalt  }
0x54: {  	_ =	shalt  }
0x55: {  	_ =	shalt  }
0x56: {  	_ =	shalt  }
0x57: {  	_ =	shalt  }
0x58: {  	_ =	shalt  }
0x59: {  	_ =	shalt  }
0x5a: {  	_ =	shalt  }
0x5b: {  	_ =	shalt  }
0x5c: {  	_ =	shalt  }
0x5d: {  	_ =	shalt  }
0x5e: {  	_ =	shalt  }
0x5f: {  	_ =	shalt  }
0x60: {  	_ =	shalt  }
0x61: {  	_ =	shalt  }
0x62: {  	_ =	shalt  }
0x63: {  	_ =	shalt  }
0x64: {  	_ =	shalt  }
0x65: {  	_ =	shalt  }
0x66: {  	_ =	shalt  }
0x67: {  	_ =	shalt  }
0x68: {  	_ =	shalt  }
0x69: {  	_ =	shalt  }
0x6a: {  	_ =	shalt  }
0x6b: {  	_ =	shalt  }
0x6c: {  	_ =	shalt  }
0x6d: {  	_ =	shalt  }
0x6e: {  	_ =	shalt  }
0x6f: {  	_ =	shalt  }
0x70: {  	_ =	shalt  }
0x71: {  	_ =	shalt  }
0x72: {  	_ =	shalt  }
0x73: {  	_ =	shalt  }
0x74: {  	_ =	shalt  }
0x75: {  	_ =	shalt  }
0x76: {  	_ =	shalt  }
0x77: {  	_ =	shalt  }
0x78: {  	_ =	shalt  }
0x79: {  	_ =	shalt  }
0x7a: {  	_ =	shalt  }
0x7b: {  	_ =	shalt  }
0x7c: {  	_ =	shalt  }
0x7d: {  	_ =	shalt  }
0x7e: {  	_ =	shalt  }
0x7f: {  	_ =	shalt  }
0x80: {  	_ =	shalt  }
0x81: {  	_ =	shalt  }
0x82: {  	_ =	shalt  }
0x83: {  	_ =	shalt  }
0x84: {  	_ =	shalt  }
0x85: {  	_ =	shalt  }
0x86: {  	_ =	shalt  }
0x87: {  	_ =	shalt  }
.Lfunc_end0:
.L_simem_size_0:
called_computation.2_lowered:
.L_overlay_start_0:
0x88: {  	s2 =	sld [smem:$0x3FD9]  }
0x89: {  	s3 =	sld [smem:$0x3FFE];
	_ =	sdelay $0x1  }
0x8a: {  	s1 =	srdreg.scid  }
0x8b: {  	s0 =	sand.u32 $0x1, s1  }
0x8c: {  	s17 =	sshll.u32 s0, $0xA;
	s2 =	sadd.s32 s3, s2  }
0x8d: {  	s2 =	sadd.s32 s2, s17  }
0x8e: {  	[smem:$0x3FC2] =	sst s2  }
0x8f: {  	_ = 	snop  }
0x90: {  	s2 =	sld [smem:$0x3FD0];
	(tm) =	ssettm $0x1  }
0x91: {  	s18 =	sld [smem:$0x3FFB];
	_ =	sdelay $0x3  }
0x92: {  	_ =	strace s18  }
0x93: {  	s3 =	sld [smem:$0x3FFC];
	_ =	sdelay $0x3  }
0x94: {  	_ =	strace s3  }
0x95: {  	s3 =	sld [smem:$0x3FFD];
	_ =	sdelay $0x3  }
0x96: {  	_ =	strace s3  }
0x97: {  	_ =	strace $0x8FFFFFFF  }
0x98: {  	s19 =	sld [smem:$0x3FDB];
	_ =	sdelay $0x1  }
0x99: {  	s4 =	simm.s32 $_scs_section_size  }
0x9a: {  	s5 =	simm.s32 $_size__tile_overlayer_lowered;
	s6 =	simm.s32 $_tile_overlayer_lowered  }
0x9b: {  	s22 =	simm.s32 $0x1BFF;
	s21 =	sshll.u32 s6, $0x1;
	s3 =	sadd.s32 s4, s19  }
0x9c: {  	s7 =	simm.s32 $0x0;
	s20 =	sshll.u32 s5, $0x1;
	s5 =	sadd.s32 s21, s3  }
0x9d: {  	[timem:s7], [sflag:s22] =	dma.local [hbm:s5], s20  }
0x9e: {  	_ =	swait.ge [sflag:s22], s20  }
0x9f: {  	s4 =	ssub.s32 $0x0, s20;
	[sflag:s22] =	ssyncset.done $0x0  }
0xa0: {  	[sflag:s22] =	ssyncadd.s32 s4;
	_ =	sdelay $0x1  }
0xa1: {  	s23 =	simm.s32 $0x1B8B  }
0xa2: {  	_ =	swait.ge [sflag:s23], $0x1  }
0xa3: {  	[sflag:s23] =	ssyncset.done $0x0  }
0xa4: {  	s25 =	simm.s32 $0x1B8E;
	s24 =	sld [smem:$0x3FFE];
	[sflag:s23] =	ssyncadd.s32 $0xFFFFFFFF  }
0xa5: {  	s26 =	simm.s32 $execute0_lowered;
	[smem:$0x3FD2] =	sst s25  }
0xa6: {  	s5 =	sshll.u32 s26, $0x1;
	_ =	strace $0x8000004C;
	[dreg:$0x1] =	wrdreg $0xFFFFFFFF  }
0xa7: {  	s28 =	simm.s32 $_size_execute0_lowered;
	s3 =	sadd.s32 s3, s5;
	[dreg:$0x0] =	wrdreg $0x0  }
0xa8: {  	s5 =	sshll.u32 s28, $0x1;
	[dreg:$0x2] =	wrdreg s3  }
0xa9: {  	[dreg:$0x3] =	wrdreg s5  }
0xaa: {  	[dreg:$0x4] =	wrdreg $0xC0  }
0xab: {  	_ =	task [dreg:s7], $0x5FFFF  }
0xac: {  	[dreg:$0x1] =	wrdreg $0xFFFFFFFF  }
0xad: {  	[dreg:$0x0] =	wrdreg $0x60  }
0xae: {  	[dreg:$0x2] =	wrdreg s24  }
0xaf: {  	[dreg:$0x3] =	wrdreg s2  }
0xb0: {  	[dreg:$0x4] =	wrdreg $0x80200  }
0xb1: {  	[dreg:$0x5] =	wrdreg $0x9  }
0xb2: {  	_ =	task.clear_ibuf [dreg:s7], $0x6FFFF;
	_ =	strace $0x9000004C  }
0xb3: {  	s29 =	simm.s32 $0x9;
	_ =	strace $0x8000004E  }
0xb4: {  	_ =	swait.ge [sflag:s29], $0x1  }
0xb5: {  	[sflag:s29] =	ssyncadd.s32 $0xFFFFFFFF  }
0xb6: {  	_ =	strace $0x9000004E  }
0xb7: {  	_ =	sfence  }
0xb8: {  	s30 =	sld [smem:$0x0];
	_ =	sdelay $0x2  }
0xb9: {  	s31 =	sshll.u32 s1, $0xD;
	s1 =	sshrl.u32 s1, $0x2  }
0xba: {  	s3 =	sand.u32 $0x4000, s31;
	s1 =	sadd.s32 s1, s30  }
0xbb: {  	s0 =	sor.u32 s3, s0;
	s1 =	sshll.u32 s1, $0x11  }
0xbc: {  	s0 =	sor.u32 s1, s0  }
0xbd: {  	s0 =	sadd.s32 $0x8F2B, s0  }
0xbe: {  	[sflag:s0] =	ssyncadd.remote.s32 $0x1  }
0xbf: {  	_ =	sfence.sel $0xFFFF  }
0xc0: {  	[dreg:$0x0] =	wrdreg $0xFFFFFFFF;
	(pc) =	sbr.abs _section_cstart, $3  }
0xc1: {  	[dreg:$0x1] =	wrdreg $0xFFFFFFFF  }
0xc2: {  	_ =	task.clear_ibuf [dreg:s7], $0x2FFFF;
	_ =	strace $0x9FFFFFFF  }
0xc3: {  	(tm) =	ssettm $0x7FFFFFFF  }
tec
execute0_lowered:
.L_overlay_start_1:
0x0: {  	(tag) =	ssettag $0x1  }
0x1: {  	s0 =	rddreg [dreg:$0x0]  }
0x2: {  	s1 =	srdreg.scid;
	s5 =	rddreg [dreg:$0x1]  }
0x3: {  	s2 =	rddreg [dreg:$0x2];
	s14 =	stileid.u32;
	s3 =	simm.s32 $0x0  }
0x4: {  	s17 =	simm.s32 $0x50;
	s18 =	simm.s32 $0x4E20;
	s19 =	simm.s32 $0x5820  }
0x5: {  	s21 =	simm.s32 $0x6220;
	s28 =	simm.s32 $0x1;
	s29 =	simm.s32 $0x6  }
0x6: {  	s30 =	simm.s32 $0x2;
	s31 =	simm.s32 $0x7;
	s9 =	smul.u32 $0x9C00, s14  }
0x7: {  	s20 =	simm.s32 $0x9;
	s1 =	sand.u32 $0x1, s1;
	s11 =	smul.u32 $0x9C0, s14  }
0x8: {  	[smem:$0x7FF] =	sst s3;
	s13 =	sadd.s32 $0x49200, s2;
	s12 =	smul.u32 $0x13800, s14  }
0x9: {  	p0 =	seq.s32 s14, $0xF;
	s4 =	sshll.u32 s1, $0x4;
	s10 =	smul.u32 $0x9C40, s1  }
0xa: {  	_ =	strace $0x8000004D;
	s7 =	ssub.s32 $0x2, s1;
	s1 =	smul.u32 $0x9C400, s1  }
0xb: {  	s4 =	sor.u32 s14, s4;
	s8 =	sshrl.u32 s7, $0x1;
	s23 =	sshrl.u32 s9, $0x1  }
0xc: {  	s24 =	sshrl.u32 s9, $0x4;
	s26 =	sshrl.u32 s12, $0x2;
	s12 =	simm.s32 $0xB  }
0xd: {  	s6 =	smul.u32 $0x4E2, s4;
	s4 =	sadd.s32 $0x15200, s0;
	s7 =	ssub.s32 s7, s8  }
0xe: {  	s25 =	sadd.s32 s11, s10;
	s1 =	sshrl.u32 s1, $0x4;
	s8 =	sadd.s32 s4, s24  }
0xf: {  	s9 =	sadd.s32 s5, s25;
	s1 =	sadd.s32 s5, s1;
	s11 =	smax.u32 s7, $0x1  }
0x10: {  	s24 =	simm.s32 $0xA;
	s5 =	simm.s32 $0x0;
	s6 =	sadd.s32 s6, s0  }
0x11: {  	[dreg:$0x6] =	wrdreg s8;
	s0 =	sadd.s32 $0x1E440, s0;
	s10 =	sadd.s32 $0x9240, s1  }
0x12: {  	s1 =	sshll.u32 @!p0 s14, $0x6;
	s14 =	sshrl.u32 @p0 s13, $0x3;
	s13 =	simm.s32 $0x4  }
0x13: {  	s22 =	sadd.s32 $0x1600, s6;
	s6 =	sadd.s32 $0xB400, s6;
	[dreg:$0x7] =	wrdreg s0  }
0x14: {  	s0 =	sadd.s32 s26, s2;
	s15 =	sor.u32 @!p0 $0x1C0B, s1;
	[dreg:$0x4] =	wrdreg s22  }
0x15: {  	s26 =	simm.s32 $0x7620;
	s1 =	simm.s32 $0x8;
	[dreg:$0x5] =	wrdreg s6  }
0x16: {  	s6 =	sadd.s32 s23, s2;
	s23 =	simm.s32 $0x6C20;
	s25 =	sshrl.u32 @!p0 s0, $0x3  }
0x17: {  	s0 =	simm.s32 $0x3;
	s22 =	simm.s32 $0x5;
	s16 =	sshrl.u32 @!p0 s6, $0x3  }
.LBB2_1:
0x18: {  	s6 =	rddreg [dreg:$0x4]  }
0x19: {  	[tilespmem:s3], [sflag:$0xB] =	stream.linear.gather [hbm4b:s6+s3], $0x2710, $0x38;
	[tilespmem:$0xCE40] =	vst v63  }
0x1a: {  	_ =	swait.ge [sflag:s12], $0x2710  }
0x1b: {  	[sflag:s12] =	ssyncset.done $0x0  }
0x1c: {  	s7 =	simm.s32 $0x2710;
	s8 =	rddreg [dreg:$0x5];
	[sflag:s12] =	ssyncadd.s32 $0xFFFFD8F0  }
0x1d: {  	[tilespmem:s7], [sflag:$0xB] =	stream.linear.gather [hbm4b:s8+s3], $0x2710, $0x38;
	[tilespmem:$0xCE40] =	vst v63  }
0x1e: {  	_ =	swait.ge [sflag:s12], $0x2710  }
0x1f: {  	[sflag:s12] =	ssyncset.done $0x0  }
0x20: {  	s6 =	simm.s32 @p0 $0x1FCB;
	s7 =	rddreg [dreg:$0x7];
	[sflag:s12] =	ssyncadd.s32 $0xFFFFD8F0  }
0x21: {  	[spmem:s14], [sflag:s6] =	dma.local @p0 [hbm:s7], $0xA00  }
0x22: {  	s6 =	simm.s32 @p0 $0xB  }
0x23: {  	_ =	swait.ge @p0 [sflag:s6], $0xA00  }
0x24: {  	[sflag:s6] =	ssyncset.done @p0 $0x0  }
0x25: {  	[sflag:s6] =	ssyncadd.s32 @p0 $0xFFFFF600;
	s6 =	rddreg [dreg:$0x6]  }
0x26: {  	[spmem:s16], [sflag:s15] =	dma.local @!p0 [hbm:s6], $0x9C0  }
0x27: {  	s6 =	simm.s32 @!p0 $0xB  }
0x28: {  	_ =	swait.ge @!p0 [sflag:s6], $0x9C0  }
0x29: {  	[sflag:s6] =	ssyncset.done @!p0 $0x0  }
0x2a: {  	[sflag:s6] =	ssyncadd.s32 @!p0 $0xFFFFF640  }
0x2b: {  	[bflag:$0x0] =	sbarrier.arrive $0xFFFF  }
0x2c: {  	[tilespmem:s18], [sflag:$0x1] =	stream.indirect.gather [hbm4b:s4+s17], $0x20, s3, s17, $0xb8;
	[tilespmem:$0xCE40] =	vst v63  }
0x2d: {  	_ = 	snop  }
0x2e: {  	[tilespmem:s19], [sflag:$0x2] =	stream.indirect.gather [hbm4b:s4+s17], $0x20, s17, s17, $0xb8;
	[tilespmem:$0xCE40] =	vst v63  }
0x2f: {  	s7 =	simm.s32 $0xA0  }
0x30: {  	[tilespmem:s21], [sflag:$0x3] =	stream.indirect.gather [hbm4b:s4+s17], $0x20, s7, s17, $0xb8;
	[tilespmem:$0xCE40] =	vst v63  }
0x31: {  	s8 =	simm.s32 $0xF0  }
0x32: {  	[tilespmem:s23], [sflag:$0x4] =	stream.indirect.gather [hbm4b:s4+s17], $0x20, s8, s17, $0xb8;
	[tilespmem:$0xCE40] =	vst v63  }
0x33: {  	s7 =	simm.s32 $0x140  }
0x34: {  	[tilespmem:s26], [sflag:$0x5] =	stream.indirect.gather [hbm4b:s4+s17], $0x20, s7, s17, $0xb8;
	[tilespmem:$0xCE40] =	vst v63  }
0x35: {  	_ =	swait.ge [sflag:s28], $0xA00  }
0x36: {  	[sflag:s28] =	ssyncset.done $0x0  }
0x37: {  	s8 =	simm.s32 $0x2710;
	[sflag:s28] =	ssyncadd.s32 $0xFFFFF600  }
0x38: {  	[spmem:s2] =	stream.indirect.scatter.add.bf16 [tilespmem:s18], [sflag:$0x6], $0x20, s8, s17, $0xb8;
	[tilespmem:$0xCE40] =	vst v63  }
0x39: {  	_ =	swait.ge [sflag:s29], $0xA00  }
0x3a: {  	[sflag:s29] =	ssyncset.done $0x0  }
0x3b: {  	s7 =	simm.s32 $0x190;
	[sflag:s29] =	ssyncadd.s32 $0xFFFFF600  }
0x3c: {  	[tilespmem:s18], [sflag:$0x1] =	stream.indirect.gather [hbm4b:s4+s17], $0x20, s7, s17, $0xb8;
	[tilespmem:$0xCE40] =	vst v63  }
0x3d: {  	_ =	swait.ge [sflag:s30], $0xA00  }
0x3e: {  	[sflag:s30] =	ssyncset.done $0x0  }
0x3f: {  	s8 =	simm.s32 $0x2760;
	[sflag:s30] =	ssyncadd.s32 $0xFFFFF600  }
0x40: {  	[spmem:s2] =	stream.indirect.scatter.add.bf16 [tilespmem:s19], [sflag:$0x7], $0x20, s8, s17, $0xb8;
	[tilespmem:$0xCE40] =	vst v63  }
0x41: {  	_ =	swait.ge [sflag:s31], $0xA00  }
0x42: {  	[sflag:s31] =	ssyncset.done $0x0  }
0x43: {  	s7 =	simm.s32 $0x1E0;
	[sflag:s31] =	ssyncadd.s32 $0xFFFFF600  }
0x44: {  	[tilespmem:s19], [sflag:$0x2] =	stream.indirect.gather [hbm4b:s4+s17], $0x20, s7, s17, $0xb8;
	[tilespmem:$0xCE40] =	vst v63  }
0x45: {  	_ =	swait.ge [sflag:s0], $0xA00  }
0x46: {  	[sflag:s0] =	ssyncset.done $0x0  }
0x47: {  	s8 =	simm.s32 $0x27B0;
	[sflag:s0] =	ssyncadd.s32 $0xFFFFF600  }
0x48: {  	[spmem:s2] =	stream.indirect.scatter.add.bf16 [tilespmem:s21], [sflag:$0x8], $0x20, s8, s17, $0xb8;
	[tilespmem:$0xCE40] =	vst v63  }
0x49: {  	_ =	swait.ge [sflag:s1], $0xA00  }
0x4a: {  	[sflag:s1] =	ssyncset.done $0x0  }
0x4b: {  	s7 =	simm.s32 $0x230;
	[sflag:s1] =	ssyncadd.s32 $0xFFFFF600  }
0x4c: {  	[tilespmem:s21], [sflag:$0x3] =	stream.indirect.gather [hbm4b:s4+s17], $0x20, s7, s17, $0xb8;
	[tilespmem:$0xCE40] =	vst v63  }
0x4d: {  	_ =	swait.ge [sflag:s13], $0xA00  }
0x4e: {  	[sflag:s13] =	ssyncset.done $0x0  }
0x4f: {  	s8 =	simm.s32 $0x2800;
	[sflag:s13] =	ssyncadd.s32 $0xFFFFF600  }
0x50: {  	[spmem:s2] =	stream.indirect.scatter.add.bf16 [tilespmem:s23], [sflag:$0x9], $0x20, s8, s17, $0xb8;
	[tilespmem:$0xCE40] =	vst v63  }
0x51: {  	_ =	swait.ge [sflag:s20], $0xA00  }
0x52: {  	[sflag:s20] =	ssyncset.done $0x0  }
0x53: {  	s7 =	simm.s32 $0x280;
	[sflag:s20] =	ssyncadd.s32 $0xFFFFF600  }
0x54: {  	[tilespmem:s23], [sflag:$0x4] =	stream.indirect.gather [hbm4b:s4+s17], $0x20, s7, s17, $0xb8;
	[tilespmem:$0xCE40] =	vst v63  }
0x55: {  	_ =	swait.ge [sflag:s22], $0xA00  }
0x56: {  	[sflag:s22] =	ssyncset.done $0x0  }
0x57: {  	s8 =	simm.s32 $0x2850;
	[sflag:s22] =	ssyncadd.s32 $0xFFFFF600  }
0x58: {  	[spmem:s2] =	stream.indirect.scatter.add.bf16 [tilespmem:s26], [sflag:$0xA], $0x20, s8, s17, $0xb8;
	[tilespmem:$0xCE40] =	vst v63  }
0x59: {  	_ =	swait.ge [sflag:s24], $0xA00  }
0x5a: {  	[sflag:s24] =	ssyncset.done $0x0  }
0x5b: {  	s6 =	simm.s32 $0x640;
	s7 =	simm.s32 $0x2D0;
	[sflag:s24] =	ssyncadd.s32 $0xFFFFF600  }
.LBB2_2:
0x5c: {  	[tilespmem:s26], [sflag:$0x5] =	stream.indirect.gather [hbm4b:s4+s17], $0x20, s7, s17, $0xb8;
	[tilespmem:$0xCE40] =	vst v63  }
0x5d: {  	s7 =	smov.u32 s6  }
0x5e: {  	p1 =	sne.s32 s6, $0x8FC0;
	s6 =	sadd.s32 $0x640, s6;
	_ =	swait.ge [sflag:s28], $0xA00  }
0x5f: {  	s7 =	sshra.s32 s7, $0x2;
	[sflag:s28] =	ssyncset.done $0x0  }
0x60: {  	s8 =	sadd.s32 $0x2710, s7;
	[sflag:s28] =	ssyncadd.s32 $0xFFFFF600  }
0x61: {  	[spmem:s2] =	stream.indirect.scatter.add.bf16 [tilespmem:s18], [sflag:$0x6], $0x20, s8, s17, $0xb8;
	[tilespmem:$0xCE40] =	vst v63  }
0x62: {  	_ =	swait.ge [sflag:s29], $0xA00  }
0x63: {  	[sflag:s29] =	ssyncset.done $0x0  }
0x64: {  	s8 =	sadd.s32 $0x190, s7;
	[sflag:s29] =	ssyncadd.s32 $0xFFFFF600  }
0x65: {  	[tilespmem:s18], [sflag:$0x1] =	stream.indirect.gather [hbm4b:s4+s17], $0x20, s8, s17, $0xb8;
	[tilespmem:$0xCE40] =	vst v63  }
0x66: {  	_ =	swait.ge [sflag:s30], $0xA00  }
0x67: {  	[sflag:s30] =	ssyncset.done $0x0  }
0x68: {  	s8 =	sadd.s32 $0x2760, s7;
	[sflag:s30] =	ssyncadd.s32 $0xFFFFF600  }
0x69: {  	[spmem:s2] =	stream.indirect.scatter.add.bf16 [tilespmem:s19], [sflag:$0x7], $0x20, s8, s17, $0xb8;
	[tilespmem:$0xCE40] =	vst v63  }
0x6a: {  	_ =	swait.ge [sflag:s31], $0xA00  }
0x6b: {  	[sflag:s31] =	ssyncset.done $0x0  }
0x6c: {  	s8 =	sadd.s32 $0x1E0, s7;
	[sflag:s31] =	ssyncadd.s32 $0xFFFFF600  }
0x6d: {  	[tilespmem:s19], [sflag:$0x2] =	stream.indirect.gather [hbm4b:s4+s17], $0x20, s8, s17, $0xb8;
	[tilespmem:$0xCE40] =	vst v63  }
0x6e: {  	_ =	swait.ge [sflag:s0], $0xA00  }
0x6f: {  	[sflag:s0] =	ssyncset.done $0x0  }
0x70: {  	s8 =	sadd.s32 $0x27B0, s7;
	[sflag:s0] =	ssyncadd.s32 $0xFFFFF600  }
0x71: {  	[spmem:s2] =	stream.indirect.scatter.add.bf16 [tilespmem:s21], [sflag:$0x8], $0x20, s8, s17, $0xb8;
	[tilespmem:$0xCE40] =	vst v63  }
0x72: {  	_ =	swait.ge [sflag:s1], $0xA00  }
0x73: {  	[sflag:s1] =	ssyncset.done $0x0  }
0x74: {  	s8 =	sadd.s32 $0x230, s7;
	[sflag:s1] =	ssyncadd.s32 $0xFFFFF600  }
0x75: {  	[tilespmem:s21], [sflag:$0x3] =	stream.indirect.gather [hbm4b:s4+s17], $0x20, s8, s17, $0xb8;
	[tilespmem:$0xCE40] =	vst v63  }
0x76: {  	_ =	swait.ge [sflag:s13], $0xA00  }
0x77: {  	[sflag:s13] =	ssyncset.done $0x0  }
0x78: {  	s8 =	sadd.s32 $0x2800, s7;
	[sflag:s13] =	ssyncadd.s32 $0xFFFFF600  }
0x79: {  	[spmem:s2] =	stream.indirect.scatter.add.bf16 [tilespmem:s23], [sflag:$0x9], $0x20, s8, s17, $0xb8;
	[tilespmem:$0xCE40] =	vst v63  }
0x7a: {  	_ =	swait.ge [sflag:s20], $0xA00  }
0x7b: {  	[sflag:s20] =	ssyncset.done $0x0  }
0x7c: {  	s8 =	sadd.s32 $0x280, s7;
	[sflag:s20] =	ssyncadd.s32 $0xFFFFF600  }
0x7d: {  	[tilespmem:s23], [sflag:$0x4] =	stream.indirect.gather [hbm4b:s4+s17], $0x20, s8, s17, $0xb8;
	[tilespmem:$0xCE40] =	vst v63  }
0x7e: {  	_ =	swait.ge [sflag:s22], $0xA00  }
0x7f: {  	[sflag:s22] =	ssyncset.done $0x0  }
.Ltmp0:
0x80: {  	s8 =	sadd.s32 $0x2850, s7;
	[sflag:s22] =	ssyncadd.s32 $0xFFFFF600;
	(pc) =	sbr.rel @p1 .LBB2_2-.Ltmp0, $4  }
0x81: {  	[spmem:s2] =	stream.indirect.scatter.add.bf16 [tilespmem:s26], [sflag:$0xA], $0x20, s8, s17, $0xb8;
	[tilespmem:$0xCE40] =	vst v63  }
0x82: {  	_ =	swait.ge [sflag:s24], $0xA00  }
0x83: {  	[sflag:s24] =	ssyncset.done $0x0  }
0x84: {  	s7 =	sadd.s32 $0x2D0, s7;
	[sflag:s24] =	ssyncadd.s32 $0xFFFFF600  }
0x85: {  	[tilespmem:s26], [sflag:$0x5] =	stream.indirect.gather [hbm4b:s4+s17], $0x20, s7, s17, $0xb8;
	[tilespmem:$0xCE40] =	vst v63  }
0x86: {  	_ =	swait.ge [sflag:s28], $0xA00  }
0x87: {  	[sflag:s28] =	ssyncset.done $0x0  }
0x88: {  	s6 =	simm.s32 $0x4C90;
	[sflag:s28] =	ssyncadd.s32 $0xFFFFF600  }
0x89: {  	[spmem:s2] =	stream.indirect.scatter.add.bf16 [tilespmem:s18], [sflag:$0x6], $0x20, s6, s17, $0xb8;
	[tilespmem:$0xCE40] =	vst v63  }
0x8a: {  	_ =	swait.ge [sflag:s30], $0xA00  }
0x8b: {  	[sflag:s30] =	ssyncset.done $0x0  }
0x8c: {  	s7 =	simm.s32 $0x4CE0;
	[sflag:s30] =	ssyncadd.s32 $0xFFFFF600  }
0x8d: {  	[spmem:s2] =	stream.indirect.scatter.add.bf16 [tilespmem:s19], [sflag:$0x7], $0x20, s7, s17, $0xb8;
	[tilespmem:$0xCE40] =	vst v63  }
0x8e: {  	_ =	swait.ge [sflag:s0], $0xA00  }
0x8f: {  	[sflag:s0] =	ssyncset.done $0x0  }
0x90: {  	s8 =	simm.s32 $0x4D30;
	[sflag:s0] =	ssyncadd.s32 $0xFFFFF600  }
0x91: {  	[spmem:s2] =	stream.indirect.scatter.add.bf16 [tilespmem:s21], [sflag:$0x8], $0x20, s8, s17, $0xb8;
	[tilespmem:$0xCE40] =	vst v63  }
0x92: {  	_ =	swait.ge [sflag:s13], $0xA00  }
0x93: {  	[sflag:s13] =	ssyncset.done $0x0  }
0x94: {  	s7 =	simm.s32 $0x4D80;
	[sflag:s13] =	ssyncadd.s32 $0xFFFFF600  }
0x95: {  	[spmem:s2] =	stream.indirect.scatter.add.bf16 [tilespmem:s23], [sflag:$0x9], $0x20, s7, s17, $0xb8;
	[tilespmem:$0xCE40] =	vst v63  }
0x96: {  	_ =	swait.ge [sflag:s22], $0xA00  }
0x97: {  	[sflag:s22] =	ssyncset.done $0x0  }
0x98: {  	s8 =	simm.s32 $0x4DD0;
	[sflag:s22] =	ssyncadd.s32 $0xFFFFF600  }
0x99: {  	[spmem:s2] =	stream.indirect.scatter.add.bf16 [tilespmem:s26], [sflag:$0xA], $0x20, s8, s17, $0xb8;
	[tilespmem:$0xCE40] =	vst v63  }
0x9a: {  	_ =	swait.ge [sflag:s29], $0xA00  }
0x9b: {  	[sflag:s29] =	ssyncset.done $0x0  }
0x9c: {  	[sflag:s29] =	ssyncadd.s32 $0xFFFFF600  }
0x9d: {  	_ =	swait.ge [sflag:s31], $0xA00  }
0x9e: {  	[sflag:s31] =	ssyncset.done $0x0  }
0x9f: {  	[sflag:s31] =	ssyncadd.s32 $0xFFFFF600  }
0xa0: {  	_ =	swait.ge [sflag:s1], $0xA00  }
0xa1: {  	[sflag:s1] =	ssyncset.done $0x0  }
0xa2: {  	[sflag:s1] =	ssyncadd.s32 $0xFFFFF600  }
0xa3: {  	_ =	swait.ge [sflag:s20], $0xA00  }
0xa4: {  	[sflag:s20] =	ssyncset.done $0x0  }
0xa5: {  	[sflag:s20] =	ssyncadd.s32 $0xFFFFF600  }
0xa6: {  	_ =	swait.ge [sflag:s24], $0xA00  }
0xa7: {  	[sflag:s24] =	ssyncset.done $0x0  }
0xa8: {  	[sflag:s24] =	ssyncadd.s32 $0xFFFFF600  }
0xa9: {  	s6 =	simm.s32 @p0 $0x1FCB;
	[bflag:$0x0] =	sbarrier.arrive $0xFFFF  }
0xaa: {  	[hbm:s10], [sflag:s6] =	dma.local @p0 [spmem:s14], $0xA00  }
0xab: {  	s6 =	simm.s32 @p0 $0xB  }
0xac: {  	s5 =	sadd.s32 $0x1, s5;
	_ =	swait.ge @p0 [sflag:s6], $0xA00  }
0xad: {  	p1 =	sne.s32 s5, s11;
	[sflag:s6] =	ssyncset.done @p0 $0x0  }
.Ltmp1:
0xae: {  	[sflag:s6] =	ssyncadd.s32 @p0 $0xFFFFF600;
	s6 =	simm.s32 @!p0 $0xB;
	(pc) =	sbr.rel @p1 .LBB2_1-.Ltmp1, $4  }
0xaf: {  	[hbm:s9], [sflag:s15] =	dma.local @!p0 [spmem:s25], $0x9C0  }
0xb0: {  	_ =	swait.ge @!p0 [sflag:s6], $0x9C0  }
0xb1: {  	[sflag:s6] =	ssyncset.done @!p0 $0x0  }
0xb2: {  	[sflag:s6] =	ssyncadd.s32 @!p0 $0xFFFFF640  }
0xb3: {  	_ =	sfence.sel $0x180000  }
0xb4: {  	[bflag:$0x0] =	sbarrier.arrive $0xFFFF  }
0xb5: {  	_ =	strace $0x9000004D  }
0xb6: {  	s0 =	stileid.u32;
	[bflag:$0x2] =	sbarrier.arrive $0xFFFF  }
0xb7: {  	p0 =	sne.s32 s0, $0x0;
	s0 =	rddreg [dreg:$0x3]  }
0xb8: {  	s0 =	sadd.s32 @!p0 $0x100000, s0  }
0xb9: {  	[sflag:s0] =	ssyncadd.tile.s32 @!p0 $0x1;
	_ =	shalt  }
.Lfunc_end2:
_tile_overlayer_lowered:
.L_overlay_start_2:
0xba: {  	(tag) =	ssettag $0x2  }
0xbb: {  	s0 =	rddreg [dreg:$0x0];
	s2 =	stileid.u32  }
0xbc: {  	s1 =	rddreg [dreg:$0x1];
	p0 =	sne.s32 s2, $0x0  }
0xbd: {  	s3 =	rddreg [dreg:$0x2];
	[bflag:$0x3] =	sbarrier.arrive $0xFFFF;
	s2 =	simm.s32 @!p0 $0x1C0B  }
0xbe: {  	[timem:s3], [sflag:s2] =	dma.local @!p0 [hbm:s0], s1  }
0xbf: {  	s0 =	simm.s32 @!p0 $0xB  }
0xc0: {  	_ =	swait.ge @!p0 [sflag:s0], s1  }
0xc1: {  	s1 =	ssub.s32 @!p0 $0x0, s1;
	[sflag:s0] =	ssyncset.done @!p0 $0x0  }
0xc2: {  	[sflag:s0] =	ssyncadd.s32 @!p0 s1  }
0xc3: {  	[bflag:$0x3] =	sbarrier.arrive $0xFFFF  }
0xc4: {  	_ =	shalt  }

// kernel: kernel.8.cloned.1.call-start
scs
__scs_entry_jumppad:
0x0: {  	(pc) =	sbr.rel $0x88, $3  }
0x1: {  	(tag) =	ssettag $0x0;
	lr =	simm.s32 $0x1  }
0x2: {  	[smem:$0x3F9B] =	sst lr;
	_ =	strace $0xD0000000  }
0x3: {  	_ = 	snop  }
0x4: {  	_ = 	snop  }
0x5: {  	_ = 	snop  }
0x6: {  	_ = 	snop  }
0x7: {  	_ = 	snop  }
__scs_overlays_trampoline_lowered:
0x8: {  	[smem:$0x3FAA] =	sst s0  }
0x9: {  	[smem:$0x3FAB] =	sst s1  }
0xa: {  	[smem:$0x3FAC] =	sst s2  }
0xb: {  	[smem:$0x3FAD] =	sst s3  }
0xc: {  	[smem:$0x3FAE] =	sst s4  }
0xd: {  	[smem:$0x3FAF] =	sst s5  }
0xe: {  	[smem:$0x3FB0] =	sst s6  }
0xf: {  	[smem:$0x3FB1] =	sst s7  }
0x10: {  	[smem:$0x3FB2] =	sst s8  }
0x11: {  	[smem:$0x3FB3] =	sst s9;
	s0 =	simm.s32 @!p0 $0x0  }
0x12: {  	s1 =	sld [smem:$0x3F99];
	s0 =	simm.s32 @p0 $0x1  }
0x13: {  	[smem:$0x3FB4] =	sst s0;
	s0 =	simm.s32 @!p1 $0x0  }
0x14: {  	s2 =	sld [smem:$0x3F98];
	s0 =	simm.s32 @p1 $0x1  }
0x15: {  	[smem:$0x3FB5] =	sst s0;
	s0 =	simm.s32 @!p2 $0x0  }
0x16: {  	s3 =	sld [smem:$0x3FDB];
	s0 =	simm.s32 @p2 $0x1  }
0x17: {  	s4 =	simm.s32 $0x1BF5;
	[smem:$0x3FB7] =	sst s0  }
0x18: {  	s0 =	sld [smem:$0x3F9A];
	_ =	swait.ge [sflag:s4], $0x0  }
0x19: {  	s7 =	sld [smem:$0x3F9B]  }
0x1a: {  	s8 =	sadd.s32 $0xFFFFE003, lr  }
0x1b: {  	s9 =	sadd.s32 $0xFFFFFEF7, lr;
	s5 =	simm.s32 $0xFFFFFFFF;
	p2 =	slt.u32 s8, $0xFFFFF086  }
0x1c: {  	p1 =	slt.u32 s9, $0xF7A;
	s5 =	simm.s32 @!p2 $0x0  }
0x1d: {  	s5 =	simm.s32 @p1 $0x1;
	p0 =	seq.s32 s7, s2  }
0x1e: {  	s7 =	smul.u32 @!p0 $0xF7A, s2;
	p2 =	seq.s32 @!p0 s5, $0x0  }
0x1f: {  	s9 =	smul.u32 $0xF7A, s1;
	s8 =	simm.s32 @!p0 $0x1BF5;
	p2 =	por !p2, p0  }
0x20: {  	[sflag:s8] =	ssyncset.s32 @!p0 $0xFFFFF086;
	s6 =	sadd.s32 @!p0 s3, s7;
	s7 =	simm.s32 @!p0 $0x108  }
0x21: {  	s3 =	sadd.s32 s3, s9;
	s6 =	sadd.s32 @!p0 $0x88, s6;
	s7 =	simm.s32 @p2 $0x1082  }
0x22: {  	[simem:s7], [sflag:s8] =	dma.local @!p0 [hbm:s6], $0xF7A  }
0x23: {  	s9 =	sor.u32 $0xD0000000, s2;
	s6 =	simm.s32 $0x108;
	_ =	swait.ge @!p0 [sflag:s8], $0x0  }
0x24: {  	s3 =	sadd.s32 $0x88, s3;
	s6 =	simm.s32 @!p1 $0x1082;
	[sflag:s4] =	ssyncset.s32 $0xFFFFF086  }
0x25: {  	[simem:s6], [sflag:s4] =	dma.local [hbm:s3], $0xF7A  }
0x26: {  	[smem:$0x3F9B] =	sst s1;
	(tag) =	ssettag s2;
	_ =	strace s9  }
0x27: {  	s1 =	sld [smem:$0x3FAB]  }
0x28: {  	s2 =	sld [smem:$0x3FAC]  }
0x29: {  	s4 =	sld [smem:$0x3FAE]  }
0x2a: {  	p0 =	seq.s32 s5, $0x0;
	s5 =	sld [smem:$0x3FAF]  }
0x2b: {  	s6 =	sld [smem:$0x3FB0]  }
0x2c: {  	s7 =	sld [smem:$0x3FB1]  }
0x2d: {  	s3 =	simm.s32 $0x108;
	s8 =	sld [smem:$0x3FB2]  }
0x2e: {  	s3 =	simm.s32 @!p0 $0x1082;
	s9 =	sld [smem:$0x3FB3]  }
0x2f: {  	lr =	sadd.s32 s0, s3;
	s0 =	sld [smem:$0x3FAA]  }
0x30: {  	s3 =	sld [smem:$0x3FAD]  }
0x31: {  	[smem:$0x3FB6] =	sst s10  }
0x32: {  	s10 =	sld [smem:$0x3FB4];
	_ =	sdelay $0x3  }
0x33: {  	p0 =	seq.s32 s10, $0x1;
	s10 =	sld [smem:$0x3FB6];
	_ =	sdelay $0x3  }
0x34: {  	[smem:$0x3FB6] =	sst s10  }
0x35: {  	s10 =	sld [smem:$0x3FB5];
	_ =	sdelay $0x3  }
0x36: {  	p1 =	seq.s32 s10, $0x1;
	s10 =	sld [smem:$0x3FB6];
	_ =	sdelay $0x3  }
0x37: {  	[smem:$0x3FB6] =	sst s10  }
0x38: {  	s10 =	sld [smem:$0x3FB7]  }
0x39: {  	_ = 	snop;
	(pc) =	sbr.ind lr, $3  }
0x3a: {  	_ = 	snop  }
0x3b: {  	_ = 	snop  }
0x3c: {  	p2 =	seq.s32 s10, $0x1;
	s10 =	sld [smem:$0x3FB6]  }
0x3d: {  	_ =	shalt  }
0x3e: {  	_ =	shalt  }
0x3f: {  	_ =	shalt  }
0x40: {  	_ =	shalt  }
0x41: {  	_ =	shalt  }
0x42: {  	_ =	shalt  }
0x43: {  	_ =	shalt  }
0x44: {  	_ =	shalt  }
0x45: {  	_ =	shalt  }
0x46: {  	_ =	shalt  }
0x47: {  	_ =	shalt  }
0x48: {  	_ =	shalt  }
0x49: {  	_ =	shalt  }
0x4a: {  	_ =	shalt  }
0x4b: {  	_ =	shalt  }
0x4c: {  	_ =	shalt  }
0x4d: {  	_ =	shalt  }
0x4e: {  	_ =	shalt  }
0x4f: {  	_ =	shalt  }
0x50: {  	_ =	shalt  }
0x51: {  	_ =	shalt  }
0x52: {  	_ =	shalt  }
0x53: {  	_ =	shalt  }
0x54: {  	_ =	shalt  }
0x55: {  	_ =	shalt  }
0x56: {  	_ =	shalt  }
0x57: {  	_ =	shalt  }
0x58: {  	_ =	shalt  }
0x59: {  	_ =	shalt  }
0x5a: {  	_ =	shalt  }
0x5b: {  	_ =	shalt  }
0x5c: {  	_ =	shalt  }
0x5d: {  	_ =	shalt  }
0x5e: {  	_ =	shalt  }
0x5f: {  	_ =	shalt  }
0x60: {  	_ =	shalt  }
0x61: {  	_ =	shalt  }
0x62: {  	_ =	shalt  }
0x63: {  	_ =	shalt  }
0x64: {  	_ =	shalt  }
0x65: {  	_ =	shalt  }
0x66: {  	_ =	shalt  }
0x67: {  	_ =	shalt  }
0x68: {  	_ =	shalt  }
0x69: {  	_ =	shalt  }
0x6a: {  	_ =	shalt  }
0x6b: {  	_ =	shalt  }
0x6c: {  	_ =	shalt  }
0x6d: {  	_ =	shalt  }
0x6e: {  	_ =	shalt  }
0x6f: {  	_ =	shalt  }
0x70: {  	_ =	shalt  }
0x71: {  	_ =	shalt  }
0x72: {  	_ =	shalt  }
0x73: {  	_ =	shalt  }
0x74: {  	_ =	shalt  }
0x75: {  	_ =	shalt  }
0x76: {  	_ =	shalt  }
0x77: {  	_ =	shalt  }
0x78: {  	_ =	shalt  }
0x79: {  	_ =	shalt  }
0x7a: {  	_ =	shalt  }
0x7b: {  	_ =	shalt  }
0x7c: {  	_ =	shalt  }
0x7d: {  	_ =	shalt  }
0x7e: {  	_ =	shalt  }
0x7f: {  	_ =	shalt  }
0x80: {  	_ =	shalt  }
0x81: {  	_ =	shalt  }
0x82: {  	_ =	shalt  }
0x83: {  	_ =	shalt  }
0x84: {  	_ =	shalt  }
0x85: {  	_ =	shalt  }
0x86: {  	_ =	shalt  }
0x87: {  	_ =	shalt  }
.Lfunc_end0:
.L_simem_size_0:
called_computation_lowered:
.L_overlay_start_0:
0x88: {  	s2 =	sld [smem:$0x3FD9]  }
0x89: {  	s3 =	sld [smem:$0x3FFE];
	_ =	sdelay $0x1  }
0x8a: {  	s1 =	srdreg.scid  }
0x8b: {  	s0 =	sand.u32 $0x1, s1  }
0x8c: {  	s17 =	sshll.u32 s0, $0xA;
	s2 =	sadd.s32 s3, s2  }
0x8d: {  	s2 =	sadd.s32 s2, s17  }
0x8e: {  	[smem:$0x3FC2] =	sst s2  }
0x8f: {  	_ = 	snop  }
0x90: {  	s2 =	sld [smem:$0x3FD0];
	(tm) =	ssettm $0x1  }
0x91: {  	s18 =	sld [smem:$0x3FFB];
	_ =	sdelay $0x3  }
0x92: {  	_ =	strace s18  }
0x93: {  	s3 =	sld [smem:$0x3FFC];
	_ =	sdelay $0x3  }
0x94: {  	_ =	strace s3  }
0x95: {  	s3 =	sld [smem:$0x3FFD];
	_ =	sdelay $0x3  }
0x96: {  	_ =	strace s3  }
0x97: {  	_ =	strace $0x8FFFFFFF  }
0x98: {  	s19 =	sld [smem:$0x3FDB];
	_ =	sdelay $0x1  }
0x99: {  	s4 =	simm.s32 $_scs_section_size  }
0x9a: {  	s5 =	simm.s32 $_size__tile_overlayer_lowered;
	s6 =	simm.s32 $_tile_overlayer_lowered  }
0x9b: {  	s22 =	simm.s32 $0x1BFF;
	s21 =	sshll.u32 s6, $0x1;
	s3 =	sadd.s32 s4, s19  }
0x9c: {  	s7 =	simm.s32 $0x0;
	s20 =	sshll.u32 s5, $0x1;
	s5 =	sadd.s32 s21, s3  }
0x9d: {  	[timem:s7], [sflag:s22] =	dma.local [hbm:s5], s20  }
0x9e: {  	_ =	swait.ge [sflag:s22], s20  }
0x9f: {  	s4 =	ssub.s32 $0x0, s20;
	[sflag:s22] =	ssyncset.done $0x0  }
0xa0: {  	[sflag:s22] =	ssyncadd.s32 s4;
	_ =	sdelay $0x1  }
0xa1: {  	s23 =	simm.s32 $0x1B8B  }
0xa2: {  	_ =	swait.ge [sflag:s23], $0x1  }
0xa3: {  	[sflag:s23] =	ssyncset.done $0x0  }
0xa4: {  	s25 =	simm.s32 $0x1B8E;
	s24 =	sld [smem:$0x3FFE];
	[sflag:s23] =	ssyncadd.s32 $0xFFFFFFFF  }
0xa5: {  	s26 =	simm.s32 $execute0_lowered;
	[smem:$0x3FD2] =	sst s25  }
0xa6: {  	s5 =	sshll.u32 s26, $0x1;
	_ =	strace $0x80000046;
	[dreg:$0x1] =	wrdreg $0xFFFFFFFF  }
0xa7: {  	s28 =	simm.s32 $_size_execute0_lowered;
	s3 =	sadd.s32 s3, s5;
	[dreg:$0x0] =	wrdreg $0x0  }
0xa8: {  	s5 =	sshll.u32 s28, $0x1;
	[dreg:$0x2] =	wrdreg s3  }
0xa9: {  	[dreg:$0x3] =	wrdreg s5  }
0xaa: {  	[dreg:$0x4] =	wrdreg $0xC0  }
0xab: {  	_ =	task [dreg:s7], $0x5FFFF  }
0xac: {  	[dreg:$0x1] =	wrdreg $0xFFFFFFFF  }
0xad: {  	[dreg:$0x0] =	wrdreg $0x60  }
0xae: {  	[dreg:$0x2] =	wrdreg s24  }
0xaf: {  	[dreg:$0x3] =	wrdreg s2  }
0xb0: {  	[dreg:$0x4] =	wrdreg $0x28500  }
0xb1: {  	[dreg:$0x5] =	wrdreg $0x9  }
0xb2: {  	_ =	task.clear_ibuf [dreg:s7], $0x6FFFF;
	_ =	strace $0x90000046  }
0xb3: {  	s29 =	simm.s32 $0x9;
	_ =	strace $0x80000048  }
0xb4: {  	_ =	swait.ge [sflag:s29], $0x1  }
0xb5: {  	[sflag:s29] =	ssyncadd.s32 $0xFFFFFFFF  }
0xb6: {  	_ =	strace $0x90000048  }
0xb7: {  	_ =	sfence  }
0xb8: {  	s30 =	sld [smem:$0x0];
	_ =	sdelay $0x2  }
0xb9: {  	s31 =	sshll.u32 s1, $0xD;
	s1 =	sshrl.u32 s1, $0x2  }
0xba: {  	s3 =	sand.u32 $0x4000, s31;
	s1 =	sadd.s32 s1, s30  }
0xbb: {  	s0 =	sor.u32 s3, s0;
	s1 =	sshll.u32 s1, $0x11  }
0xbc: {  	s0 =	sor.u32 s1, s0  }
0xbd: {  	s0 =	sadd.s32 $0x8F2B, s0  }
0xbe: {  	[sflag:s0] =	ssyncadd.remote.s32 $0x1  }
0xbf: {  	_ =	sfence.sel $0xFFFF  }
0xc0: {  	[dreg:$0x0] =	wrdreg $0xFFFFFFFF;
	(pc) =	sbr.abs _section_cstart, $3  }
0xc1: {  	[dreg:$0x1] =	wrdreg $0xFFFFFFFF  }
0xc2: {  	_ =	task.clear_ibuf [dreg:s7], $0x2FFFF;
	_ =	strace $0x9FFFFFFF  }
0xc3: {  	(tm) =	ssettm $0x7FFFFFFF  }
tec
execute0_lowered:
.L_overlay_start_1:
0x0: {  	(tag) =	ssettag $0x1  }
0x1: {  	s7 =	rddreg [dreg:$0x0]  }
0x2: {  	s0 =	srdreg.scid;
	s9 =	rddreg [dreg:$0x1]  }
0x3: {  	s2 =	rddreg [dreg:$0x2];
	s1 =	stileid.u32;
	s3 =	simm.s32 $0x0  }
0x4: {  	s17 =	simm.s32 $0x1;
	s19 =	simm.s32 $0x0;
	s6 =	smul.u32 $0x1380, s1  }
0x5: {  	s8 =	sand.u32 $0x1, s0;
	s0 =	rddreg [dreg:$0x3];
	s13 =	smul.u32 $0x270, s1  }
0x6: {  	[smem:$0x7FF] =	sst s3;
	s14 =	smul.u32 $0x4E00, s1;
	s16 =	sadd.s32 $0x12480, s2  }
0x7: {  	p0 =	seq.s32 s1, $0xF;
	s4 =	sshll.u32 s8, $0x4;
	s12 =	smul.u32 $0x2710, s8  }
0x8: {  	_ =	strace $0x80000047;
	s5 =	ssub.s32 $0x2, s8;
	s29 =	smul.u32 $0x13880, s8  }
0x9: {  	s4 =	sor.u32 s1, s4;
	s11 =	sshrl.u32 s5, $0x1;
	s28 =	sshrl.u32 s6, $0x3  }
0xa: {  	s15 =	sadd.s32 s6, s2;
	s30 =	sadd.s32 s9, s13;
	s31 =	sshrl.u32 s14, $0x2  }
0xb: {  	s13 =	sshll.u32 @!p0 s1, $0x6;
	s4 =	smul.u32 $0x4E2, s4;
	s11 =	ssub.s32 s5, s11  }
0xc: {  	s8 =	sadd.s32 s12, s30;
	s18 =	sadd.s32 s31, s2;
	s12 =	sshrl.u32 @p0 s16, $0x3  }
0xd: {  	s13 =	sor.u32 @!p0 $0x1C02, s13;
	s14 =	sshrl.u32 @!p0 s15, $0x3;
	s15 =	simm.s32 $0x2710  }
0xe: {  	s16 =	simm.s32 $0x28;
	s18 =	sshrl.u32 @!p0 s18, $0x3;
	s10 =	sadd.s32 s4, s7  }
0xf: {  	s4 =	sadd.s32 $0x15200, s7;
	s5 =	sadd.s32 $0xB400, s10;
	s10 =	sshrl.u32 s29, $0x3  }
0x10: {  	s7 =	sadd.s32 $0x17690, s7;
	s6 =	sadd.s32 s4, s28;
	s9 =	sadd.s32 s9, s10  }
0x11: {  	s10 =	smax.u32 s11, $0x1;
	s11 =	simm.s32 $0x2;
	s9 =	sadd.s32 $0x2490, s9  }
.LBB2_1:
0x12: {  	[tilespmem:s3], [sflag:$0x2] =	stream.linear.gather [hbm4b:s5+s3], $0x2710, $0x38;
	[tilespmem:$0x3BD8] =	vst v63  }
0x13: {  	_ =	swait.ge [sflag:s11], $0x2710  }
0x14: {  	[sflag:s11] =	ssyncset.done $0x0  }
0x15: {  	s20 =	simm.s32 @p0 $0x1FC2;
	[sflag:s11] =	ssyncadd.s32 $0xFFFFD8F0  }
0x16: {  	[spmem:s12], [sflag:s20] =	dma.local @p0 [hbm:s7], $0x280  }
0x17: {  	s20 =	simm.s32 @p0 $0x2  }
0x18: {  	_ =	swait.ge @p0 [sflag:s20], $0x280  }
0x19: {  	[sflag:s20] =	ssyncset.done @p0 $0x0  }
0x1a: {  	[sflag:s20] =	ssyncadd.s32 @p0 $0xFFFFFD80;
	s20 =	simm.s32 @!p0 $0x2  }
0x1b: {  	[spmem:s14], [sflag:s13] =	dma.local @!p0 [hbm:s6], $0x270  }
0x1c: {  	_ =	swait.ge @!p0 [sflag:s20], $0x270  }
0x1d: {  	[sflag:s20] =	ssyncset.done @!p0 $0x0  }
0x1e: {  	[sflag:s20] =	ssyncadd.s32 @!p0 $0xFFFFFD90  }
0x1f: {  	[tilespmem:s15], [sflag:$0x2] =	stream.linear.gather [hbm4b:s4+s3], $0x140, $0x38;
	[tilespmem:$0x3BD8] =	vst v63  }
0x20: {  	_ =	swait.ge [sflag:s11], $0x140  }
0x21: {  	[sflag:s11] =	ssyncset.done $0x0  }
0x22: {  	[sflag:s11] =	ssyncadd.s32 $0xFFFFFEC0  }
0x23: {  	s26 =	simm.s32 $0x0;
	[bflag:$0x0] =	sbarrier.arrive $0xFFFF  }
0x24: {  	[spmem:s2] =	stream.indirect.scatter.add.f32 [tilespmem:s15], [sflag:$0x1], $0x8, s26, s16, $0xb8;
	[tilespmem:$0x3BD8] =	vst v63  }
0x25: {  	s28 =	simm.s32 $0x28  }
0x26: {  	[spmem:s2] =	stream.indirect.scatter.add.f32 [tilespmem:s15], [sflag:$0x1], $0x8, s28, s16, $0xb8;
	[tilespmem:$0x3BD8] =	vst v63  }
0x27: {  	s29 =	simm.s32 $0x50  }
0x28: {  	[spmem:s2] =	stream.indirect.scatter.add.f32 [tilespmem:s15], [sflag:$0x1], $0x8, s29, s16, $0xb8;
	[tilespmem:$0x3BD8] =	vst v63  }
0x29: {  	s30 =	simm.s32 $0x78  }
0x2a: {  	[spmem:s2] =	stream.indirect.scatter.add.f32 [tilespmem:s15], [sflag:$0x1], $0x8, s30, s16, $0xb8;
	[tilespmem:$0x3BD8] =	vst v63  }
0x2b: {  	s31 =	simm.s32 $0xA0  }
0x2c: {  	[spmem:s2] =	stream.indirect.scatter.add.f32 [tilespmem:s15], [sflag:$0x1], $0x8, s31, s16, $0xb8;
	[tilespmem:$0x3BD8] =	vst v63  }
0x2d: {  	_ =	swait.ge [sflag:s17], $0x140  }
0x2e: {  	[sflag:s17] =	ssyncset.done $0x0  }
0x2f: {  	[sflag:s17] =	ssyncadd.s32 $0xFFFFFEC0  }
0x30: {  	_ =	swait.ge [sflag:s17], $0x140  }
0x31: {  	[sflag:s17] =	ssyncset.done $0x0  }
0x32: {  	[sflag:s17] =	ssyncadd.s32 $0xFFFFFEC0  }
0x33: {  	_ =	swait.ge [sflag:s17], $0x140  }
0x34: {  	[sflag:s17] =	ssyncset.done $0x0  }
0x35: {  	[sflag:s17] =	ssyncadd.s32 $0xFFFFFEC0  }
0x36: {  	_ =	swait.ge [sflag:s17], $0x140  }
0x37: {  	[sflag:s17] =	ssyncset.done $0x0  }
0x38: {  	[sflag:s17] =	ssyncadd.s32 $0xFFFFFEC0  }
0x39: {  	_ =	swait.ge [sflag:s17], $0x140  }
0x3a: {  	s21 =	simm.s32 $0x640;
	s20 =	simm.s32 $0x320;
	[sflag:s17] =	ssyncset.done $0x0  }
.LBB2_2:
0x3b: {  	s22 =	sshra.s32 s20, $0x2  }
0x3c: {  	[sflag:s17] =	ssyncadd.s32 $0xFFFFFEC0;
	s20 =	smov.u32 s21;
	s23 =	sadd.s32 $0x320, s21  }
0x3d: {  	[spmem:s2] =	stream.indirect.scatter.add.f32 [tilespmem:s15], [sflag:$0x1], $0x8, s22, s16, $0xb8;
	[tilespmem:$0x3BD8] =	vst v63  }
0x3e: {  	p1 =	sne.s32 s21, $0x9920;
	s21 =	sadd.s32 $0x28, s22  }
0x3f: {  	[spmem:s2] =	stream.indirect.scatter.add.f32 [tilespmem:s15], [sflag:$0x1], $0x8, s21, s16, $0xb8;
	[tilespmem:$0x3BD8] =	vst v63  }
0x40: {  	s21 =	sadd.s32 $0x50, s22  }
0x41: {  	[spmem:s2] =	stream.indirect.scatter.add.f32 [tilespmem:s15], [sflag:$0x1], $0x8, s21, s16, $0xb8;
	[tilespmem:$0x3BD8] =	vst v63  }
0x42: {  	s21 =	sadd.s32 $0x78, s22  }
0x43: {  	[spmem:s2] =	stream.indirect.scatter.add.f32 [tilespmem:s15], [sflag:$0x1], $0x8, s21, s16, $0xb8;
	[tilespmem:$0x3BD8] =	vst v63  }
0x44: {  	s21 =	sadd.s32 $0xA0, s22  }
0x45: {  	[spmem:s2] =	stream.indirect.scatter.add.f32 [tilespmem:s15], [sflag:$0x1], $0x8, s21, s16, $0xb8;
	[tilespmem:$0x3BD8] =	vst v63  }
0x46: {  	_ =	swait.ge [sflag:s17], $0x140  }
0x47: {  	[sflag:s17] =	ssyncset.done $0x0  }
0x48: {  	[sflag:s17] =	ssyncadd.s32 $0xFFFFFEC0  }
0x49: {  	_ =	swait.ge [sflag:s17], $0x140  }
0x4a: {  	[sflag:s17] =	ssyncset.done $0x0  }
0x4b: {  	[sflag:s17] =	ssyncadd.s32 $0xFFFFFEC0  }
0x4c: {  	_ =	swait.ge [sflag:s17], $0x140  }
0x4d: {  	[sflag:s17] =	ssyncset.done $0x0  }
0x4e: {  	[sflag:s17] =	ssyncadd.s32 $0xFFFFFEC0  }
.Ltmp0:
0x4f: {  	_ =	swait.ge [sflag:s17], $0x140;
	(pc) =	sbr.rel @p1 .LBB2_2-.Ltmp0, $4  }
0x50: {  	[sflag:s17] =	ssyncset.done $0x0  }
0x51: {  	[sflag:s17] =	ssyncadd.s32 $0xFFFFFEC0  }
0x52: {  	_ =	swait.ge [sflag:s17], $0x140  }
0x53: {  	s21 =	smov.u32 s23;
	[sflag:s17] =	ssyncset.done $0x0  }
0x54: {  	s20 =	sshra.s32 s20, $0x2;
	[sflag:s17] =	ssyncadd.s32 $0xFFFFFEC0  }
0x55: {  	[spmem:s2] =	stream.indirect.scatter.add.f32 [tilespmem:s15], [sflag:$0x1], $0x8, s20, s16, $0xb8;
	[tilespmem:$0x3BD8] =	vst v63  }
0x56: {  	s21 =	sadd.s32 $0x28, s20  }
0x57: {  	[spmem:s2] =	stream.indirect.scatter.add.f32 [tilespmem:s15], [sflag:$0x1], $0x8, s21, s16, $0xb8;
	[tilespmem:$0x3BD8] =	vst v63  }
0x58: {  	s30 =	sadd.s32 $0x50, s20  }
0x59: {  	[spmem:s2] =	stream.indirect.scatter.add.f32 [tilespmem:s15], [sflag:$0x1], $0x8, s30, s16, $0xb8;
	[tilespmem:$0x3BD8] =	vst v63  }
0x5a: {  	s31 =	sadd.s32 $0x78, s20  }
0x5b: {  	[spmem:s2] =	stream.indirect.scatter.add.f32 [tilespmem:s15], [sflag:$0x1], $0x8, s31, s16, $0xb8;
	[tilespmem:$0x3BD8] =	vst v63  }
0x5c: {  	s20 =	sadd.s32 $0xA0, s20  }
0x5d: {  	[spmem:s2] =	stream.indirect.scatter.add.f32 [tilespmem:s15], [sflag:$0x1], $0x8, s20, s16, $0xb8;
	[tilespmem:$0x3BD8] =	vst v63  }
0x5e: {  	_ =	swait.ge [sflag:s17], $0x140  }
0x5f: {  	[sflag:s17] =	ssyncset.done $0x0  }
0x60: {  	[sflag:s17] =	ssyncadd.s32 $0xFFFFFEC0  }
0x61: {  	_ =	swait.ge [sflag:s17], $0x140  }
0x62: {  	[sflag:s17] =	ssyncset.done $0x0  }
0x63: {  	[sflag:s17] =	ssyncadd.s32 $0xFFFFFEC0  }
0x64: {  	_ =	swait.ge [sflag:s17], $0x140  }
0x65: {  	[sflag:s17] =	ssyncset.done $0x0  }
0x66: {  	[sflag:s17] =	ssyncadd.s32 $0xFFFFFEC0  }
0x67: {  	_ =	swait.ge [sflag:s17], $0x140  }
0x68: {  	[sflag:s17] =	ssyncset.done $0x0  }
0x69: {  	[sflag:s17] =	ssyncadd.s32 $0xFFFFFEC0  }
0x6a: {  	_ =	swait.ge [sflag:s17], $0x140  }
0x6b: {  	[sflag:s17] =	ssyncset.done $0x0  }
0x6c: {  	[sflag:s17] =	ssyncadd.s32 $0xFFFFFEC0  }
0x6d: {  	s20 =	simm.s32 @p0 $0x1FC2;
	[bflag:$0x0] =	sbarrier.arrive $0xFFFF  }
0x6e: {  	[hbm:s9], [sflag:s20] =	dma.local @p0 [spmem:s12], $0x280  }
0x6f: {  	s20 =	simm.s32 @p0 $0x2  }
0x70: {  	s19 =	sadd.s32 $0x1, s19;
	_ =	swait.ge @p0 [sflag:s20], $0x280  }
0x71: {  	p1 =	sne.s32 s19, s10;
	[sflag:s20] =	ssyncset.done @p0 $0x0  }
.Ltmp1:
0x72: {  	[sflag:s20] =	ssyncadd.s32 @p0 $0xFFFFFD80;
	s20 =	simm.s32 @!p0 $0x2;
	(pc) =	sbr.rel @p1 .LBB2_1-.Ltmp1, $4  }
0x73: {  	[hbm:s8], [sflag:s13] =	dma.local @!p0 [spmem:s18], $0x270  }
0x74: {  	_ =	swait.ge @!p0 [sflag:s20], $0x270  }
0x75: {  	[sflag:s20] =	ssyncset.done @!p0 $0x0  }
0x76: {  	[sflag:s20] =	ssyncadd.s32 @!p0 $0xFFFFFD90  }
0x77: {  	_ =	sfence.sel $0x180000  }
0x78: {  	[bflag:$0x0] =	sbarrier.arrive $0xFFFF  }
0x79: {  	p0 =	sne.s32 s1, $0x0;
	_ =	strace $0x90000047  }
0x7a: {  	s0 =	sadd.s32 @!p0 $0x100000, s0;
	[bflag:$0x2] =	sbarrier.arrive $0xFFFF  }
0x7b: {  	[sflag:s0] =	ssyncadd.tile.s32 @!p0 $0x1;
	_ =	shalt  }
.Lfunc_end2:
_tile_overlayer_lowered:
.L_overlay_start_2:
0x7c: {  	(tag) =	ssettag $0x2  }
0x7d: {  	s0 =	rddreg [dreg:$0x0];
	s2 =	stileid.u32  }
0x7e: {  	s1 =	rddreg [dreg:$0x1];
	p0 =	sne.s32 s2, $0x0  }
0x7f: {  	s3 =	rddreg [dreg:$0x2];
	[bflag:$0x3] =	sbarrier.arrive $0xFFFF;
	s2 =	simm.s32 @!p0 $0x1C02  }
0x80: {  	[timem:s3], [sflag:s2] =	dma.local @!p0 [hbm:s0], s1  }
0x81: {  	s0 =	simm.s32 @!p0 $0x2  }
0x82: {  	_ =	swait.ge @!p0 [sflag:s0], s1  }
0x83: {  	s1 =	ssub.s32 @!p0 $0x0, s1;
	[sflag:s0] =	ssyncset.done @!p0 $0x0  }
0x84: {  	[sflag:s0] =	ssyncadd.s32 @!p0 s1  }
0x85: {  	[bflag:$0x3] =	sbarrier.arrive $0xFFFF  }
0x86: {  	_ =	shalt  }

</sc_bundles>
